<compile_context>
chip_gen: v7x
topology: tpu7x:2x2x1
jax: 0.10.2.dev20260603
libtpu: 0.0.44.dev20260713+nightly
codegen_flags: <defaults>
</compile_context>

<pallas_src>
import functools

import jax
import jax.numpy as jnp
from jax import lax
from jax.experimental import pallas as pl
from jax.experimental.pallas import tpu as pltpu
from jax.experimental.pallas import tpu_sc as plsc

_V = 100000
_D = 128
_K = 5
_N = 500000
_NC = 2
_NS = 16
_W = _NC * _NS
_BW = _N // _W
_C = 64
_NCH = 246
_BWP = _NCH * _C
_R = _K + 2

_GDN = lax.GatherDimensionNumbers(
    offset_dims=(), collapsed_slice_dims=(0,), start_index_map=(0,))


def _perm(a, p):
    return lax.gather(a, p[:, None], _GDN, (1,),
                      mode=lax.GatherScatterMode.PROMISE_IN_BOUNDS)
_IC = _R * _C
_OC = 6 * _C


def _sc_dots(embs, idxs):
    mesh = plsc.VectorSubcoreMesh(core_axis_name="c", subcore_axis_name="s")

    @functools.partial(
        pl.kernel,
        out_type=jax.ShapeDtypeStruct((_W * _NCH * _OC,), jnp.float32),
        mesh=mesh,
        compiler_params=pltpu.CompilerParams(needs_layout_passes=False),
        scratch_types=[
            pltpu.VMEM((_IC,), jnp.int32),
            pltpu.VMEM((_IC,), jnp.int32),
            pltpu.VMEM((_IC, _D), jnp.float32),
            pltpu.VMEM((_IC, _D), jnp.float32),
            pltpu.VMEM((_OC,), jnp.float32),
            pltpu.VMEM((_OC,), jnp.float32),
            pltpu.SemaphoreType.DMA,
            pltpu.SemaphoreType.DMA,
            pltpu.SemaphoreType.DMA,
            pltpu.SemaphoreType.DMA,
            pltpu.SemaphoreType.DMA,
        ],
    )
    def body(embs_hbm, idx_hbm, out_hbm, idx_v0, idx_v1, rows_v0, rows_v1,
             out_v0, out_v1, sg0, sg1, si0, si1, so):
        sg = (sg0, sg1)
        si = (si0, si1)
        idxs_v = (idx_v0, idx_v1)
        rows = (rows_v0, rows_v1)
        outs = (out_v0, out_v1)
        wid = lax.axis_index("s") * _NC + lax.axis_index("c")
        ibase = pl.multiple_of(wid * (_NCH + 1) * _IC, 8)
        obase = pl.multiple_of(wid * _NCH * _OC, 8)

        def fire_idx(c, b):
            src = pl.multiple_of(ibase + c * _IC, 8)
            pltpu.async_copy(idx_hbm.at[pl.ds(src, _IC)], idxs_v[b], si[b])

        def wait_idx(b):
            pltpu.make_async_copy(idx_hbm.at[pl.ds(0, _IC)],
                                  idxs_v[b], si[b]).wait()

        def fire_gathers(b):
            for r in range(_R):
                pltpu.async_copy(
                    embs_hbm.at[idxs_v[b].at[pl.ds(r * _C, _C)]],
                    rows[b].at[pl.ds(r * _C, _C)], sg[b])

        def wait_gathers(b):
            pltpu.make_async_copy(embs_hbm.at[pl.ds(0, _IC)],
                                  rows[b], sg[b]).wait()

        def wait_out():
            pltpu.make_async_copy(outs[0],
                                  out_hbm.at[pl.ds(0, _OC)], so).wait()

        def compute(c, b):
            lane = lax.iota(jnp.int32, 16)
            lane0 = lane == 0
            perms = [(lane + r) & 15 for r in (8, 4, 2, 1)]

            def edge(e, carry):
                eu = [rows[b][e, pl.ds(16 * j, 16)] for j in range(8)]
                accs = [eu[0] * rows[b][(1 + s) * _C + e, pl.ds(0, 16)]
                        for s in range(6)]
                for j in range(1, 8):
                    for s in range(6):
                        accs[s] = accs[s] + eu[j] * rows[b][
                            (1 + s) * _C + e, pl.ds(16 * j, 16)]
                for s in range(6):
                    a = accs[s]
                    for p in perms:
                        a = a + _perm(a, p)
                    plsc.store_scatter(
                        outs[b], [jnp.broadcast_to(s * _C + e, (16,))], a,
                        mask=lane0)
                return carry

            lax.fori_loop(0, _C, edge, 0, unroll=2)
            dst = pl.multiple_of(obase + c * _OC, 8)
            pltpu.async_copy(outs[b], out_hbm.at[pl.ds(dst, _OC)], so)

        fire_idx(0, 0)
        wait_idx(0)
        fire_gathers(0)
        fire_idx(1, 1)

        def pair(p, carry):
            for h in (0, 1):
                c = 2 * p + h
                b = h
                wait_gathers(b)

                @pl.when(c < _NCH - 1)
                def _():
                    wait_idx(b ^ 1)
                    fire_gathers(b ^ 1)

                @pl.when(c < _NCH - 2)
                def _():
                    fire_idx(c + 2, b)

                @pl.when(p >= 1)
                def _():
                    wait_out()

                compute(c, b)
            return carry

        lax.fori_loop(0, _NCH // 2, pair, 0)
        wait_out()
        wait_out()

    return body(embs, idxs)


def _tc_loss(dots):

    def body(d_ref, o_ref):
        i = pl.program_id(0)

        @pl.when(i == 0)
        def _():
            o_ref[0, 0] = 0.0

        x = d_ref[0]
        ci = lax.broadcasted_iota(jnp.int32, x.shape, 0)
        li = lax.broadcasted_iota(jnp.int32, x.shape, 1)
        x = jnp.where(li < _C, x, -x)
        t = jnp.exp(-jnp.abs(x))
        s = jnp.where(x >= 0, 1.0 / (1.0 + t), t / (1.0 + t))
        ls = jnp.log(s)
        valid = ci * _C + (li % _C) < _BW
        o_ref[0, 0] += jnp.sum(jnp.where(valid, ls, 0.0)) * (-1.0 / _N)

    return pl.pallas_call(
        body,
        grid=(_W,),
        in_specs=[pl.BlockSpec((1, _NCH, 6 * _C), lambda i: (i, 0, 0))],
        out_shape=jax.ShapeDtypeStruct((1, 1), jnp.float32),
        out_specs=pl.BlockSpec(memory_space=pltpu.SMEM),
    )(dots)


def kernel(input, embs):
    u = input[0]
    v = input[1]
    negs = jax.random.randint(jax.random.key(42), (_N, _K), 0, _V)
    pad = _BWP - _BW
    up = jnp.pad(u.reshape(_W, _BW), ((0, 0), (0, pad)))
    vp = jnp.pad(v.reshape(_W, _BW), ((0, 0), (0, pad)))
    negsp = jnp.pad(negs.T.reshape(_K, _W, _BW), ((0, 0), (0, 0), (0, pad)))
    blocks = jnp.concatenate(
        [up.reshape(_W, 1, _NCH, _C), vp.reshape(_W, 1, _NCH, _C),
         negsp.reshape(_K, _W, _NCH, _C).transpose(1, 0, 2, 3)], axis=1)
    blocks = blocks.transpose(0, 2, 1, 3)
    blocks = jnp.pad(blocks, ((0, 0), (0, 1), (0, 0), (0, 0)))
    dots = _sc_dots(embs, blocks.reshape(-1))
    return _tc_loss(dots.reshape(_W, _NCH, 6 * _C))[0, 0]

# --- scband reference (transcript-rebuilt; emitter-appended) ---
"""Pipeline reference for scband-neg-loss-43843026157952 (READ-ONLY COPY).

The authoritative reference and input builder live on the scoring server;
editing this copy changes nothing except your own understanding.
"""

import jax, jax.numpy as jnp
import numpy as np

NUM_NODES = 100000
NUM_SAMPLED = 5
N_EDGES = 500000
D = 128

def setup_inputs(seed: int = 0) -> dict:
    key = jax.random.key(seed)
    k1, k2 = jax.random.split(key)
    input_pairs = jax.random.randint(k1, (2, N_EDGES), 0, NUM_NODES, dtype=jnp.int64 if jax.config.jax_enable_x64 else jnp.int32)
    embs = jax.random.normal(k2, (NUM_NODES, D), dtype=jnp.float32)
    return {"input": input_pairs, "embs": embs}

def reference(input, embs):
    u = input[0]
    v = input[1]
    n = u.shape[0]
    # positive term: log sigmoid of dot(embs[u], embs[v])
    eu = jnp.take(embs, u, axis=0)          # [n, d] gather
    ev = jnp.take(embs, v, axis=0)          # [n, d] gather
    log_target = jnp.log(jax.nn.sigmoid(jnp.sum(eu * ev, axis=1)))
    # negative sampling: torch.multinomial over uniform weights (degree=None)
    # == uniform categorical over num_nodes with replacement
    negs = jax.random.randint(jax.random.key(42), (n, NUM_SAMPLED), 0, NUM_NODES)
    noise = -jnp.take(embs, negs.reshape(-1), axis=0).reshape(n, NUM_SAMPLED, D)  # [n, k, d] gather
    # bmm(noise, eu.unsqueeze(2)) -> [n, k, 1]; squeeze after sum over k
    dots = jnp.einsum('nkd,nd->nk', noise, eu)
    sum_log_sampled = jnp.sum(jnp.log(jax.nn.sigmoid(dots)), axis=1)
    loss = log_target + sum_log_sampled
    return -jnp.sum(loss) / n

if __name__ == "__main__":
    import jax
    _d = setup_inputs()
    print(jax.jit(kernel)(*tuple(_d.values())))

</pallas_src>

<mosaic_0001>
#map = affine_map<(d0, d1) -> (0, 0)>
#map1 = affine_map<(d0, d1) -> (0)>
module attributes {stable_mosaic.version = 14 : i64} {
  func.func @body(%arg0: i32, %arg1: i32, %arg2: memref<100000x128xf32, #tpu.memory_space<hbm>>, %arg3: memref<3540992xi32, #tpu.memory_space<hbm>>, %arg4: memref<3022848xf32, #tpu.memory_space<hbm>>, %arg5: memref<448xi32, #tpu.memory_space<vmem>>, %arg6: memref<448xi32, #tpu.memory_space<vmem>>, %arg7: memref<448x128xf32, #tpu.memory_space<vmem>>, %arg8: memref<448x128xf32, #tpu.memory_space<vmem>>, %arg9: memref<384xf32, #tpu.memory_space<vmem>>, %arg10: memref<384xf32, #tpu.memory_space<vmem>>, %arg11: memref<!tpu.dma_semaphore, #tpu.memory_space<semaphore_mem>>, %arg12: memref<!tpu.dma_semaphore, #tpu.memory_space<semaphore_mem>>, %arg13: memref<!tpu.dma_semaphore, #tpu.memory_space<semaphore_mem>>, %arg14: memref<!tpu.dma_semaphore, #tpu.memory_space<semaphore_mem>>, %arg15: memref<!tpu.dma_semaphore, #tpu.memory_space<semaphore_mem>>) attributes {dimension_semantics = [#tpu.dimension_semantics<core_parallel>, #tpu.dimension_semantics<subcore_parallel>], iteration_bounds = array<i64: 2, 16>, scalar_prefetch = 0 : i64, scratch_operands = 11 : i64, tpu.core_type = #tpu.core_type<sc_vector_subcore>, window_params = [{transform_indices = #map}, {transform_indices = #map1}, {transform_indices = #map1}]} {
    %mul3A = arith.constant 2 : i32
    %mul3A_0 = arith.muli %arg1, %mul3A : i32
    %add3A = arith.addi %mul3A_0, %arg0 : i32
    %mul3A_1 = arith.constant 247 : i32
    %mul3A_2 = arith.muli %add3A, %mul3A_1 : i32
    %mul3A_3 = arith.constant 448 : i32
    %mul3A_4 = arith.muli %mul3A_2, %mul3A_3 : i32
    %multiple_of3A = tpu.assume_multiple %mul3A_4, 8 : i32
    %mul3A_5 = arith.constant 246 : i32
    %mul3A_6 = arith.muli %add3A, %mul3A_5 : i32
    %mul3A_7 = arith.constant 384 : i32
    %mul3A_8 = arith.muli %mul3A_6, %mul3A_7 : i32
    %multiple_of3A_9 = tpu.assume_multiple %mul3A_8, 8 : i32
    %add3A_10 = arith.constant 0 : i32
    %add3A_11 = arith.addi %multiple_of3A, %add3A_10 : i32
    %multiple_of3A_12 = tpu.assume_multiple %add3A_11, 8 : i32
    %dma_start3A = tpu.memref_slice %arg3[%multiple_of3A_12] : memref<3540992xi32, #tpu.memory_space<hbm>> -> memref<448xi32, #tpu.memory_space<hbm>>
    %dma_start3A_13 = tpu.memref_slice %arg3[%multiple_of3A_12] : memref<3540992xi32, #tpu.memory_space<hbm>> -> memref<448xi32, #tpu.memory_space<hbm>>
    tpu.enqueue_dma source(%dma_start3A_13 : memref<448xi32, #tpu.memory_space<hbm>>) target(%arg5 : memref<448xi32, #tpu.memory_space<vmem>>) target_semaphore(%arg13 : memref<!tpu.dma_semaphore, #tpu.memory_space<semaphore_mem>>)
    %dma_wait3A = arith.constant 0 : i32
    %dma_wait3A_14 = tpu.memref_slice %arg3[%dma_wait3A] : memref<3540992xi32, #tpu.memory_space<hbm>> -> memref<448xi32, #tpu.memory_space<hbm>>
    %dma_wait3A_15 = arith.constant 0 : i32
    %dma_wait3A_16 = tpu.memref_slice %arg3[%dma_wait3A_15] : memref<3540992xi32, #tpu.memory_space<hbm>> -> memref<448xi32, #tpu.memory_space<hbm>>
    tpu.wait_dma2 semaphore(%arg13 : memref<!tpu.dma_semaphore, #tpu.memory_space<semaphore_mem>>) src(%dma_wait3A_16 : memref<448xi32, #tpu.memory_space<hbm>>) dst(%arg5 : memref<448xi32, #tpu.memory_space<vmem>>)
    %dma_start3A_17 = arith.constant 0 : i32
    %dma_start3A_18 = arith.constant 0 : i32
    %dma_start3A_19 = tpu.memref_slice %arg7[%dma_start3A_17, %dma_start3A_18] : memref<448x128xf32, #tpu.memory_space<vmem>> -> memref<64x128xf32, #tpu.memory_space<vmem>>
    %dma_start3A_20 = arith.constant 0 : i32
    %dma_start3A_21 = tpu.memref_slice %arg5[%dma_start3A_20] : memref<448xi32, #tpu.memory_space<vmem>> -> memref<64xi32, #tpu.memory_space<vmem>>
    %dma_start3A_22 = arith.constant 0 : i32
    %dma_start3A_23 = arith.constant 0 : i32
    %dma_start3A_24 = tpu.memref_slice %arg2[%dma_start3A_22, %dma_start3A_23] : memref<100000x128xf32, #tpu.memory_space<hbm>> -> memref<100000x128xf32, #tpu.memory_space<hbm>>
    tpu.enqueue_indirect_dma source(%dma_start3A_24 : memref<100000x128xf32, #tpu.memory_space<hbm>>) target(%dma_start3A_19 : memref<64x128xf32, #tpu.memory_space<vmem>>) offsets(%dma_start3A_21 : memref<64xi32, #tpu.memory_space<vmem>>) semaphore(%arg11 : memref<!tpu.dma_semaphore, #tpu.memory_space<semaphore_mem>>)
    %dma_start3A_25 = arith.constant 64 : i32
    %dma_start3A_26 = arith.constant 0 : i32
    %dma_start3A_27 = tpu.memref_slice %arg7[%dma_start3A_25, %dma_start3A_26] : memref<448x128xf32, #tpu.memory_space<vmem>> -> memref<64x128xf32, #tpu.memory_space<vmem>>
    %dma_start3A_28 = arith.constant 64 : i32
    %dma_start3A_29 = tpu.memref_slice %arg5[%dma_start3A_28] : memref<448xi32, #tpu.memory_space<vmem>> -> memref<64xi32, #tpu.memory_space<vmem>>
    %dma_start3A_30 = arith.constant 0 : i32
    %dma_start3A_31 = arith.constant 0 : i32
    %dma_start3A_32 = tpu.memref_slice %arg2[%dma_start3A_30, %dma_start3A_31] : memref<100000x128xf32, #tpu.memory_space<hbm>> -> memref<100000x128xf32, #tpu.memory_space<hbm>>
    tpu.enqueue_indirect_dma source(%dma_start3A_32 : memref<100000x128xf32, #tpu.memory_space<hbm>>) target(%dma_start3A_27 : memref<64x128xf32, #tpu.memory_space<vmem>>) offsets(%dma_start3A_29 : memref<64xi32, #tpu.memory_space<vmem>>) semaphore(%arg11 : memref<!tpu.dma_semaphore, #tpu.memory_space<semaphore_mem>>)
    %dma_start3A_33 = arith.constant 128 : i32
    %dma_start3A_34 = arith.constant 0 : i32
    %dma_start3A_35 = tpu.memref_slice %arg7[%dma_start3A_33, %dma_start3A_34] : memref<448x128xf32, #tpu.memory_space<vmem>> -> memref<64x128xf32, #tpu.memory_space<vmem>>
    %dma_start3A_36 = arith.constant 128 : i32
    %dma_start3A_37 = tpu.memref_slice %arg5[%dma_start3A_36] : memref<448xi32, #tpu.memory_space<vmem>> -> memref<64xi32, #tpu.memory_space<vmem>>
    %dma_start3A_38 = arith.constant 0 : i32
    %dma_start3A_39 = arith.constant 0 : i32
    %dma_start3A_40 = tpu.memref_slice %arg2[%dma_start3A_38, %dma_start3A_39] : memref<100000x128xf32, #tpu.memory_space<hbm>> -> memref<100000x128xf32, #tpu.memory_space<hbm>>
    tpu.enqueue_indirect_dma source(%dma_start3A_40 : memref<100000x128xf32, #tpu.memory_space<hbm>>) target(%dma_start3A_35 : memref<64x128xf32, #tpu.memory_space<vmem>>) offsets(%dma_start3A_37 : memref<64xi32, #tpu.memory_space<vmem>>) semaphore(%arg11 : memref<!tpu.dma_semaphore, #tpu.memory_space<semaphore_mem>>)
    %dma_start3A_41 = arith.constant 192 : i32
    %dma_start3A_42 = arith.constant 0 : i32
    %dma_start3A_43 = tpu.memref_slice %arg7[%dma_start3A_41, %dma_start3A_42] : memref<448x128xf32, #tpu.memory_space<vmem>> -> memref<64x128xf32, #tpu.memory_space<vmem>>
    %dma_start3A_44 = arith.constant 192 : i32
    %dma_start3A_45 = tpu.memref_slice %arg5[%dma_start3A_44] : memref<448xi32, #tpu.memory_space<vmem>> -> memref<64xi32, #tpu.memory_space<vmem>>
    %dma_start3A_46 = arith.constant 0 : i32
    %dma_start3A_47 = arith.constant 0 : i32
    %dma_start3A_48 = tpu.memref_slice %arg2[%dma_start3A_46, %dma_start3A_47] : memref<100000x128xf32, #tpu.memory_space<hbm>> -> memref<100000x128xf32, #tpu.memory_space<hbm>>
    tpu.enqueue_indirect_dma source(%dma_start3A_48 : memref<100000x128xf32, #tpu.memory_space<hbm>>) target(%dma_start3A_43 : memref<64x128xf32, #tpu.memory_space<vmem>>) offsets(%dma_start3A_45 : memref<64xi32, #tpu.memory_space<vmem>>) semaphore(%arg11 : memref<!tpu.dma_semaphore, #tpu.memory_space<semaphore_mem>>)
    %dma_start3A_49 = arith.constant 256 : i32
    %dma_start3A_50 = arith.constant 0 : i32
    %dma_start3A_51 = tpu.memref_slice %arg7[%dma_start3A_49, %dma_start3A_50] : memref<448x128xf32, #tpu.memory_space<vmem>> -> memref<64x128xf32, #tpu.memory_space<vmem>>
    %dma_start3A_52 = arith.constant 256 : i32
    %dma_start3A_53 = tpu.memref_slice %arg5[%dma_start3A_52] : memref<448xi32, #tpu.memory_space<vmem>> -> memref<64xi32, #tpu.memory_space<vmem>>
    %dma_start3A_54 = arith.constant 0 : i32
    %dma_start3A_55 = arith.constant 0 : i32
    %dma_start3A_56 = tpu.memref_slice %arg2[%dma_start3A_54, %dma_start3A_55] : memref<100000x128xf32, #tpu.memory_space<hbm>> -> memref<100000x128xf32, #tpu.memory_space<hbm>>
    tpu.enqueue_indirect_dma source(%dma_start3A_56 : memref<100000x128xf32, #tpu.memory_space<hbm>>) target(%dma_start3A_51 : memref<64x128xf32, #tpu.memory_space<vmem>>) offsets(%dma_start3A_53 : memref<64xi32, #tpu.memory_space<vmem>>) semaphore(%arg11 : memref<!tpu.dma_semaphore, #tpu.memory_space<semaphore_mem>>)
    %dma_start3A_57 = arith.constant 320 : i32
    %dma_start3A_58 = arith.constant 0 : i32
    %dma_start3A_59 = tpu.memref_slice %arg7[%dma_start3A_57, %dma_start3A_58] : memref<448x128xf32, #tpu.memory_space<vmem>> -> memref<64x128xf32, #tpu.memory_space<vmem>>
    %dma_start3A_60 = arith.constant 320 : i32
    %dma_start3A_61 = tpu.memref_slice %arg5[%dma_start3A_60] : memref<448xi32, #tpu.memory_space<vmem>> -> memref<64xi32, #tpu.memory_space<vmem>>
    %dma_start3A_62 = arith.constant 0 : i32
    %dma_start3A_63 = arith.constant 0 : i32
    %dma_start3A_64 = tpu.memref_slice %arg2[%dma_start3A_62, %dma_start3A_63] : memref<100000x128xf32, #tpu.memory_space<hbm>> -> memref<100000x128xf32, #tpu.memory_space<hbm>>
    tpu.enqueue_indirect_dma source(%dma_start3A_64 : memref<100000x128xf32, #tpu.memory_space<hbm>>) target(%dma_start3A_59 : memref<64x128xf32, #tpu.memory_space<vmem>>) offsets(%dma_start3A_61 : memref<64xi32, #tpu.memory_space<vmem>>) semaphore(%arg11 : memref<!tpu.dma_semaphore, #tpu.memory_space<semaphore_mem>>)
    %dma_start3A_65 = arith.constant 384 : i32
    %dma_start3A_66 = arith.constant 0 : i32
    %dma_start3A_67 = tpu.memref_slice %arg7[%dma_start3A_65, %dma_start3A_66] : memref<448x128xf32, #tpu.memory_space<vmem>> -> memref<64x128xf32, #tpu.memory_space<vmem>>
    %dma_start3A_68 = arith.constant 384 : i32
    %dma_start3A_69 = tpu.memref_slice %arg5[%dma_start3A_68] : memref<448xi32, #tpu.memory_space<vmem>> -> memref<64xi32, #tpu.memory_space<vmem>>
    %dma_start3A_70 = arith.constant 0 : i32
    %dma_start3A_71 = arith.constant 0 : i32
    %dma_start3A_72 = tpu.memref_slice %arg2[%dma_start3A_70, %dma_start3A_71] : memref<100000x128xf32, #tpu.memory_space<hbm>> -> memref<100000x128xf32, #tpu.memory_space<hbm>>
    tpu.enqueue_indirect_dma source(%dma_start3A_72 : memref<100000x128xf32, #tpu.memory_space<hbm>>) target(%dma_start3A_67 : memref<64x128xf32, #tpu.memory_space<vmem>>) offsets(%dma_start3A_69 : memref<64xi32, #tpu.memory_space<vmem>>) semaphore(%arg11 : memref<!tpu.dma_semaphore, #tpu.memory_space<semaphore_mem>>)
    %add3A_73 = arith.constant 448 : i32
    %add3A_74 = arith.addi %multiple_of3A, %add3A_73 : i32
    %multiple_of3A_75 = tpu.assume_multiple %add3A_74, 8 : i32
    %dma_start3A_76 = tpu.memref_slice %arg3[%multiple_of3A_75] : memref<3540992xi32, #tpu.memory_space<hbm>> -> memref<448xi32, #tpu.memory_space<hbm>>
    %dma_start3A_77 = tpu.memref_slice %arg3[%multiple_of3A_75] : memref<3540992xi32, #tpu.memory_space<hbm>> -> memref<448xi32, #tpu.memory_space<hbm>>
    tpu.enqueue_dma source(%dma_start3A_77 : memref<448xi32, #tpu.memory_space<hbm>>) target(%arg6 : memref<448xi32, #tpu.memory_space<vmem>>) target_semaphore(%arg14 : memref<!tpu.dma_semaphore, #tpu.memory_space<semaphore_mem>>)
    %scan3A = arith.constant 0 : i32
    %scan3A_78 = arith.constant 0 : i32
    %scan3A_79 = arith.constant 123 : i32
    %scan3A_80 = arith.addi %scan3A_78, %scan3A_79 : i32
    %scan3A_81 = arith.constant 1 : i32
    scf.for %scan3A_91 = %scan3A_78 to %scan3A_80 step %scan3A_81  : i32 {
      %mul3A_92 = arith.constant 2 : i32
      %mul3A_93 = arith.muli %mul3A_92, %scan3A_91 : i32
      %add3A_94 = arith.constant 0 : i32
      %add3A_95 = arith.addi %mul3A_93, %add3A_94 : i32
      %dma_wait3A_96 = arith.constant 0 : i32
      %dma_wait3A_97 = arith.constant 0 : i32
      %dma_wait3A_98 = tpu.memref_slice %arg2[%dma_wait3A_96, %dma_wait3A_97] : memref<100000x128xf32, #tpu.memory_space<hbm>> -> memref<448x128xf32, #tpu.memory_space<hbm>>
      %dma_wait3A_99 = arith.constant 0 : i32
      %dma_wait3A_100 = arith.constant 0 : i32
      %dma_wait3A_101 = tpu.memref_slice %arg2[%dma_wait3A_99, %dma_wait3A_100] : memref<100000x128xf32, #tpu.memory_space<hbm>> -> memref<448x128xf32, #tpu.memory_space<hbm>>
      tpu.wait_dma2 semaphore(%arg11 : memref<!tpu.dma_semaphore, #tpu.memory_space<semaphore_mem>>) src(%dma_wait3A_101 : memref<448x128xf32, #tpu.memory_space<hbm>>) dst(%arg7 : memref<448x128xf32, #tpu.memory_space<vmem>>)
      %lt3A = arith.constant 245 : i32
      %lt3A_102 = arith.cmpi slt, %add3A_95, %lt3A : i32
      %convert_element_type3A = arith.extui %lt3A_102 : i1 to i32
      %cond3A = arith.constant 0 : i32
      %cond3A_103 = arith.cmpi ne, %convert_element_type3A, %cond3A : i32
      scf.if %cond3A_103 {
        %dma_wait3A_215 = arith.constant 0 : i32
        %dma_wait3A_216 = tpu.memref_slice %arg3[%dma_wait3A_215] : memref<3540992xi32, #tpu.memory_space<hbm>> -> memref<448xi32, #tpu.memory_space<hbm>>
        %dma_wait3A_217 = arith.constant 0 : i32
        %dma_wait3A_218 = tpu.memref_slice %arg3[%dma_wait3A_217] : memref<3540992xi32, #tpu.memory_space<hbm>> -> memref<448xi32, #tpu.memory_space<hbm>>
        tpu.wait_dma2 semaphore(%arg14 : memref<!tpu.dma_semaphore, #tpu.memory_space<semaphore_mem>>) src(%dma_wait3A_218 : memref<448xi32, #tpu.memory_space<hbm>>) dst(%arg6 : memref<448xi32, #tpu.memory_space<vmem>>)
        %dma_start3A_219 = arith.constant 0 : i32
        %dma_start3A_220 = arith.constant 0 : i32
        %dma_start3A_221 = tpu.memref_slice %arg8[%dma_start3A_219, %dma_start3A_220] : memref<448x128xf32, #tpu.memory_space<vmem>> -> memref<64x128xf32, #tpu.memory_space<vmem>>
        %dma_start3A_222 = arith.constant 0 : i32
        %dma_start3A_223 = tpu.memref_slice %arg6[%dma_start3A_222] : memref<448xi32, #tpu.memory_space<vmem>> -> memref<64xi32, #tpu.memory_space<vmem>>
        %dma_start3A_224 = arith.constant 0 : i32
        %dma_start3A_225 = arith.constant 0 : i32
        %dma_start3A_226 = tpu.memref_slice %arg2[%dma_start3A_224, %dma_start3A_225] : memref<100000x128xf32, #tpu.memory_space<hbm>> -> memref<100000x128xf32, #tpu.memory_space<hbm>>
        tpu.enqueue_indirect_dma source(%dma_start3A_226 : memref<100000x128xf32, #tpu.memory_space<hbm>>) target(%dma_start3A_221 : memref<64x128xf32, #tpu.memory_space<vmem>>) offsets(%dma_start3A_223 : memref<64xi32, #tpu.memory_space<vmem>>) semaphore(%arg12 : memref<!tpu.dma_semaphore, #tpu.memory_space<semaphore_mem>>)
        %dma_start3A_227 = arith.constant 64 : i32
        %dma_start3A_228 = arith.constant 0 : i32
        %dma_start3A_229 = tpu.memref_slice %arg8[%dma_start3A_227, %dma_start3A_228] : memref<448x128xf32, #tpu.memory_space<vmem>> -> memref<64x128xf32, #tpu.memory_space<vmem>>
        %dma_start3A_230 = arith.constant 64 : i32
        %dma_start3A_231 = tpu.memref_slice %arg6[%dma_start3A_230] : memref<448xi32, #tpu.memory_space<vmem>> -> memref<64xi32, #tpu.memory_space<vmem>>
        %dma_start3A_232 = arith.constant 0 : i32
        %dma_start3A_233 = arith.constant 0 : i32
        %dma_start3A_234 = tpu.memref_slice %arg2[%dma_start3A_232, %dma_start3A_233] : memref<100000x128xf32, #tpu.memory_space<hbm>> -> memref<100000x128xf32, #tpu.memory_space<hbm>>
        tpu.enqueue_indirect_dma source(%dma_start3A_234 : memref<100000x128xf32, #tpu.memory_space<hbm>>) target(%dma_start3A_229 : memref<64x128xf32, #tpu.memory_space<vmem>>) offsets(%dma_start3A_231 : memref<64xi32, #tpu.memory_space<vmem>>) semaphore(%arg12 : memref<!tpu.dma_semaphore, #tpu.memory_space<semaphore_mem>>)
        %dma_start3A_235 = arith.constant 128 : i32
        %dma_start3A_236 = arith.constant 0 : i32
        %dma_start3A_237 = tpu.memref_slice %arg8[%dma_start3A_235, %dma_start3A_236] : memref<448x128xf32, #tpu.memory_space<vmem>> -> memref<64x128xf32, #tpu.memory_space<vmem>>
        %dma_start3A_238 = arith.constant 128 : i32
        %dma_start3A_239 = tpu.memref_slice %arg6[%dma_start3A_238] : memref<448xi32, #tpu.memory_space<vmem>> -> memref<64xi32, #tpu.memory_space<vmem>>
        %dma_start3A_240 = arith.constant 0 : i32
        %dma_start3A_241 = arith.constant 0 : i32
        %dma_start3A_242 = tpu.memref_slice %arg2[%dma_start3A_240, %dma_start3A_241] : memref<100000x128xf32, #tpu.memory_space<hbm>> -> memref<100000x128xf32, #tpu.memory_space<hbm>>
        tpu.enqueue_indirect_dma source(%dma_start3A_242 : memref<100000x128xf32, #tpu.memory_space<hbm>>) target(%dma_start3A_237 : memref<64x128xf32, #tpu.memory_space<vmem>>) offsets(%dma_start3A_239 : memref<64xi32, #tpu.memory_space<vmem>>) semaphore(%arg12 : memref<!tpu.dma_semaphore, #tpu.memory_space<semaphore_mem>>)
        %dma_start3A_243 = arith.constant 192 : i32
        %dma_start3A_244 = arith.constant 0 : i32
        %dma_start3A_245 = tpu.memref_slice %arg8[%dma_start3A_243, %dma_start3A_244] : memref<448x128xf32, #tpu.memory_space<vmem>> -> memref<64x128xf32, #tpu.memory_space<vmem>>
        %dma_start3A_246 = arith.constant 192 : i32
        %dma_start3A_247 = tpu.memref_slice %arg6[%dma_start3A_246] : memref<448xi32, #tpu.memory_space<vmem>> -> memref<64xi32, #tpu.memory_space<vmem>>
        %dma_start3A_248 = arith.constant 0 : i32
        %dma_start3A_249 = arith.constant 0 : i32
        %dma_start3A_250 = tpu.memref_slice %arg2[%dma_start3A_248, %dma_start3A_249] : memref<100000x128xf32, #tpu.memory_space<hbm>> -> memref<100000x128xf32, #tpu.memory_space<hbm>>
        tpu.enqueue_indirect_dma source(%dma_start3A_250 : memref<100000x128xf32, #tpu.memory_space<hbm>>) target(%dma_start3A_245 : memref<64x128xf32, #tpu.memory_space<vmem>>) offsets(%dma_start3A_247 : memref<64xi32, #tpu.memory_space<vmem>>) semaphore(%arg12 : memref<!tpu.dma_semaphore, #tpu.memory_space<semaphore_mem>>)
        %dma_start3A_251 = arith.constant 256 : i32
        %dma_start3A_252 = arith.constant 0 : i32
        %dma_start3A_253 = tpu.memref_slice %arg8[%dma_start3A_251, %dma_start3A_252] : memref<448x128xf32, #tpu.memory_space<vmem>> -> memref<64x128xf32, #tpu.memory_space<vmem>>
        %dma_start3A_254 = arith.constant 256 : i32
        %dma_start3A_255 = tpu.memref_slice %arg6[%dma_start3A_254] : memref<448xi32, #tpu.memory_space<vmem>> -> memref<64xi32, #tpu.memory_space<vmem>>
        %dma_start3A_256 = arith.constant 0 : i32
        %dma_start3A_257 = arith.constant 0 : i32
        %dma_start3A_258 = tpu.memref_slice %arg2[%dma_start3A_256, %dma_start3A_257] : memref<100000x128xf32, #tpu.memory_space<hbm>> -> memref<100000x128xf32, #tpu.memory_space<hbm>>
        tpu.enqueue_indirect_dma source(%dma_start3A_258 : memref<100000x128xf32, #tpu.memory_space<hbm>>) target(%dma_start3A_253 : memref<64x128xf32, #tpu.memory_space<vmem>>) offsets(%dma_start3A_255 : memref<64xi32, #tpu.memory_space<vmem>>) semaphore(%arg12 : memref<!tpu.dma_semaphore, #tpu.memory_space<semaphore_mem>>)
        %dma_start3A_259 = arith.constant 320 : i32
        %dma_start3A_260 = arith.constant 0 : i32
        %dma_start3A_261 = tpu.memref_slice %arg8[%dma_start3A_259, %dma_start3A_260] : memref<448x128xf32, #tpu.memory_space<vmem>> -> memref<64x128xf32, #tpu.memory_space<vmem>>
        %dma_start3A_262 = arith.constant 320 : i32
        %dma_start3A_263 = tpu.memref_slice %arg6[%dma_start3A_262] : memref<448xi32, #tpu.memory_space<vmem>> -> memref<64xi32, #tpu.memory_space<vmem>>
        %dma_start3A_264 = arith.constant 0 : i32
        %dma_start3A_265 = arith.constant 0 : i32
        %dma_start3A_266 = tpu.memref_slice %arg2[%dma_start3A_264, %dma_start3A_265] : memref<100000x128xf32, #tpu.memory_space<hbm>> -> memref<100000x128xf32, #tpu.memory_space<hbm>>
        tpu.enqueue_indirect_dma source(%dma_start3A_266 : memref<100000x128xf32, #tpu.memory_space<hbm>>) target(%dma_start3A_261 : memref<64x128xf32, #tpu.memory_space<vmem>>) offsets(%dma_start3A_263 : memref<64xi32, #tpu.memory_space<vmem>>) semaphore(%arg12 : memref<!tpu.dma_semaphore, #tpu.memory_space<semaphore_mem>>)
        %dma_start3A_267 = arith.constant 384 : i32
        %dma_start3A_268 = arith.constant 0 : i32
        %dma_start3A_269 = tpu.memref_slice %arg8[%dma_start3A_267, %dma_start3A_268] : memref<448x128xf32, #tpu.memory_space<vmem>> -> memref<64x128xf32, #tpu.memory_space<vmem>>
        %dma_start3A_270 = arith.constant 384 : i32
        %dma_start3A_271 = tpu.memref_slice %arg6[%dma_start3A_270] : memref<448xi32, #tpu.memory_space<vmem>> -> memref<64xi32, #tpu.memory_space<vmem>>
        %dma_start3A_272 = arith.constant 0 : i32
        %dma_start3A_273 = arith.constant 0 : i32
        %dma_start3A_274 = tpu.memref_slice %arg2[%dma_start3A_272, %dma_start3A_273] : memref<100000x128xf32, #tpu.memory_space<hbm>> -> memref<100000x128xf32, #tpu.memory_space<hbm>>
        tpu.enqueue_indirect_dma source(%dma_start3A_274 : memref<100000x128xf32, #tpu.memory_space<hbm>>) target(%dma_start3A_269 : memref<64x128xf32, #tpu.memory_space<vmem>>) offsets(%dma_start3A_271 : memref<64xi32, #tpu.memory_space<vmem>>) semaphore(%arg12 : memref<!tpu.dma_semaphore, #tpu.memory_space<semaphore_mem>>)
      } else {
      }
      %lt3A_104 = arith.constant 244 : i32
      %lt3A_105 = arith.cmpi slt, %add3A_95, %lt3A_104 : i32
      %convert_element_type3A_106 = arith.extui %lt3A_105 : i1 to i32
      %cond3A_107 = arith.constant 0 : i32
      %cond3A_108 = arith.cmpi ne, %convert_element_type3A_106, %cond3A_107 : i32
      scf.if %cond3A_108 {
        %add3A_215 = arith.constant 2 : i32
        %add3A_216 = arith.addi %add3A_95, %add3A_215 : i32
        %mul3A_217 = arith.constant 448 : i32
        %mul3A_218 = arith.muli %add3A_216, %mul3A_217 : i32
        %add3A_219 = arith.addi %multiple_of3A, %mul3A_218 : i32
        %multiple_of3A_220 = tpu.assume_multiple %add3A_219, 8 : i32
        %dma_start3A_221 = tpu.memref_slice %arg3[%multiple_of3A_220] : memref<3540992xi32, #tpu.memory_space<hbm>> -> memref<448xi32, #tpu.memory_space<hbm>>
        %dma_start3A_222 = tpu.memref_slice %arg3[%multiple_of3A_220] : memref<3540992xi32, #tpu.memory_space<hbm>> -> memref<448xi32, #tpu.memory_space<hbm>>
        tpu.enqueue_dma source(%dma_start3A_222 : memref<448xi32, #tpu.memory_space<hbm>>) target(%arg5 : memref<448xi32, #tpu.memory_space<vmem>>) target_semaphore(%arg13 : memref<!tpu.dma_semaphore, #tpu.memory_space<semaphore_mem>>)
      } else {
      }
      %ge3A = arith.constant 1 : i32
      %ge3A_109 = arith.cmpi sge, %scan3A_91, %ge3A : i32
      %convert_element_type3A_110 = arith.extui %ge3A_109 : i1 to i32
      %cond3A_111 = arith.constant 0 : i32
      %cond3A_112 = arith.cmpi ne, %convert_element_type3A_110, %cond3A_111 : i32
      scf.if %cond3A_112 {
        %dma_wait3A_215 = arith.constant 0 : i32
        %dma_wait3A_216 = tpu.memref_slice %arg4[%dma_wait3A_215] : memref<3022848xf32, #tpu.memory_space<hbm>> -> memref<384xf32, #tpu.memory_space<hbm>>
        %dma_wait3A_217 = arith.constant 0 : i32
        %dma_wait3A_218 = tpu.memref_slice %arg4[%dma_wait3A_217] : memref<3022848xf32, #tpu.memory_space<hbm>> -> memref<384xf32, #tpu.memory_space<hbm>>
        tpu.wait_dma2 semaphore(%arg15 : memref<!tpu.dma_semaphore, #tpu.memory_space<semaphore_mem>>) src(%arg9 : memref<384xf32, #tpu.memory_space<vmem>>) dst(%dma_wait3A_218 : memref<384xf32, #tpu.memory_space<hbm>>)
      } else {
      }
      %iota3A = tpu.iota {dimensions = array<i32: 0>} : vector<16xi32>
      %eq3A = arith.constant 0 : i32
      %eq3A_113 = vector.broadcast %eq3A : i32 to vector<16xi32>
      %eq3A_114 = arith.cmpi eq, %iota3A, %eq3A_113 : vector<16xi32>
      %add3A_115 = arith.constant 8 : i32
      %add3A_116 = vector.broadcast %add3A_115 : i32 to vector<16xi32>
      %add3A_117 = arith.addi %iota3A, %add3A_116 : vector<16xi32>
      %and3A = arith.constant 15 : i32
      %and3A_118 = vector.broadcast %and3A : i32 to vector<16xi32>
      %and3A_119 = arith.andi %add3A_117, %and3A_118 : vector<16xi32>
      %add3A_120 = arith.constant 4 : i32
      %add3A_121 = vector.broadcast %add3A_120 : i32 to vector<16xi32>
      %add3A_122 = arith.addi %iota3A, %add3A_121 : vector<16xi32>
      %and3A_123 = arith.constant 15 : i32
      %and3A_124 = vector.broadcast %and3A_123 : i32 to vector<16xi32>
      %and3A_125 = arith.andi %add3A_122, %and3A_124 : vector<16xi32>
      %add3A_126 = arith.constant 2 : i32
      %add3A_127 = vector.broadcast %add3A_126 : i32 to vector<16xi32>
      %add3A_128 = arith.addi %iota3A, %add3A_127 : vector<16xi32>
      %and3A_129 = arith.constant 15 : i32
      %and3A_130 = vector.broadcast %and3A_129 : i32 to vector<16xi32>
      %and3A_131 = arith.andi %add3A_128, %and3A_130 : vector<16xi32>
      %add3A_132 = arith.constant 1 : i32
      %add3A_133 = vector.broadcast %add3A_132 : i32 to vector<16xi32>
      %add3A_134 = arith.addi %iota3A, %add3A_133 : vector<16xi32>
      %and3A_135 = arith.constant 15 : i32
      %and3A_136 = vector.broadcast %and3A_135 : i32 to vector<16xi32>
      %and3A_137 = arith.andi %add3A_134, %and3A_136 : vector<16xi32>
      %scan3A_138 = arith.constant 0 : i32
      %scan3A_139 = arith.constant 0 : i32
      %scan3A_140 = arith.constant 64 : i32
      %scan3A_141 = arith.addi %scan3A_139, %scan3A_140 : i32
      %scan3A_142 = arith.constant 2 : i32
      scf.for %scan3A_215 = %scan3A_139 to %scan3A_141 step %scan3A_142  : i32 {
        %get3A = arith.index_cast %scan3A_215 : i32 to index
        %get3A_216 = arith.constant 0 : index
        %get3A_217 = tpu.vector_load %arg7[%get3A, %get3A_216] {strides = array<i32>} : memref<448x128xf32, #tpu.memory_space<vmem>>, vector<16xf32>,
        %get3A_218 = arith.index_cast %scan3A_215 : i32 to index
        %get3A_219 = arith.constant 16 : index
        %get3A_220 = tpu.vector_load %arg7[%get3A_218, %get3A_219] {strides = array<i32>} : memref<448x128xf32, #tpu.memory_space<vmem>>, vector<16xf32>,
        %get3A_221 = arith.index_cast %scan3A_215 : i32 to index
        %get3A_222 = arith.constant 32 : index
        %get3A_223 = tpu.vector_load %arg7[%get3A_221, %get3A_222] {strides = array<i32>} : memref<448x128xf32, #tpu.memory_space<vmem>>, vector<16xf32>,
        %get3A_224 = arith.index_cast %scan3A_215 : i32 to index
        %get3A_225 = arith.constant 48 : index
        %get3A_226 = tpu.vector_load %arg7[%get3A_224, %get3A_225] {strides = array<i32>} : memref<448x128xf32, #tpu.memory_space<vmem>>, vector<16xf32>,
        %get3A_227 = arith.index_cast %scan3A_215 : i32 to index
        %get3A_228 = arith.constant 64 : index
        %get3A_229 = tpu.vector_load %arg7[%get3A_227, %get3A_228] {strides = array<i32>} : memref<448x128xf32, #tpu.memory_space<vmem>>, vector<16xf32>,
        %get3A_230 = arith.index_cast %scan3A_215 : i32 to index
        %get3A_231 = arith.constant 80 : index
        %get3A_232 = tpu.vector_load %arg7[%get3A_230, %get3A_231] {strides = array<i32>} : memref<448x128xf32, #tpu.memory_space<vmem>>, vector<16xf32>,
        %get3A_233 = arith.index_cast %scan3A_215 : i32 to index
        %get3A_234 = arith.constant 96 : index
        %get3A_235 = tpu.vector_load %arg7[%get3A_233, %get3A_234] {strides = array<i32>} : memref<448x128xf32, #tpu.memory_space<vmem>>, vector<16xf32>,
        %get3A_236 = arith.index_cast %scan3A_215 : i32 to index
        %get3A_237 = arith.constant 112 : index
        %get3A_238 = tpu.vector_load %arg7[%get3A_236, %get3A_237] {strides = array<i32>} : memref<448x128xf32, #tpu.memory_space<vmem>>, vector<16xf32>,
        %add3A_239 = arith.constant 64 : i32
        %add3A_240 = arith.addi %add3A_239, %scan3A_215 : i32
        %get3A_241 = arith.index_cast %add3A_240 : i32 to index
        %get3A_242 = arith.constant 0 : index
        %get3A_243 = tpu.vector_load %arg7[%get3A_241, %get3A_242] {strides = array<i32>} : memref<448x128xf32, #tpu.memory_space<vmem>>, vector<16xf32>,
        %mul3A_244 = arith.mulf %get3A_217, %get3A_243 : vector<16xf32>
        %add3A_245 = arith.constant 128 : i32
        %add3A_246 = arith.addi %add3A_245, %scan3A_215 : i32
        %get3A_247 = arith.index_cast %add3A_246 : i32 to index
        %get3A_248 = arith.constant 0 : index
        %get3A_249 = tpu.vector_load %arg7[%get3A_247, %get3A_248] {strides = array<i32>} : memref<448x128xf32, #tpu.memory_space<vmem>>, vector<16xf32>,
        %mul3A_250 = arith.mulf %get3A_217, %get3A_249 : vector<16xf32>
        %add3A_251 = arith.constant 192 : i32
        %add3A_252 = arith.addi %add3A_251, %scan3A_215 : i32
        %get3A_253 = arith.index_cast %add3A_252 : i32 to index
        %get3A_254 = arith.constant 0 : index
        %get3A_255 = tpu.vector_load %arg7[%get3A_253, %get3A_254] {strides = array<i32>} : memref<448x128xf32, #tpu.memory_space<vmem>>, vector<16xf32>,
        %mul3A_256 = arith.mulf %get3A_217, %get3A_255 : vector<16xf32>
        %add3A_257 = arith.constant 256 : i32
        %add3A_258 = arith.addi %add3A_257, %scan3A_215 : i32
        %get3A_259 = arith.index_cast %add3A_258 : i32 to index
        %get3A_260 = arith.constant 0 : index
        %get3A_261 = tpu.vector_load %arg7[%get3A_259, %get3A_260] {strides = array<i32>} : memref<448x128xf32, #tpu.memory_space<vmem>>, vector<16xf32>,
        %mul3A_262 = arith.mulf %get3A_217, %get3A_261 : vector<16xf32>
        %add3A_263 = arith.constant 320 : i32
        %add3A_264 = arith.addi %add3A_263, %scan3A_215 : i32
        %get3A_265 = arith.index_cast %add3A_264 : i32 to index
        %get3A_266 = arith.constant 0 : index
        %get3A_267 = tpu.vector_load %arg7[%get3A_265, %get3A_266] {strides = array<i32>} : memref<448x128xf32, #tpu.memory_space<vmem>>, vector<16xf32>,
        %mul3A_268 = arith.mulf %get3A_217, %get3A_267 : vector<16xf32>
        %add3A_269 = arith.constant 384 : i32
        %add3A_270 = arith.addi %add3A_269, %scan3A_215 : i32
        %get3A_271 = arith.index_cast %add3A_270 : i32 to index
        %get3A_272 = arith.constant 0 : index
        %get3A_273 = tpu.vector_load %arg7[%get3A_271, %get3A_272] {strides = array<i32>} : memref<448x128xf32, #tpu.memory_space<vmem>>, vector<16xf32>,
        %mul3A_274 = arith.mulf %get3A_217, %get3A_273 : vector<16xf32>
        %add3A_275 = arith.constant 64 : i32
        %add3A_276 = arith.addi %add3A_275, %scan3A_215 : i32
        %get3A_277 = arith.index_cast %add3A_276 : i32 to index
        %get3A_278 = arith.constant 16 : index
        %get3A_279 = tpu.vector_load %arg7[%get3A_277, %get3A_278] {strides = array<i32>} : memref<448x128xf32, #tpu.memory_space<vmem>>, vector<16xf32>,
        %mul3A_280 = arith.mulf %get3A_220, %get3A_279 : vector<16xf32>
        %add3A_281 = arith.addf %mul3A_244, %mul3A_280 : vector<16xf32>
        %add3A_282 = arith.constant 128 : i32
        %add3A_283 = arith.addi %add3A_282, %scan3A_215 : i32
        %get3A_284 = arith.index_cast %add3A_283 : i32 to index
        %get3A_285 = arith.constant 16 : index
        %get3A_286 = tpu.vector_load %arg7[%get3A_284, %get3A_285] {strides = array<i32>} : memref<448x128xf32, #tpu.memory_space<vmem>>, vector<16xf32>,
        %mul3A_287 = arith.mulf %get3A_220, %get3A_286 : vector<16xf32>
        %add3A_288 = arith.addf %mul3A_250, %mul3A_287 : vector<16xf32>
        %add3A_289 = arith.constant 192 : i32
        %add3A_290 = arith.addi %add3A_289, %scan3A_215 : i32
        %get3A_291 = arith.index_cast %add3A_290 : i32 to index
        %get3A_292 = arith.constant 16 : index
        %get3A_293 = tpu.vector_load %arg7[%get3A_291, %get3A_292] {strides = array<i32>} : memref<448x128xf32, #tpu.memory_space<vmem>>, vector<16xf32>,
        %mul3A_294 = arith.mulf %get3A_220, %get3A_293 : vector<16xf32>
        %add3A_295 = arith.addf %mul3A_256, %mul3A_294 : vector<16xf32>
        %add3A_296 = arith.constant 256 : i32
        %add3A_297 = arith.addi %add3A_296, %scan3A_215 : i32
        %get3A_298 = arith.index_cast %add3A_297 : i32 to index
        %get3A_299 = arith.constant 16 : index
        %get3A_300 = tpu.vector_load %arg7[%get3A_298, %get3A_299] {strides = array<i32>} : memref<448x128xf32, #tpu.memory_space<vmem>>, vector<16xf32>,
        %mul3A_301 = arith.mulf %get3A_220, %get3A_300 : vector<16xf32>
        %add3A_302 = arith.addf %mul3A_262, %mul3A_301 : vector<16xf32>
        %add3A_303 = arith.constant 320 : i32
        %add3A_304 = arith.addi %add3A_303, %scan3A_215 : i32
        %get3A_305 = arith.index_cast %add3A_304 : i32 to index
        %get3A_306 = arith.constant 16 : index
        %get3A_307 = tpu.vector_load %arg7[%get3A_305, %get3A_306] {strides = array<i32>} : memref<448x128xf32, #tpu.memory_space<vmem>>, vector<16xf32>,
        %mul3A_308 = arith.mulf %get3A_220, %get3A_307 : vector<16xf32>
        %add3A_309 = arith.addf %mul3A_268, %mul3A_308 : vector<16xf32>
        %add3A_310 = arith.constant 384 : i32
        %add3A_311 = arith.addi %add3A_310, %scan3A_215 : i32
        %get3A_312 = arith.index_cast %add3A_311 : i32 to index
        %get3A_313 = arith.constant 16 : index
        %get3A_314 = tpu.vector_load %arg7[%get3A_312, %get3A_313] {strides = array<i32>} : memref<448x128xf32, #tpu.memory_space<vmem>>, vector<16xf32>,
        %mul3A_315 = arith.mulf %get3A_220, %get3A_314 : vector<16xf32>
        %add3A_316 = arith.addf %mul3A_274, %mul3A_315 : vector<16xf32>
        %add3A_317 = arith.constant 64 : i32
        %add3A_318 = arith.addi %add3A_317, %scan3A_215 : i32
        %get3A_319 = arith.index_cast %add3A_318 : i32 to index
        %get3A_320 = arith.constant 32 : index
        %get3A_321 = tpu.vector_load %arg7[%get3A_319, %get3A_320] {strides = array<i32>} : memref<448x128xf32, #tpu.memory_space<vmem>>, vector<16xf32>,
        %mul3A_322 = arith.mulf %get3A_223, %get3A_321 : vector<16xf32>
        %add3A_323 = arith.addf %add3A_281, %mul3A_322 : vector<16xf32>
        %add3A_324 = arith.constant 128 : i32
        %add3A_325 = arith.addi %add3A_324, %scan3A_215 : i32
        %get3A_326 = arith.index_cast %add3A_325 : i32 to index
        %get3A_327 = arith.constant 32 : index
        %get3A_328 = tpu.vector_load %arg7[%get3A_326, %get3A_327] {strides = array<i32>} : memref<448x128xf32, #tpu.memory_space<vmem>>, vector<16xf32>,
        %mul3A_329 = arith.mulf %get3A_223, %get3A_328 : vector<16xf32>
        %add3A_330 = arith.addf %add3A_288, %mul3A_329 : vector<16xf32>
        %add3A_331 = arith.constant 192 : i32
        %add3A_332 = arith.addi %add3A_331, %scan3A_215 : i32
        %get3A_333 = arith.index_cast %add3A_332 : i32 to index
        %get3A_334 = arith.constant 32 : index
        %get3A_335 = tpu.vector_load %arg7[%get3A_333, %get3A_334] {strides = array<i32>} : memref<448x128xf32, #tpu.memory_space<vmem>>, vector<16xf32>,
        %mul3A_336 = arith.mulf %get3A_223, %get3A_335 : vector<16xf32>
        %add3A_337 = arith.addf %add3A_295, %mul3A_336 : vector<16xf32>
        %add3A_338 = arith.constant 256 : i32
        %add3A_339 = arith.addi %add3A_338, %scan3A_215 : i32
        %get3A_340 = arith.index_cast %add3A_339 : i32 to index
        %get3A_341 = arith.constant 32 : index
        %get3A_342 = tpu.vector_load %arg7[%get3A_340, %get3A_341] {strides = array<i32>} : memref<448x128xf32, #tpu.memory_space<vmem>>, vector<16xf32>,
        %mul3A_343 = arith.mulf %get3A_223, %get3A_342 : vector<16xf32>
        %add3A_344 = arith.addf %add3A_302, %mul3A_343 : vector<16xf32>
        %add3A_345 = arith.constant 320 : i32
        %add3A_346 = arith.addi %add3A_345, %scan3A_215 : i32
        %get3A_347 = arith.index_cast %add3A_346 : i32 to index
        %get3A_348 = arith.constant 32 : index
        %get3A_349 = tpu.vector_load %arg7[%get3A_347, %get3A_348] {strides = array<i32>} : memref<448x128xf32, #tpu.memory_space<vmem>>, vector<16xf32>,
        %mul3A_350 = arith.mulf %get3A_223, %get3A_349 : vector<16xf32>
        %add3A_351 = arith.addf %add3A_309, %mul3A_350 : vector<16xf32>
        %add3A_352 = arith.constant 384 : i32
        %add3A_353 = arith.addi %add3A_352, %scan3A_215 : i32
        %get3A_354 = arith.index_cast %add3A_353 : i32 to index
        %get3A_355 = arith.constant 32 : index
        %get3A_356 = tpu.vector_load %arg7[%get3A_354, %get3A_355] {strides = array<i32>} : memref<448x128xf32, #tpu.memory_space<vmem>>, vector<16xf32>,
        %mul3A_357 = arith.mulf %get3A_223, %get3A_356 : vector<16xf32>
        %add3A_358 = arith.addf %add3A_316, %mul3A_357 : vector<16xf32>
        %add3A_359 = arith.constant 64 : i32
        %add3A_360 = arith.addi %add3A_359, %scan3A_215 : i32
        %get3A_361 = arith.index_cast %add3A_360 : i32 to index
        %get3A_362 = arith.constant 48 : index
        %get3A_363 = tpu.vector_load %arg7[%get3A_361, %get3A_362] {strides = array<i32>} : memref<448x128xf32, #tpu.memory_space<vmem>>, vector<16xf32>,
        %mul3A_364 = arith.mulf %get3A_226, %get3A_363 : vector<16xf32>
        %add3A_365 = arith.addf %add3A_323, %mul3A_364 : vector<16xf32>
        %add3A_366 = arith.constant 128 : i32
        %add3A_367 = arith.addi %add3A_366, %scan3A_215 : i32
        %get3A_368 = arith.index_cast %add3A_367 : i32 to index
        %get3A_369 = arith.constant 48 : index
        %get3A_370 = tpu.vector_load %arg7[%get3A_368, %get3A_369] {strides = array<i32>} : memref<448x128xf32, #tpu.memory_space<vmem>>, vector<16xf32>,
        %mul3A_371 = arith.mulf %get3A_226, %get3A_370 : vector<16xf32>
        %add3A_372 = arith.addf %add3A_330, %mul3A_371 : vector<16xf32>
        %add3A_373 = arith.constant 192 : i32
        %add3A_374 = arith.addi %add3A_373, %scan3A_215 : i32
        %get3A_375 = arith.index_cast %add3A_374 : i32 to index
        %get3A_376 = arith.constant 48 : index
        %get3A_377 = tpu.vector_load %arg7[%get3A_375, %get3A_376] {strides = array<i32>} : memref<448x128xf32, #tpu.memory_space<vmem>>, vector<16xf32>,
        %mul3A_378 = arith.mulf %get3A_226, %get3A_377 : vector<16xf32>
        %add3A_379 = arith.addf %add3A_337, %mul3A_378 : vector<16xf32>
        %add3A_380 = arith.constant 256 : i32
        %add3A_381 = arith.addi %add3A_380, %scan3A_215 : i32
        %get3A_382 = arith.index_cast %add3A_381 : i32 to index
        %get3A_383 = arith.constant 48 : index
        %get3A_384 = tpu.vector_load %arg7[%get3A_382, %get3A_383] {strides = array<i32>} : memref<448x128xf32, #tpu.memory_space<vmem>>, vector<16xf32>,
        %mul3A_385 = arith.mulf %get3A_226, %get3A_384 : vector<16xf32>
        %add3A_386 = arith.addf %add3A_344, %mul3A_385 : vector<16xf32>
        %add3A_387 = arith.constant 320 : i32
        %add3A_388 = arith.addi %add3A_387, %scan3A_215 : i32
        %get3A_389 = arith.index_cast %add3A_388 : i32 to index
        %get3A_390 = arith.constant 48 : index
        %get3A_391 = tpu.vector_load %arg7[%get3A_389, %get3A_390] {strides = array<i32>} : memref<448x128xf32, #tpu.memory_space<vmem>>, vector<16xf32>,
        %mul3A_392 = arith.mulf %get3A_226, %get3A_391 : vector<16xf32>
        %add3A_393 = arith.addf %add3A_351, %mul3A_392 : vector<16xf32>
        %add3A_394 = arith.constant 384 : i32
        %add3A_395 = arith.addi %add3A_394, %scan3A_215 : i32
        %get3A_396 = arith.index_cast %add3A_395 : i32 to index
        %get3A_397 = arith.constant 48 : index
        %get3A_398 = tpu.vector_load %arg7[%get3A_396, %get3A_397] {strides = array<i32>} : memref<448x128xf32, #tpu.memory_space<vmem>>, vector<16xf32>,
        %mul3A_399 = arith.mulf %get3A_226, %get3A_398 : vector<16xf32>
        %add3A_400 = arith.addf %add3A_358, %mul3A_399 : vector<16xf32>
        %add3A_401 = arith.constant 64 : i32
        %add3A_402 = arith.addi %add3A_401, %scan3A_215 : i32
        %get3A_403 = arith.index_cast %add3A_402 : i32 to index
        %get3A_404 = arith.constant 64 : index
        %get3A_405 = tpu.vector_load %arg7[%get3A_403, %get3A_404] {strides = array<i32>} : memref<448x128xf32, #tpu.memory_space<vmem>>, vector<16xf32>,
        %mul3A_406 = arith.mulf %get3A_229, %get3A_405 : vector<16xf32>
        %add3A_407 = arith.addf %add3A_365, %mul3A_406 : vector<16xf32>
        %add3A_408 = arith.constant 128 : i32
        %add3A_409 = arith.addi %add3A_408, %scan3A_215 : i32
        %get3A_410 = arith.index_cast %add3A_409 : i32 to index
        %get3A_411 = arith.constant 64 : index
        %get3A_412 = tpu.vector_load %arg7[%get3A_410, %get3A_411] {strides = array<i32>} : memref<448x128xf32, #tpu.memory_space<vmem>>, vector<16xf32>,
        %mul3A_413 = arith.mulf %get3A_229, %get3A_412 : vector<16xf32>
        %add3A_414 = arith.addf %add3A_372, %mul3A_413 : vector<16xf32>
        %add3A_415 = arith.constant 192 : i32
        %add3A_416 = arith.addi %add3A_415, %scan3A_215 : i32
        %get3A_417 = arith.index_cast %add3A_416 : i32 to index
        %get3A_418 = arith.constant 64 : index
        %get3A_419 = tpu.vector_load %arg7[%get3A_417, %get3A_418] {strides = array<i32>} : memref<448x128xf32, #tpu.memory_space<vmem>>, vector<16xf32>,
        %mul3A_420 = arith.mulf %get3A_229, %get3A_419 : vector<16xf32>
        %add3A_421 = arith.addf %add3A_379, %mul3A_420 : vector<16xf32>
        %add3A_422 = arith.constant 256 : i32
        %add3A_423 = arith.addi %add3A_422, %scan3A_215 : i32
        %get3A_424 = arith.index_cast %add3A_423 : i32 to index
        %get3A_425 = arith.constant 64 : index
        %get3A_426 = tpu.vector_load %arg7[%get3A_424, %get3A_425] {strides = array<i32>} : memref<448x128xf32, #tpu.memory_space<vmem>>, vector<16xf32>,
        %mul3A_427 = arith.mulf %get3A_229, %get3A_426 : vector<16xf32>
        %add3A_428 = arith.addf %add3A_386, %mul3A_427 : vector<16xf32>
        %add3A_429 = arith.constant 320 : i32
        %add3A_430 = arith.addi %add3A_429, %scan3A_215 : i32
        %get3A_431 = arith.index_cast %add3A_430 : i32 to index
        %get3A_432 = arith.constant 64 : index
        %get3A_433 = tpu.vector_load %arg7[%get3A_431, %get3A_432] {strides = array<i32>} : memref<448x128xf32, #tpu.memory_space<vmem>>, vector<16xf32>,
        %mul3A_434 = arith.mulf %get3A_229, %get3A_433 : vector<16xf32>
        %add3A_435 = arith.addf %add3A_393, %mul3A_434 : vector<16xf32>
        %add3A_436 = arith.constant 384 : i32
        %add3A_437 = arith.addi %add3A_436, %scan3A_215 : i32
        %get3A_438 = arith.index_cast %add3A_437 : i32 to index
        %get3A_439 = arith.constant 64 : index
        %get3A_440 = tpu.vector_load %arg7[%get3A_438, %get3A_439] {strides = array<i32>} : memref<448x128xf32, #tpu.memory_space<vmem>>, vector<16xf32>,
        %mul3A_441 = arith.mulf %get3A_229, %get3A_440 : vector<16xf32>
        %add3A_442 = arith.addf %add3A_400, %mul3A_441 : vector<16xf32>
        %add3A_443 = arith.constant 64 : i32
        %add3A_444 = arith.addi %add3A_443, %scan3A_215 : i32
        %get3A_445 = arith.index_cast %add3A_444 : i32 to index
        %get3A_446 = arith.constant 80 : index
        %get3A_447 = tpu.vector_load %arg7[%get3A_445, %get3A_446] {strides = array<i32>} : memref<448x128xf32, #tpu.memory_space<vmem>>, vector<16xf32>,
        %mul3A_448 = arith.mulf %get3A_232, %get3A_447 : vector<16xf32>
        %add3A_449 = arith.addf %add3A_407, %mul3A_448 : vector<16xf32>
        %add3A_450 = arith.constant 128 : i32
        %add3A_451 = arith.addi %add3A_450, %scan3A_215 : i32
        %get3A_452 = arith.index_cast %add3A_451 : i32 to index
        %get3A_453 = arith.constant 80 : index
        %get3A_454 = tpu.vector_load %arg7[%get3A_452, %get3A_453] {strides = array<i32>} : memref<448x128xf32, #tpu.memory_space<vmem>>, vector<16xf32>,
        %mul3A_455 = arith.mulf %get3A_232, %get3A_454 : vector<16xf32>
        %add3A_456 = arith.addf %add3A_414, %mul3A_455 : vector<16xf32>
        %add3A_457 = arith.constant 192 : i32
        %add3A_458 = arith.addi %add3A_457, %scan3A_215 : i32
        %get3A_459 = arith.index_cast %add3A_458 : i32 to index
        %get3A_460 = arith.constant 80 : index
        %get3A_461 = tpu.vector_load %arg7[%get3A_459, %get3A_460] {strides = array<i32>} : memref<448x128xf32, #tpu.memory_space<vmem>>, vector<16xf32>,
        %mul3A_462 = arith.mulf %get3A_232, %get3A_461 : vector<16xf32>
        %add3A_463 = arith.addf %add3A_421, %mul3A_462 : vector<16xf32>
        %add3A_464 = arith.constant 256 : i32
        %add3A_465 = arith.addi %add3A_464, %scan3A_215 : i32
        %get3A_466 = arith.index_cast %add3A_465 : i32 to index
        %get3A_467 = arith.constant 80 : index
        %get3A_468 = tpu.vector_load %arg7[%get3A_466, %get3A_467] {strides = array<i32>} : memref<448x128xf32, #tpu.memory_space<vmem>>, vector<16xf32>,
        %mul3A_469 = arith.mulf %get3A_232, %get3A_468 : vector<16xf32>
        %add3A_470 = arith.addf %add3A_428, %mul3A_469 : vector<16xf32>
        %add3A_471 = arith.constant 320 : i32
        %add3A_472 = arith.addi %add3A_471, %scan3A_215 : i32
        %get3A_473 = arith.index_cast %add3A_472 : i32 to index
        %get3A_474 = arith.constant 80 : index
        %get3A_475 = tpu.vector_load %arg7[%get3A_473, %get3A_474] {strides = array<i32>} : memref<448x128xf32, #tpu.memory_space<vmem>>, vector<16xf32>,
        %mul3A_476 = arith.mulf %get3A_232, %get3A_475 : vector<16xf32>
        %add3A_477 = arith.addf %add3A_435, %mul3A_476 : vector<16xf32>
        %add3A_478 = arith.constant 384 : i32
        %add3A_479 = arith.addi %add3A_478, %scan3A_215 : i32
        %get3A_480 = arith.index_cast %add3A_479 : i32 to index
        %get3A_481 = arith.constant 80 : index
        %get3A_482 = tpu.vector_load %arg7[%get3A_480, %get3A_481] {strides = array<i32>} : memref<448x128xf32, #tpu.memory_space<vmem>>, vector<16xf32>,
        %mul3A_483 = arith.mulf %get3A_232, %get3A_482 : vector<16xf32>
        %add3A_484 = arith.addf %add3A_442, %mul3A_483 : vector<16xf32>
        %add3A_485 = arith.constant 64 : i32
        %add3A_486 = arith.addi %add3A_485, %scan3A_215 : i32
        %get3A_487 = arith.index_cast %add3A_486 : i32 to index
        %get3A_488 = arith.constant 96 : index
        %get3A_489 = tpu.vector_load %arg7[%get3A_487, %get3A_488] {strides = array<i32>} : memref<448x128xf32, #tpu.memory_space<vmem>>, vector<16xf32>,
        %mul3A_490 = arith.mulf %get3A_235, %get3A_489 : vector<16xf32>
        %add3A_491 = arith.addf %add3A_449, %mul3A_490 : vector<16xf32>
        %add3A_492 = arith.constant 128 : i32
        %add3A_493 = arith.addi %add3A_492, %scan3A_215 : i32
        %get3A_494 = arith.index_cast %add3A_493 : i32 to index
        %get3A_495 = arith.constant 96 : index
        %get3A_496 = tpu.vector_load %arg7[%get3A_494, %get3A_495] {strides = array<i32>} : memref<448x128xf32, #tpu.memory_space<vmem>>, vector<16xf32>,
        %mul3A_497 = arith.mulf %get3A_235, %get3A_496 : vector<16xf32>
        %add3A_498 = arith.addf %add3A_456, %mul3A_497 : vector<16xf32>
        %add3A_499 = arith.constant 192 : i32
        %add3A_500 = arith.addi %add3A_499, %scan3A_215 : i32
        %get3A_501 = arith.index_cast %add3A_500 : i32 to index
        %get3A_502 = arith.constant 96 : index
        %get3A_503 = tpu.vector_load %arg7[%get3A_501, %get3A_502] {strides = array<i32>} : memref<448x128xf32, #tpu.memory_space<vmem>>, vector<16xf32>,
        %mul3A_504 = arith.mulf %get3A_235, %get3A_503 : vector<16xf32>
        %add3A_505 = arith.addf %add3A_463, %mul3A_504 : vector<16xf32>
        %add3A_506 = arith.constant 256 : i32
        %add3A_507 = arith.addi %add3A_506, %scan3A_215 : i32
        %get3A_508 = arith.index_cast %add3A_507 : i32 to index
        %get3A_509 = arith.constant 96 : index
        %get3A_510 = tpu.vector_load %arg7[%get3A_508, %get3A_509] {strides = array<i32>} : memref<448x128xf32, #tpu.memory_space<vmem>>, vector<16xf32>,
        %mul3A_511 = arith.mulf %get3A_235, %get3A_510 : vector<16xf32>
        %add3A_512 = arith.addf %add3A_470, %mul3A_511 : vector<16xf32>
        %add3A_513 = arith.constant 320 : i32
        %add3A_514 = arith.addi %add3A_513, %scan3A_215 : i32
        %get3A_515 = arith.index_cast %add3A_514 : i32 to index
        %get3A_516 = arith.constant 96 : index
        %get3A_517 = tpu.vector_load %arg7[%get3A_515, %get3A_516] {strides = array<i32>} : memref<448x128xf32, #tpu.memory_space<vmem>>, vector<16xf32>,
        %mul3A_518 = arith.mulf %get3A_235, %get3A_517 : vector<16xf32>
        %add3A_519 = arith.addf %add3A_477, %mul3A_518 : vector<16xf32>
        %add3A_520 = arith.constant 384 : i32
        %add3A_521 = arith.addi %add3A_520, %scan3A_215 : i32
        %get3A_522 = arith.index_cast %add3A_521 : i32 to index
        %get3A_523 = arith.constant 96 : index
        %get3A_524 = tpu.vector_load %arg7[%get3A_522, %get3A_523] {strides = array<i32>} : memref<448x128xf32, #tpu.memory_space<vmem>>, vector<16xf32>,
        %mul3A_525 = arith.mulf %get3A_235, %get3A_524 : vector<16xf32>
        %add3A_526 = arith.addf %add3A_484, %mul3A_525 : vector<16xf32>
        %add3A_527 = arith.constant 64 : i32
        %add3A_528 = arith.addi %add3A_527, %scan3A_215 : i32
        %get3A_529 = arith.index_cast %add3A_528 : i32 to index
        %get3A_530 = arith.constant 112 : index
        %get3A_531 = tpu.vector_load %arg7[%get3A_529, %get3A_530] {strides = array<i32>} : memref<448x128xf32, #tpu.memory_space<vmem>>, vector<16xf32>,
        %mul3A_532 = arith.mulf %get3A_238, %get3A_531 : vector<16xf32>
        %add3A_533 = arith.addf %add3A_491, %mul3A_532 : vector<16xf32>
        %add3A_534 = arith.constant 128 : i32
        %add3A_535 = arith.addi %add3A_534, %scan3A_215 : i32
        %get3A_536 = arith.index_cast %add3A_535 : i32 to index
        %get3A_537 = arith.constant 112 : index
        %get3A_538 = tpu.vector_load %arg7[%get3A_536, %get3A_537] {strides = array<i32>} : memref<448x128xf32, #tpu.memory_space<vmem>>, vector<16xf32>,
        %mul3A_539 = arith.mulf %get3A_238, %get3A_538 : vector<16xf32>
        %add3A_540 = arith.addf %add3A_498, %mul3A_539 : vector<16xf32>
        %add3A_541 = arith.constant 192 : i32
        %add3A_542 = arith.addi %add3A_541, %scan3A_215 : i32
        %get3A_543 = arith.index_cast %add3A_542 : i32 to index
        %get3A_544 = arith.constant 112 : index
        %get3A_545 = tpu.vector_load %arg7[%get3A_543, %get3A_544] {strides = array<i32>} : memref<448x128xf32, #tpu.memory_space<vmem>>, vector<16xf32>,
        %mul3A_546 = arith.mulf %get3A_238, %get3A_545 : vector<16xf32>
        %add3A_547 = arith.addf %add3A_505, %mul3A_546 : vector<16xf32>
        %add3A_548 = arith.constant 256 : i32
        %add3A_549 = arith.addi %add3A_548, %scan3A_215 : i32
        %get3A_550 = arith.index_cast %add3A_549 : i32 to index
        %get3A_551 = arith.constant 112 : index
        %get3A_552 = tpu.vector_load %arg7[%get3A_550, %get3A_551] {strides = array<i32>} : memref<448x128xf32, #tpu.memory_space<vmem>>, vector<16xf32>,
        %mul3A_553 = arith.mulf %get3A_238, %get3A_552 : vector<16xf32>
        %add3A_554 = arith.addf %add3A_512, %mul3A_553 : vector<16xf32>
        %add3A_555 = arith.constant 320 : i32
        %add3A_556 = arith.addi %add3A_555, %scan3A_215 : i32
        %get3A_557 = arith.index_cast %add3A_556 : i32 to index
        %get3A_558 = arith.constant 112 : index
        %get3A_559 = tpu.vector_load %arg7[%get3A_557, %get3A_558] {strides = array<i32>} : memref<448x128xf32, #tpu.memory_space<vmem>>, vector<16xf32>,
        %mul3A_560 = arith.mulf %get3A_238, %get3A_559 : vector<16xf32>
        %add3A_561 = arith.addf %add3A_519, %mul3A_560 : vector<16xf32>
        %add3A_562 = arith.constant 384 : i32
        %add3A_563 = arith.addi %add3A_562, %scan3A_215 : i32
        %get3A_564 = arith.index_cast %add3A_563 : i32 to index
        %get3A_565 = arith.constant 112 : index
        %get3A_566 = tpu.vector_load %arg7[%get3A_564, %get3A_565] {strides = array<i32>} : memref<448x128xf32, #tpu.memory_space<vmem>>, vector<16xf32>,
        %mul3A_567 = arith.mulf %get3A_238, %get3A_566 : vector<16xf32>
        %add3A_568 = arith.addf %add3A_526, %mul3A_567 : vector<16xf32>
        %broadcast_in_dim3A = vector.shape_cast %and3A_119 : vector<16xi32> to vector<16x1xi32>
        %gather3A = vector.shape_cast %broadcast_in_dim3A : vector<16x1xi32> to vector<16xi32>
        %gather3A_569 = tpu.dynamic_gather %add3A_533[%gather3A] in [0] : vector<16xf32>, vector<16xi32> -> vector<16xf32>
        %add3A_570 = arith.addf %add3A_533, %gather3A_569 : vector<16xf32>
        %broadcast_in_dim3A_571 = vector.shape_cast %and3A_125 : vector<16xi32> to vector<16x1xi32>
        %gather3A_572 = vector.shape_cast %broadcast_in_dim3A_571 : vector<16x1xi32> to vector<16xi32>
        %gather3A_573 = tpu.dynamic_gather %add3A_570[%gather3A_572] in [0] : vector<16xf32>, vector<16xi32> -> vector<16xf32>
        %add3A_574 = arith.addf %add3A_570, %gather3A_573 : vector<16xf32>
        %broadcast_in_dim3A_575 = vector.shape_cast %and3A_131 : vector<16xi32> to vector<16x1xi32>
        %gather3A_576 = vector.shape_cast %broadcast_in_dim3A_575 : vector<16x1xi32> to vector<16xi32>
        %gather3A_577 = tpu.dynamic_gather %add3A_574[%gather3A_576] in [0] : vector<16xf32>, vector<16xi32> -> vector<16xf32>
        %add3A_578 = arith.addf %add3A_574, %gather3A_577 : vector<16xf32>
        %broadcast_in_dim3A_579 = vector.shape_cast %and3A_137 : vector<16xi32> to vector<16x1xi32>
        %gather3A_580 = vector.shape_cast %broadcast_in_dim3A_579 : vector<16x1xi32> to vector<16xi32>
        %gather3A_581 = tpu.dynamic_gather %add3A_578[%gather3A_580] in [0] : vector<16xf32>, vector<16xi32> -> vector<16xf32>
        %add3A_582 = arith.addf %add3A_578, %gather3A_581 : vector<16xf32>
        %add3A_583 = arith.constant 0 : i32
        %add3A_584 = arith.addi %add3A_583, %scan3A_215 : i32
        %broadcast_in_dim3A_585 = vector.broadcast %add3A_584 : i32 to vector<16xi32>
        tpu.vector_store_idx %arg9[%broadcast_in_dim3A_585], %add3A_582 masked %eq3A_114 : memref<384xf32, #tpu.memory_space<vmem>>[vector<16xi32>], vector<16xf32>, vector<16xi1>
        %broadcast_in_dim3A_586 = vector.shape_cast %and3A_119 : vector<16xi32> to vector<16x1xi32>
        %gather3A_587 = vector.shape_cast %broadcast_in_dim3A_586 : vector<16x1xi32> to vector<16xi32>
        %gather3A_588 = tpu.dynamic_gather %add3A_540[%gather3A_587] in [0] : vector<16xf32>, vector<16xi32> -> vector<16xf32>
        %add3A_589 = arith.addf %add3A_540, %gather3A_588 : vector<16xf32>
        %broadcast_in_dim3A_590 = vector.shape_cast %and3A_125 : vector<16xi32> to vector<16x1xi32>
        %gather3A_591 = vector.shape_cast %broadcast_in_dim3A_590 : vector<16x1xi32> to vector<16xi32>
        %gather3A_592 = tpu.dynamic_gather %add3A_589[%gather3A_591] in [0] : vector<16xf32>, vector<16xi32> -> vector<16xf32>
        %add3A_593 = arith.addf %add3A_589, %gather3A_592 : vector<16xf32>
        %broadcast_in_dim3A_594 = vector.shape_cast %and3A_131 : vector<16xi32> to vector<16x1xi32>
        %gather3A_595 = vector.shape_cast %broadcast_in_dim3A_594 : vector<16x1xi32> to vector<16xi32>
        %gather3A_596 = tpu.dynamic_gather %add3A_593[%gather3A_595] in [0] : vector<16xf32>, vector<16xi32> -> vector<16xf32>
        %add3A_597 = arith.addf %add3A_593, %gather3A_596 : vector<16xf32>
        %broadcast_in_dim3A_598 = vector.shape_cast %and3A_137 : vector<16xi32> to vector<16x1xi32>
        %gather3A_599 = vector.shape_cast %broadcast_in_dim3A_598 : vector<16x1xi32> to vector<16xi32>
        %gather3A_600 = tpu.dynamic_gather %add3A_597[%gather3A_599] in [0] : vector<16xf32>, vector<16xi32> -> vector<16xf32>
        %add3A_601 = arith.addf %add3A_597, %gather3A_600 : vector<16xf32>
        %add3A_602 = arith.constant 64 : i32
        %add3A_603 = arith.addi %add3A_602, %scan3A_215 : i32
        %broadcast_in_dim3A_604 = vector.broadcast %add3A_603 : i32 to vector<16xi32>
        tpu.vector_store_idx %arg9[%broadcast_in_dim3A_604], %add3A_601 masked %eq3A_114 : memref<384xf32, #tpu.memory_space<vmem>>[vector<16xi32>], vector<16xf32>, vector<16xi1>
        %broadcast_in_dim3A_605 = vector.shape_cast %and3A_119 : vector<16xi32> to vector<16x1xi32>
        %gather3A_606 = vector.shape_cast %broadcast_in_dim3A_605 : vector<16x1xi32> to vector<16xi32>
        %gather3A_607 = tpu.dynamic_gather %add3A_547[%gather3A_606] in [0] : vector<16xf32>, vector<16xi32> -> vector<16xf32>
        %add3A_608 = arith.addf %add3A_547, %gather3A_607 : vector<16xf32>
        %broadcast_in_dim3A_609 = vector.shape_cast %and3A_125 : vector<16xi32> to vector<16x1xi32>
        %gather3A_610 = vector.shape_cast %broadcast_in_dim3A_609 : vector<16x1xi32> to vector<16xi32>
        %gather3A_611 = tpu.dynamic_gather %add3A_608[%gather3A_610] in [0] : vector<16xf32>, vector<16xi32> -> vector<16xf32>
        %add3A_612 = arith.addf %add3A_608, %gather3A_611 : vector<16xf32>
        %broadcast_in_dim3A_613 = vector.shape_cast %and3A_131 : vector<16xi32> to vector<16x1xi32>
        %gather3A_614 = vector.shape_cast %broadcast_in_dim3A_613 : vector<16x1xi32> to vector<16xi32>
        %gather3A_615 = tpu.dynamic_gather %add3A_612[%gather3A_614] in [0] : vector<16xf32>, vector<16xi32> -> vector<16xf32>
        %add3A_616 = arith.addf %add3A_612, %gather3A_615 : vector<16xf32>
        %broadcast_in_dim3A_617 = vector.shape_cast %and3A_137 : vector<16xi32> to vector<16x1xi32>
        %gather3A_618 = vector.shape_cast %broadcast_in_dim3A_617 : vector<16x1xi32> to vector<16xi32>
        %gather3A_619 = tpu.dynamic_gather %add3A_616[%gather3A_618] in [0] : vector<16xf32>, vector<16xi32> -> vector<16xf32>
        %add3A_620 = arith.addf %add3A_616, %gather3A_619 : vector<16xf32>
        %add3A_621 = arith.constant 128 : i32
        %add3A_622 = arith.addi %add3A_621, %scan3A_215 : i32
        %broadcast_in_dim3A_623 = vector.broadcast %add3A_622 : i32 to vector<16xi32>
        tpu.vector_store_idx %arg9[%broadcast_in_dim3A_623], %add3A_620 masked %eq3A_114 : memref<384xf32, #tpu.memory_space<vmem>>[vector<16xi32>], vector<16xf32>, vector<16xi1>
        %broadcast_in_dim3A_624 = vector.shape_cast %and3A_119 : vector<16xi32> to vector<16x1xi32>
        %gather3A_625 = vector.shape_cast %broadcast_in_dim3A_624 : vector<16x1xi32> to vector<16xi32>
        %gather3A_626 = tpu.dynamic_gather %add3A_554[%gather3A_625] in [0] : vector<16xf32>, vector<16xi32> -> vector<16xf32>
        %add3A_627 = arith.addf %add3A_554, %gather3A_626 : vector<16xf32>
        %broadcast_in_dim3A_628 = vector.shape_cast %and3A_125 : vector<16xi32> to vector<16x1xi32>
        %gather3A_629 = vector.shape_cast %broadcast_in_dim3A_628 : vector<16x1xi32> to vector<16xi32>
        %gather3A_630 = tpu.dynamic_gather %add3A_627[%gather3A_629] in [0] : vector<16xf32>, vector<16xi32> -> vector<16xf32>
        %add3A_631 = arith.addf %add3A_627, %gather3A_630 : vector<16xf32>
        %broadcast_in_dim3A_632 = vector.shape_cast %and3A_131 : vector<16xi32> to vector<16x1xi32>
        %gather3A_633 = vector.shape_cast %broadcast_in_dim3A_632 : vector<16x1xi32> to vector<16xi32>
        %gather3A_634 = tpu.dynamic_gather %add3A_631[%gather3A_633] in [0] : vector<16xf32>, vector<16xi32> -> vector<16xf32>
        %add3A_635 = arith.addf %add3A_631, %gather3A_634 : vector<16xf32>
        %broadcast_in_dim3A_636 = vector.shape_cast %and3A_137 : vector<16xi32> to vector<16x1xi32>
        %gather3A_637 = vector.shape_cast %broadcast_in_dim3A_636 : vector<16x1xi32> to vector<16xi32>
        %gather3A_638 = tpu.dynamic_gather %add3A_635[%gather3A_637] in [0] : vector<16xf32>, vector<16xi32> -> vector<16xf32>
        %add3A_639 = arith.addf %add3A_635, %gather3A_638 : vector<16xf32>
        %add3A_640 = arith.constant 192 : i32
        %add3A_641 = arith.addi %add3A_640, %scan3A_215 : i32
        %broadcast_in_dim3A_642 = vector.broadcast %add3A_641 : i32 to vector<16xi32>
        tpu.vector_store_idx %arg9[%broadcast_in_dim3A_642], %add3A_639 masked %eq3A_114 : memref<384xf32, #tpu.memory_space<vmem>>[vector<16xi32>], vector<16xf32>, vector<16xi1>
        %broadcast_in_dim3A_643 = vector.shape_cast %and3A_119 : vector<16xi32> to vector<16x1xi32>
        %gather3A_644 = vector.shape_cast %broadcast_in_dim3A_643 : vector<16x1xi32> to vector<16xi32>
        %gather3A_645 = tpu.dynamic_gather %add3A_561[%gather3A_644] in [0] : vector<16xf32>, vector<16xi32> -> vector<16xf32>
        %add3A_646 = arith.addf %add3A_561, %gather3A_645 : vector<16xf32>
        %broadcast_in_dim3A_647 = vector.shape_cast %and3A_125 : vector<16xi32> to vector<16x1xi32>
        %gather3A_648 = vector.shape_cast %broadcast_in_dim3A_647 : vector<16x1xi32> to vector<16xi32>
        %gather3A_649 = tpu.dynamic_gather %add3A_646[%gather3A_648] in [0] : vector<16xf32>, vector<16xi32> -> vector<16xf32>
        %add3A_650 = arith.addf %add3A_646, %gather3A_649 : vector<16xf32>
        %broadcast_in_dim3A_651 = vector.shape_cast %and3A_131 : vector<16xi32> to vector<16x1xi32>
        %gather3A_652 = vector.shape_cast %broadcast_in_dim3A_651 : vector<16x1xi32> to vector<16xi32>
        %gather3A_653 = tpu.dynamic_gather %add3A_650[%gather3A_652] in [0] : vector<16xf32>, vector<16xi32> -> vector<16xf32>
        %add3A_654 = arith.addf %add3A_650, %gather3A_653 : vector<16xf32>
        %broadcast_in_dim3A_655 = vector.shape_cast %and3A_137 : vector<16xi32> to vector<16x1xi32>
        %gather3A_656 = vector.shape_cast %broadcast_in_dim3A_655 : vector<16x1xi32> to vector<16xi32>
        %gather3A_657 = tpu.dynamic_gather %add3A_654[%gather3A_656] in [0] : vector<16xf32>, vector<16xi32> -> vector<16xf32>
        %add3A_658 = arith.addf %add3A_654, %gather3A_657 : vector<16xf32>
        %add3A_659 = arith.constant 256 : i32
        %add3A_660 = arith.addi %add3A_659, %scan3A_215 : i32
        %broadcast_in_dim3A_661 = vector.broadcast %add3A_660 : i32 to vector<16xi32>
        tpu.vector_store_idx %arg9[%broadcast_in_dim3A_661], %add3A_658 masked %eq3A_114 : memref<384xf32, #tpu.memory_space<vmem>>[vector<16xi32>], vector<16xf32>, vector<16xi1>
        %broadcast_in_dim3A_662 = vector.shape_cast %and3A_119 : vector<16xi32> to vector<16x1xi32>
        %gather3A_663 = vector.shape_cast %broadcast_in_dim3A_662 : vector<16x1xi32> to vector<16xi32>
        %gather3A_664 = tpu.dynamic_gather %add3A_568[%gather3A_663] in [0] : vector<16xf32>, vector<16xi32> -> vector<16xf32>
        %add3A_665 = arith.addf %add3A_568, %gather3A_664 : vector<16xf32>
        %broadcast_in_dim3A_666 = vector.shape_cast %and3A_125 : vector<16xi32> to vector<16x1xi32>
        %gather3A_667 = vector.shape_cast %broadcast_in_dim3A_666 : vector<16x1xi32> to vector<16xi32>
        %gather3A_668 = tpu.dynamic_gather %add3A_665[%gather3A_667] in [0] : vector<16xf32>, vector<16xi32> -> vector<16xf32>
        %add3A_669 = arith.addf %add3A_665, %gather3A_668 : vector<16xf32>
        %broadcast_in_dim3A_670 = vector.shape_cast %and3A_131 : vector<16xi32> to vector<16x1xi32>
        %gather3A_671 = vector.shape_cast %broadcast_in_dim3A_670 : vector<16x1xi32> to vector<16xi32>
        %gather3A_672 = tpu.dynamic_gather %add3A_669[%gather3A_671] in [0] : vector<16xf32>, vector<16xi32> -> vector<16xf32>
        %add3A_673 = arith.addf %add3A_669, %gather3A_672 : vector<16xf32>
        %broadcast_in_dim3A_674 = vector.shape_cast %and3A_137 : vector<16xi32> to vector<16x1xi32>
        %gather3A_675 = vector.shape_cast %broadcast_in_dim3A_674 : vector<16x1xi32> to vector<16xi32>
        %gather3A_676 = tpu.dynamic_gather %add3A_673[%gather3A_675] in [0] : vector<16xf32>, vector<16xi32> -> vector<16xf32>
        %add3A_677 = arith.addf %add3A_673, %gather3A_676 : vector<16xf32>
        %add3A_678 = arith.constant 320 : i32
        %add3A_679 = arith.addi %add3A_678, %scan3A_215 : i32
        %broadcast_in_dim3A_680 = vector.broadcast %add3A_679 : i32 to vector<16xi32>
        tpu.vector_store_idx %arg9[%broadcast_in_dim3A_680], %add3A_677 masked %eq3A_114 : memref<384xf32, #tpu.memory_space<vmem>>[vector<16xi32>], vector<16xf32>, vector<16xi1>
        %scan3A_681 = arith.constant 1 : i32
        %scan3A_682 = arith.addi %scan3A_215, %scan3A_681 : i32
        %get3A_683 = arith.index_cast %scan3A_682 : i32 to index
        %get3A_684 = arith.constant 0 : index
        %get3A_685 = tpu.vector_load %arg7[%get3A_683, %get3A_684] {strides = array<i32>} : memref<448x128xf32, #tpu.memory_space<vmem>>, vector<16xf32>,
        %get3A_686 = arith.index_cast %scan3A_682 : i32 to index
        %get3A_687 = arith.constant 16 : index
        %get3A_688 = tpu.vector_load %arg7[%get3A_686, %get3A_687] {strides = array<i32>} : memref<448x128xf32, #tpu.memory_space<vmem>>, vector<16xf32>,
        %get3A_689 = arith.index_cast %scan3A_682 : i32 to index
        %get3A_690 = arith.constant 32 : index
        %get3A_691 = tpu.vector_load %arg7[%get3A_689, %get3A_690] {strides = array<i32>} : memref<448x128xf32, #tpu.memory_space<vmem>>, vector<16xf32>,
        %get3A_692 = arith.index_cast %scan3A_682 : i32 to index
        %get3A_693 = arith.constant 48 : index
        %get3A_694 = tpu.vector_load %arg7[%get3A_692, %get3A_693] {strides = array<i32>} : memref<448x128xf32, #tpu.memory_space<vmem>>, vector<16xf32>,
        %get3A_695 = arith.index_cast %scan3A_682 : i32 to index
        %get3A_696 = arith.constant 64 : index
        %get3A_697 = tpu.vector_load %arg7[%get3A_695, %get3A_696] {strides = array<i32>} : memref<448x128xf32, #tpu.memory_space<vmem>>, vector<16xf32>,
        %get3A_698 = arith.index_cast %scan3A_682 : i32 to index
        %get3A_699 = arith.constant 80 : index
        %get3A_700 = tpu.vector_load %arg7[%get3A_698, %get3A_699] {strides = array<i32>} : memref<448x128xf32, #tpu.memory_space<vmem>>, vector<16xf32>,
        %get3A_701 = arith.index_cast %scan3A_682 : i32 to index
        %get3A_702 = arith.constant 96 : index
        %get3A_703 = tpu.vector_load %arg7[%get3A_701, %get3A_702] {strides = array<i32>} : memref<448x128xf32, #tpu.memory_space<vmem>>, vector<16xf32>,
        %get3A_704 = arith.index_cast %scan3A_682 : i32 to index
        %get3A_705 = arith.constant 112 : index
        %get3A_706 = tpu.vector_load %arg7[%get3A_704, %get3A_705] {strides = array<i32>} : memref<448x128xf32, #tpu.memory_space<vmem>>, vector<16xf32>,
        %add3A_707 = arith.constant 64 : i32
        %add3A_708 = arith.addi %add3A_707, %scan3A_682 : i32
        %get3A_709 = arith.index_cast %add3A_708 : i32 to index
        %get3A_710 = arith.constant 0 : index
        %get3A_711 = tpu.vector_load %arg7[%get3A_709, %get3A_710] {strides = array<i32>} : memref<448x128xf32, #tpu.memory_space<vmem>>, vector<16xf32>,
        %mul3A_712 = arith.mulf %get3A_685, %get3A_711 : vector<16xf32>
        %add3A_713 = arith.constant 128 : i32
        %add3A_714 = arith.addi %add3A_713, %scan3A_682 : i32
        %get3A_715 = arith.index_cast %add3A_714 : i32 to index
        %get3A_716 = arith.constant 0 : index
        %get3A_717 = tpu.vector_load %arg7[%get3A_715, %get3A_716] {strides = array<i32>} : memref<448x128xf32, #tpu.memory_space<vmem>>, vector<16xf32>,
        %mul3A_718 = arith.mulf %get3A_685, %get3A_717 : vector<16xf32>
        %add3A_719 = arith.constant 192 : i32
        %add3A_720 = arith.addi %add3A_719, %scan3A_682 : i32
        %get3A_721 = arith.index_cast %add3A_720 : i32 to index
        %get3A_722 = arith.constant 0 : index
        %get3A_723 = tpu.vector_load %arg7[%get3A_721, %get3A_722] {strides = array<i32>} : memref<448x128xf32, #tpu.memory_space<vmem>>, vector<16xf32>,
        %mul3A_724 = arith.mulf %get3A_685, %get3A_723 : vector<16xf32>
        %add3A_725 = arith.constant 256 : i32
        %add3A_726 = arith.addi %add3A_725, %scan3A_682 : i32
        %get3A_727 = arith.index_cast %add3A_726 : i32 to index
        %get3A_728 = arith.constant 0 : index
        %get3A_729 = tpu.vector_load %arg7[%get3A_727, %get3A_728] {strides = array<i32>} : memref<448x128xf32, #tpu.memory_space<vmem>>, vector<16xf32>,
        %mul3A_730 = arith.mulf %get3A_685, %get3A_729 : vector<16xf32>
        %add3A_731 = arith.constant 320 : i32
        %add3A_732 = arith.addi %add3A_731, %scan3A_682 : i32
        %get3A_733 = arith.index_cast %add3A_732 : i32 to index
        %get3A_734 = arith.constant 0 : index
        %get3A_735 = tpu.vector_load %arg7[%get3A_733, %get3A_734] {strides = array<i32>} : memref<448x128xf32, #tpu.memory_space<vmem>>, vector<16xf32>,
        %mul3A_736 = arith.mulf %get3A_685, %get3A_735 : vector<16xf32>
        %add3A_737 = arith.constant 384 : i32
        %add3A_738 = arith.addi %add3A_737, %scan3A_682 : i32
        %get3A_739 = arith.index_cast %add3A_738 : i32 to index
        %get3A_740 = arith.constant 0 : index
        %get3A_741 = tpu.vector_load %arg7[%get3A_739, %get3A_740] {strides = array<i32>} : memref<448x128xf32, #tpu.memory_space<vmem>>, vector<16xf32>,
        %mul3A_742 = arith.mulf %get3A_685, %get3A_741 : vector<16xf32>
        %add3A_743 = arith.constant 64 : i32
        %add3A_744 = arith.addi %add3A_743, %scan3A_682 : i32
        %get3A_745 = arith.index_cast %add3A_744 : i32 to index
        %get3A_746 = arith.constant 16 : index
        %get3A_747 = tpu.vector_load %arg7[%get3A_745, %get3A_746] {strides = array<i32>} : memref<448x128xf32, #tpu.memory_space<vmem>>, vector<16xf32>,
        %mul3A_748 = arith.mulf %get3A_688, %get3A_747 : vector<16xf32>
        %add3A_749 = arith.addf %mul3A_712, %mul3A_748 : vector<16xf32>
        %add3A_750 = arith.constant 128 : i32
        %add3A_751 = arith.addi %add3A_750, %scan3A_682 : i32
        %get3A_752 = arith.index_cast %add3A_751 : i32 to index
        %get3A_753 = arith.constant 16 : index
        %get3A_754 = tpu.vector_load %arg7[%get3A_752, %get3A_753] {strides = array<i32>} : memref<448x128xf32, #tpu.memory_space<vmem>>, vector<16xf32>,
        %mul3A_755 = arith.mulf %get3A_688, %get3A_754 : vector<16xf32>
        %add3A_756 = arith.addf %mul3A_718, %mul3A_755 : vector<16xf32>
        %add3A_757 = arith.constant 192 : i32
        %add3A_758 = arith.addi %add3A_757, %scan3A_682 : i32
        %get3A_759 = arith.index_cast %add3A_758 : i32 to index
        %get3A_760 = arith.constant 16 : index
        %get3A_761 = tpu.vector_load %arg7[%get3A_759, %get3A_760] {strides = array<i32>} : memref<448x128xf32, #tpu.memory_space<vmem>>, vector<16xf32>,
        %mul3A_762 = arith.mulf %get3A_688, %get3A_761 : vector<16xf32>
        %add3A_763 = arith.addf %mul3A_724, %mul3A_762 : vector<16xf32>
        %add3A_764 = arith.constant 256 : i32
        %add3A_765 = arith.addi %add3A_764, %scan3A_682 : i32
        %get3A_766 = arith.index_cast %add3A_765 : i32 to index
        %get3A_767 = arith.constant 16 : index
        %get3A_768 = tpu.vector_load %arg7[%get3A_766, %get3A_767] {strides = array<i32>} : memref<448x128xf32, #tpu.memory_space<vmem>>, vector<16xf32>,
        %mul3A_769 = arith.mulf %get3A_688, %get3A_768 : vector<16xf32>
        %add3A_770 = arith.addf %mul3A_730, %mul3A_769 : vector<16xf32>
        %add3A_771 = arith.constant 320 : i32
        %add3A_772 = arith.addi %add3A_771, %scan3A_682 : i32
        %get3A_773 = arith.index_cast %add3A_772 : i32 to index
        %get3A_774 = arith.constant 16 : index
        %get3A_775 = tpu.vector_load %arg7[%get3A_773, %get3A_774] {strides = array<i32>} : memref<448x128xf32, #tpu.memory_space<vmem>>, vector<16xf32>,
        %mul3A_776 = arith.mulf %get3A_688, %get3A_775 : vector<16xf32>
        %add3A_777 = arith.addf %mul3A_736, %mul3A_776 : vector<16xf32>
        %add3A_778 = arith.constant 384 : i32
        %add3A_779 = arith.addi %add3A_778, %scan3A_682 : i32
        %get3A_780 = arith.index_cast %add3A_779 : i32 to index
        %get3A_781 = arith.constant 16 : index
        %get3A_782 = tpu.vector_load %arg7[%get3A_780, %get3A_781] {strides = array<i32>} : memref<448x128xf32, #tpu.memory_space<vmem>>, vector<16xf32>,
        %mul3A_783 = arith.mulf %get3A_688, %get3A_782 : vector<16xf32>
        %add3A_784 = arith.addf %mul3A_742, %mul3A_783 : vector<16xf32>
        %add3A_785 = arith.constant 64 : i32
        %add3A_786 = arith.addi %add3A_785, %scan3A_682 : i32
        %get3A_787 = arith.index_cast %add3A_786 : i32 to index
        %get3A_788 = arith.constant 32 : index
        %get3A_789 = tpu.vector_load %arg7[%get3A_787, %get3A_788] {strides = array<i32>} : memref<448x128xf32, #tpu.memory_space<vmem>>, vector<16xf32>,
        %mul3A_790 = arith.mulf %get3A_691, %get3A_789 : vector<16xf32>
        %add3A_791 = arith.addf %add3A_749, %mul3A_790 : vector<16xf32>
        %add3A_792 = arith.constant 128 : i32
        %add3A_793 = arith.addi %add3A_792, %scan3A_682 : i32
        %get3A_794 = arith.index_cast %add3A_793 : i32 to index
        %get3A_795 = arith.constant 32 : index
        %get3A_796 = tpu.vector_load %arg7[%get3A_794, %get3A_795] {strides = array<i32>} : memref<448x128xf32, #tpu.memory_space<vmem>>, vector<16xf32>,
        %mul3A_797 = arith.mulf %get3A_691, %get3A_796 : vector<16xf32>
        %add3A_798 = arith.addf %add3A_756, %mul3A_797 : vector<16xf32>
        %add3A_799 = arith.constant 192 : i32
        %add3A_800 = arith.addi %add3A_799, %scan3A_682 : i32
        %get3A_801 = arith.index_cast %add3A_800 : i32 to index
        %get3A_802 = arith.constant 32 : index
        %get3A_803 = tpu.vector_load %arg7[%get3A_801, %get3A_802] {strides = array<i32>} : memref<448x128xf32, #tpu.memory_space<vmem>>, vector<16xf32>,
        %mul3A_804 = arith.mulf %get3A_691, %get3A_803 : vector<16xf32>
        %add3A_805 = arith.addf %add3A_763, %mul3A_804 : vector<16xf32>
        %add3A_806 = arith.constant 256 : i32
        %add3A_807 = arith.addi %add3A_806, %scan3A_682 : i32
        %get3A_808 = arith.index_cast %add3A_807 : i32 to index
        %get3A_809 = arith.constant 32 : index
        %get3A_810 = tpu.vector_load %arg7[%get3A_808, %get3A_809] {strides = array<i32>} : memref<448x128xf32, #tpu.memory_space<vmem>>, vector<16xf32>,
        %mul3A_811 = arith.mulf %get3A_691, %get3A_810 : vector<16xf32>
        %add3A_812 = arith.addf %add3A_770, %mul3A_811 : vector<16xf32>
        %add3A_813 = arith.constant 320 : i32
        %add3A_814 = arith.addi %add3A_813, %scan3A_682 : i32
        %get3A_815 = arith.index_cast %add3A_814 : i32 to index
        %get3A_816 = arith.constant 32 : index
        %get3A_817 = tpu.vector_load %arg7[%get3A_815, %get3A_816] {strides = array<i32>} : memref<448x128xf32, #tpu.memory_space<vmem>>, vector<16xf32>,
        %mul3A_818 = arith.mulf %get3A_691, %get3A_817 : vector<16xf32>
        %add3A_819 = arith.addf %add3A_777, %mul3A_818 : vector<16xf32>
        %add3A_820 = arith.constant 384 : i32
        %add3A_821 = arith.addi %add3A_820, %scan3A_682 : i32
        %get3A_822 = arith.index_cast %add3A_821 : i32 to index
        %get3A_823 = arith.constant 32 : index
        %get3A_824 = tpu.vector_load %arg7[%get3A_822, %get3A_823] {strides = array<i32>} : memref<448x128xf32, #tpu.memory_space<vmem>>, vector<16xf32>,
        %mul3A_825 = arith.mulf %get3A_691, %get3A_824 : vector<16xf32>
        %add3A_826 = arith.addf %add3A_784, %mul3A_825 : vector<16xf32>
        %add3A_827 = arith.constant 64 : i32
        %add3A_828 = arith.addi %add3A_827, %scan3A_682 : i32
        %get3A_829 = arith.index_cast %add3A_828 : i32 to index
        %get3A_830 = arith.constant 48 : index
        %get3A_831 = tpu.vector_load %arg7[%get3A_829, %get3A_830] {strides = array<i32>} : memref<448x128xf32, #tpu.memory_space<vmem>>, vector<16xf32>,
        %mul3A_832 = arith.mulf %get3A_694, %get3A_831 : vector<16xf32>
        %add3A_833 = arith.addf %add3A_791, %mul3A_832 : vector<16xf32>
        %add3A_834 = arith.constant 128 : i32
        %add3A_835 = arith.addi %add3A_834, %scan3A_682 : i32
        %get3A_836 = arith.index_cast %add3A_835 : i32 to index
        %get3A_837 = arith.constant 48 : index
        %get3A_838 = tpu.vector_load %arg7[%get3A_836, %get3A_837] {strides = array<i32>} : memref<448x128xf32, #tpu.memory_space<vmem>>, vector<16xf32>,
        %mul3A_839 = arith.mulf %get3A_694, %get3A_838 : vector<16xf32>
        %add3A_840 = arith.addf %add3A_798, %mul3A_839 : vector<16xf32>
        %add3A_841 = arith.constant 192 : i32
        %add3A_842 = arith.addi %add3A_841, %scan3A_682 : i32
        %get3A_843 = arith.index_cast %add3A_842 : i32 to index
        %get3A_844 = arith.constant 48 : index
        %get3A_845 = tpu.vector_load %arg7[%get3A_843, %get3A_844] {strides = array<i32>} : memref<448x128xf32, #tpu.memory_space<vmem>>, vector<16xf32>,
        %mul3A_846 = arith.mulf %get3A_694, %get3A_845 : vector<16xf32>
        %add3A_847 = arith.addf %add3A_805, %mul3A_846 : vector<16xf32>
        %add3A_848 = arith.constant 256 : i32
        %add3A_849 = arith.addi %add3A_848, %scan3A_682 : i32
        %get3A_850 = arith.index_cast %add3A_849 : i32 to index
        %get3A_851 = arith.constant 48 : index
        %get3A_852 = tpu.vector_load %arg7[%get3A_850, %get3A_851] {strides = array<i32>} : memref<448x128xf32, #tpu.memory_space<vmem>>, vector<16xf32>,
        %mul3A_853 = arith.mulf %get3A_694, %get3A_852 : vector<16xf32>
        %add3A_854 = arith.addf %add3A_812, %mul3A_853 : vector<16xf32>
        %add3A_855 = arith.constant 320 : i32
        %add3A_856 = arith.addi %add3A_855, %scan3A_682 : i32
        %get3A_857 = arith.index_cast %add3A_856 : i32 to index
        %get3A_858 = arith.constant 48 : index
        %get3A_859 = tpu.vector_load %arg7[%get3A_857, %get3A_858] {strides = array<i32>} : memref<448x128xf32, #tpu.memory_space<vmem>>, vector<16xf32>,
        %mul3A_860 = arith.mulf %get3A_694, %get3A_859 : vector<16xf32>
        %add3A_861 = arith.addf %add3A_819, %mul3A_860 : vector<16xf32>
        %add3A_862 = arith.constant 384 : i32
        %add3A_863 = arith.addi %add3A_862, %scan3A_682 : i32
        %get3A_864 = arith.index_cast %add3A_863 : i32 to index
        %get3A_865 = arith.constant 48 : index
        %get3A_866 = tpu.vector_load %arg7[%get3A_864, %get3A_865] {strides = array<i32>} : memref<448x128xf32, #tpu.memory_space<vmem>>, vector<16xf32>,
        %mul3A_867 = arith.mulf %get3A_694, %get3A_866 : vector<16xf32>
        %add3A_868 = arith.addf %add3A_826, %mul3A_867 : vector<16xf32>
        %add3A_869 = arith.constant 64 : i32
        %add3A_870 = arith.addi %add3A_869, %scan3A_682 : i32
        %get3A_871 = arith.index_cast %add3A_870 : i32 to index
        %get3A_872 = arith.constant 64 : index
        %get3A_873 = tpu.vector_load %arg7[%get3A_871, %get3A_872] {strides = array<i32>} : memref<448x128xf32, #tpu.memory_space<vmem>>, vector<16xf32>,
        %mul3A_874 = arith.mulf %get3A_697, %get3A_873 : vector<16xf32>
        %add3A_875 = arith.addf %add3A_833, %mul3A_874 : vector<16xf32>
        %add3A_876 = arith.constant 128 : i32
        %add3A_877 = arith.addi %add3A_876, %scan3A_682 : i32
        %get3A_878 = arith.index_cast %add3A_877 : i32 to index
        %get3A_879 = arith.constant 64 : index
        %get3A_880 = tpu.vector_load %arg7[%get3A_878, %get3A_879] {strides = array<i32>} : memref<448x128xf32, #tpu.memory_space<vmem>>, vector<16xf32>,
        %mul3A_881 = arith.mulf %get3A_697, %get3A_880 : vector<16xf32>
        %add3A_882 = arith.addf %add3A_840, %mul3A_881 : vector<16xf32>
        %add3A_883 = arith.constant 192 : i32
        %add3A_884 = arith.addi %add3A_883, %scan3A_682 : i32
        %get3A_885 = arith.index_cast %add3A_884 : i32 to index
        %get3A_886 = arith.constant 64 : index
        %get3A_887 = tpu.vector_load %arg7[%get3A_885, %get3A_886] {strides = array<i32>} : memref<448x128xf32, #tpu.memory_space<vmem>>, vector<16xf32>,
        %mul3A_888 = arith.mulf %get3A_697, %get3A_887 : vector<16xf32>
        %add3A_889 = arith.addf %add3A_847, %mul3A_888 : vector<16xf32>
        %add3A_890 = arith.constant 256 : i32
        %add3A_891 = arith.addi %add3A_890, %scan3A_682 : i32
        %get3A_892 = arith.index_cast %add3A_891 : i32 to index
        %get3A_893 = arith.constant 64 : index
        %get3A_894 = tpu.vector_load %arg7[%get3A_892, %get3A_893] {strides = array<i32>} : memref<448x128xf32, #tpu.memory_space<vmem>>, vector<16xf32>,
        %mul3A_895 = arith.mulf %get3A_697, %get3A_894 : vector<16xf32>
        %add3A_896 = arith.addf %add3A_854, %mul3A_895 : vector<16xf32>
        %add3A_897 = arith.constant 320 : i32
        %add3A_898 = arith.addi %add3A_897, %scan3A_682 : i32
        %get3A_899 = arith.index_cast %add3A_898 : i32 to index
        %get3A_900 = arith.constant 64 : index
        %get3A_901 = tpu.vector_load %arg7[%get3A_899, %get3A_900] {strides = array<i32>} : memref<448x128xf32, #tpu.memory_space<vmem>>, vector<16xf32>,
        %mul3A_902 = arith.mulf %get3A_697, %get3A_901 : vector<16xf32>
        %add3A_903 = arith.addf %add3A_861, %mul3A_902 : vector<16xf32>
        %add3A_904 = arith.constant 384 : i32
        %add3A_905 = arith.addi %add3A_904, %scan3A_682 : i32
        %get3A_906 = arith.index_cast %add3A_905 : i32 to index
        %get3A_907 = arith.constant 64 : index
        %get3A_908 = tpu.vector_load %arg7[%get3A_906, %get3A_907] {strides = array<i32>} : memref<448x128xf32, #tpu.memory_space<vmem>>, vector<16xf32>,
        %mul3A_909 = arith.mulf %get3A_697, %get3A_908 : vector<16xf32>
        %add3A_910 = arith.addf %add3A_868, %mul3A_909 : vector<16xf32>
        %add3A_911 = arith.constant 64 : i32
        %add3A_912 = arith.addi %add3A_911, %scan3A_682 : i32
        %get3A_913 = arith.index_cast %add3A_912 : i32 to index
        %get3A_914 = arith.constant 80 : index
        %get3A_915 = tpu.vector_load %arg7[%get3A_913, %get3A_914] {strides = array<i32>} : memref<448x128xf32, #tpu.memory_space<vmem>>, vector<16xf32>,
        %mul3A_916 = arith.mulf %get3A_700, %get3A_915 : vector<16xf32>
        %add3A_917 = arith.addf %add3A_875, %mul3A_916 : vector<16xf32>
        %add3A_918 = arith.constant 128 : i32
        %add3A_919 = arith.addi %add3A_918, %scan3A_682 : i32
        %get3A_920 = arith.index_cast %add3A_919 : i32 to index
        %get3A_921 = arith.constant 80 : index
        %get3A_922 = tpu.vector_load %arg7[%get3A_920, %get3A_921] {strides = array<i32>} : memref<448x128xf32, #tpu.memory_space<vmem>>, vector<16xf32>,
        %mul3A_923 = arith.mulf %get3A_700, %get3A_922 : vector<16xf32>
        %add3A_924 = arith.addf %add3A_882, %mul3A_923 : vector<16xf32>
        %add3A_925 = arith.constant 192 : i32
        %add3A_926 = arith.addi %add3A_925, %scan3A_682 : i32
        %get3A_927 = arith.index_cast %add3A_926 : i32 to index
        %get3A_928 = arith.constant 80 : index
        %get3A_929 = tpu.vector_load %arg7[%get3A_927, %get3A_928] {strides = array<i32>} : memref<448x128xf32, #tpu.memory_space<vmem>>, vector<16xf32>,
        %mul3A_930 = arith.mulf %get3A_700, %get3A_929 : vector<16xf32>
        %add3A_931 = arith.addf %add3A_889, %mul3A_930 : vector<16xf32>
        %add3A_932 = arith.constant 256 : i32
        %add3A_933 = arith.addi %add3A_932, %scan3A_682 : i32
        %get3A_934 = arith.index_cast %add3A_933 : i32 to index
        %get3A_935 = arith.constant 80 : index
        %get3A_936 = tpu.vector_load %arg7[%get3A_934, %get3A_935] {strides = array<i32>} : memref<448x128xf32, #tpu.memory_space<vmem>>, vector<16xf32>,
        %mul3A_937 = arith.mulf %get3A_700, %get3A_936 : vector<16xf32>
        %add3A_938 = arith.addf %add3A_896, %mul3A_937 : vector<16xf32>
        %add3A_939 = arith.constant 320 : i32
        %add3A_940 = arith.addi %add3A_939, %scan3A_682 : i32
        %get3A_941 = arith.index_cast %add3A_940 : i32 to index
        %get3A_942 = arith.constant 80 : index
        %get3A_943 = tpu.vector_load %arg7[%get3A_941, %get3A_942] {strides = array<i32>} : memref<448x128xf32, #tpu.memory_space<vmem>>, vector<16xf32>,
        %mul3A_944 = arith.mulf %get3A_700, %get3A_943 : vector<16xf32>
        %add3A_945 = arith.addf %add3A_903, %mul3A_944 : vector<16xf32>
        %add3A_946 = arith.constant 384 : i32
        %add3A_947 = arith.addi %add3A_946, %scan3A_682 : i32
        %get3A_948 = arith.index_cast %add3A_947 : i32 to index
        %get3A_949 = arith.constant 80 : index
        %get3A_950 = tpu.vector_load %arg7[%get3A_948, %get3A_949] {strides = array<i32>} : memref<448x128xf32, #tpu.memory_space<vmem>>, vector<16xf32>,
        %mul3A_951 = arith.mulf %get3A_700, %get3A_950 : vector<16xf32>
        %add3A_952 = arith.addf %add3A_910, %mul3A_951 : vector<16xf32>
        %add3A_953 = arith.constant 64 : i32
        %add3A_954 = arith.addi %add3A_953, %scan3A_682 : i32
        %get3A_955 = arith.index_cast %add3A_954 : i32 to index
        %get3A_956 = arith.constant 96 : index
        %get3A_957 = tpu.vector_load %arg7[%get3A_955, %get3A_956] {strides = array<i32>} : memref<448x128xf32, #tpu.memory_space<vmem>>, vector<16xf32>,
        %mul3A_958 = arith.mulf %get3A_703, %get3A_957 : vector<16xf32>
        %add3A_959 = arith.addf %add3A_917, %mul3A_958 : vector<16xf32>
        %add3A_960 = arith.constant 128 : i32
        %add3A_961 = arith.addi %add3A_960, %scan3A_682 : i32
        %get3A_962 = arith.index_cast %add3A_961 : i32 to index
        %get3A_963 = arith.constant 96 : index
        %get3A_964 = tpu.vector_load %arg7[%get3A_962, %get3A_963] {strides = array<i32>} : memref<448x128xf32, #tpu.memory_space<vmem>>, vector<16xf32>,
        %mul3A_965 = arith.mulf %get3A_703, %get3A_964 : vector<16xf32>
        %add3A_966 = arith.addf %add3A_924, %mul3A_965 : vector<16xf32>
        %add3A_967 = arith.constant 192 : i32
        %add3A_968 = arith.addi %add3A_967, %scan3A_682 : i32
        %get3A_969 = arith.index_cast %add3A_968 : i32 to index
        %get3A_970 = arith.constant 96 : index
        %get3A_971 = tpu.vector_load %arg7[%get3A_969, %get3A_970] {strides = array<i32>} : memref<448x128xf32, #tpu.memory_space<vmem>>, vector<16xf32>,
        %mul3A_972 = arith.mulf %get3A_703, %get3A_971 : vector<16xf32>
        %add3A_973 = arith.addf %add3A_931, %mul3A_972 : vector<16xf32>
        %add3A_974 = arith.constant 256 : i32
        %add3A_975 = arith.addi %add3A_974, %scan3A_682 : i32
        %get3A_976 = arith.index_cast %add3A_975 : i32 to index
        %get3A_977 = arith.constant 96 : index
        %get3A_978 = tpu.vector_load %arg7[%get3A_976, %get3A_977] {strides = array<i32>} : memref<448x128xf32, #tpu.memory_space<vmem>>, vector<16xf32>,
        %mul3A_979 = arith.mulf %get3A_703, %get3A_978 : vector<16xf32>
        %add3A_980 = arith.addf %add3A_938, %mul3A_979 : vector<16xf32>
        %add3A_981 = arith.constant 320 : i32
        %add3A_982 = arith.addi %add3A_981, %scan3A_682 : i32
        %get3A_983 = arith.index_cast %add3A_982 : i32 to index
        %get3A_984 = arith.constant 96 : index
        %get3A_985 = tpu.vector_load %arg7[%get3A_983, %get3A_984] {strides = array<i32>} : memref<448x128xf32, #tpu.memory_space<vmem>>, vector<16xf32>,
        %mul3A_986 = arith.mulf %get3A_703, %get3A_985 : vector<16xf32>
        %add3A_987 = arith.addf %add3A_945, %mul3A_986 : vector<16xf32>
        %add3A_988 = arith.constant 384 : i32
        %add3A_989 = arith.addi %add3A_988, %scan3A_682 : i32
        %get3A_990 = arith.index_cast %add3A_989 : i32 to index
        %get3A_991 = arith.constant 96 : index
        %get3A_992 = tpu.vector_load %arg7[%get3A_990, %get3A_991] {strides = array<i32>} : memref<448x128xf32, #tpu.memory_space<vmem>>, vector<16xf32>,
        %mul3A_993 = arith.mulf %get3A_703, %get3A_992 : vector<16xf32>
        %add3A_994 = arith.addf %add3A_952, %mul3A_993 : vector<16xf32>
        %add3A_995 = arith.constant 64 : i32
        %add3A_996 = arith.addi %add3A_995, %scan3A_682 : i32
        %get3A_997 = arith.index_cast %add3A_996 : i32 to index
        %get3A_998 = arith.constant 112 : index
        %get3A_999 = tpu.vector_load %arg7[%get3A_997, %get3A_998] {strides = array<i32>} : memref<448x128xf32, #tpu.memory_space<vmem>>, vector<16xf32>,
        %mul3A_1000 = arith.mulf %get3A_706, %get3A_999 : vector<16xf32>
        %add3A_1001 = arith.addf %add3A_959, %mul3A_1000 : vector<16xf32>
        %add3A_1002 = arith.constant 128 : i32
        %add3A_1003 = arith.addi %add3A_1002, %scan3A_682 : i32
        %get3A_1004 = arith.index_cast %add3A_1003 : i32 to index
        %get3A_1005 = arith.constant 112 : index
        %get3A_1006 = tpu.vector_load %arg7[%get3A_1004, %get3A_1005] {strides = array<i32>} : memref<448x128xf32, #tpu.memory_space<vmem>>, vector<16xf32>,
        %mul3A_1007 = arith.mulf %get3A_706, %get3A_1006 : vector<16xf32>
        %add3A_1008 = arith.addf %add3A_966, %mul3A_1007 : vector<16xf32>
        %add3A_1009 = arith.constant 192 : i32
        %add3A_1010 = arith.addi %add3A_1009, %scan3A_682 : i32
        %get3A_1011 = arith.index_cast %add3A_1010 : i32 to index
        %get3A_1012 = arith.constant 112 : index
        %get3A_1013 = tpu.vector_load %arg7[%get3A_1011, %get3A_1012] {strides = array<i32>} : memref<448x128xf32, #tpu.memory_space<vmem>>, vector<16xf32>,
        %mul3A_1014 = arith.mulf %get3A_706, %get3A_1013 : vector<16xf32>
        %add3A_1015 = arith.addf %add3A_973, %mul3A_1014 : vector<16xf32>
        %add3A_1016 = arith.constant 256 : i32
        %add3A_1017 = arith.addi %add3A_1016, %scan3A_682 : i32
        %get3A_1018 = arith.index_cast %add3A_1017 : i32 to index
        %get3A_1019 = arith.constant 112 : index
        %get3A_1020 = tpu.vector_load %arg7[%get3A_1018, %get3A_1019] {strides = array<i32>} : memref<448x128xf32, #tpu.memory_space<vmem>>, vector<16xf32>,
        %mul3A_1021 = arith.mulf %get3A_706, %get3A_1020 : vector<16xf32>
        %add3A_1022 = arith.addf %add3A_980, %mul3A_1021 : vector<16xf32>
        %add3A_1023 = arith.constant 320 : i32
        %add3A_1024 = arith.addi %add3A_1023, %scan3A_682 : i32
        %get3A_1025 = arith.index_cast %add3A_1024 : i32 to index
        %get3A_1026 = arith.constant 112 : index
        %get3A_1027 = tpu.vector_load %arg7[%get3A_1025, %get3A_1026] {strides = array<i32>} : memref<448x128xf32, #tpu.memory_space<vmem>>, vector<16xf32>,
        %mul3A_1028 = arith.mulf %get3A_706, %get3A_1027 : vector<16xf32>
        %add3A_1029 = arith.addf %add3A_987, %mul3A_1028 : vector<16xf32>
        %add3A_1030 = arith.constant 384 : i32
        %add3A_1031 = arith.addi %add3A_1030, %scan3A_682 : i32
        %get3A_1032 = arith.index_cast %add3A_1031 : i32 to index
        %get3A_1033 = arith.constant 112 : index
        %get3A_1034 = tpu.vector_load %arg7[%get3A_1032, %get3A_1033] {strides = array<i32>} : memref<448x128xf32, #tpu.memory_space<vmem>>, vector<16xf32>,
        %mul3A_1035 = arith.mulf %get3A_706, %get3A_1034 : vector<16xf32>
        %add3A_1036 = arith.addf %add3A_994, %mul3A_1035 : vector<16xf32>
        %broadcast_in_dim3A_1037 = vector.shape_cast %and3A_119 : vector<16xi32> to vector<16x1xi32>
        %gather3A_1038 = vector.shape_cast %broadcast_in_dim3A_1037 : vector<16x1xi32> to vector<16xi32>
        %gather3A_1039 = tpu.dynamic_gather %add3A_1001[%gather3A_1038] in [0] : vector<16xf32>, vector<16xi32> -> vector<16xf32>
        %add3A_1040 = arith.addf %add3A_1001, %gather3A_1039 : vector<16xf32>
        %broadcast_in_dim3A_1041 = vector.shape_cast %and3A_125 : vector<16xi32> to vector<16x1xi32>
        %gather3A_1042 = vector.shape_cast %broadcast_in_dim3A_1041 : vector<16x1xi32> to vector<16xi32>
        %gather3A_1043 = tpu.dynamic_gather %add3A_1040[%gather3A_1042] in [0] : vector<16xf32>, vector<16xi32> -> vector<16xf32>
        %add3A_1044 = arith.addf %add3A_1040, %gather3A_1043 : vector<16xf32>
        %broadcast_in_dim3A_1045 = vector.shape_cast %and3A_131 : vector<16xi32> to vector<16x1xi32>
        %gather3A_1046 = vector.shape_cast %broadcast_in_dim3A_1045 : vector<16x1xi32> to vector<16xi32>
        %gather3A_1047 = tpu.dynamic_gather %add3A_1044[%gather3A_1046] in [0] : vector<16xf32>, vector<16xi32> -> vector<16xf32>
        %add3A_1048 = arith.addf %add3A_1044, %gather3A_1047 : vector<16xf32>
        %broadcast_in_dim3A_1049 = vector.shape_cast %and3A_137 : vector<16xi32> to vector<16x1xi32>
        %gather3A_1050 = vector.shape_cast %broadcast_in_dim3A_1049 : vector<16x1xi32> to vector<16xi32>
        %gather3A_1051 = tpu.dynamic_gather %add3A_1048[%gather3A_1050] in [0] : vector<16xf32>, vector<16xi32> -> vector<16xf32>
        %add3A_1052 = arith.addf %add3A_1048, %gather3A_1051 : vector<16xf32>
        %add3A_1053 = arith.constant 0 : i32
        %add3A_1054 = arith.addi %add3A_1053, %scan3A_682 : i32
        %broadcast_in_dim3A_1055 = vector.broadcast %add3A_1054 : i32 to vector<16xi32>
        tpu.vector_store_idx %arg9[%broadcast_in_dim3A_1055], %add3A_1052 masked %eq3A_114 : memref<384xf32, #tpu.memory_space<vmem>>[vector<16xi32>], vector<16xf32>, vector<16xi1>
        %broadcast_in_dim3A_1056 = vector.shape_cast %and3A_119 : vector<16xi32> to vector<16x1xi32>
        %gather3A_1057 = vector.shape_cast %broadcast_in_dim3A_1056 : vector<16x1xi32> to vector<16xi32>
        %gather3A_1058 = tpu.dynamic_gather %add3A_1008[%gather3A_1057] in [0] : vector<16xf32>, vector<16xi32> -> vector<16xf32>
        %add3A_1059 = arith.addf %add3A_1008, %gather3A_1058 : vector<16xf32>
        %broadcast_in_dim3A_1060 = vector.shape_cast %and3A_125 : vector<16xi32> to vector<16x1xi32>
        %gather3A_1061 = vector.shape_cast %broadcast_in_dim3A_1060 : vector<16x1xi32> to vector<16xi32>
        %gather3A_1062 = tpu.dynamic_gather %add3A_1059[%gather3A_1061] in [0] : vector<16xf32>, vector<16xi32> -> vector<16xf32>
        %add3A_1063 = arith.addf %add3A_1059, %gather3A_1062 : vector<16xf32>
        %broadcast_in_dim3A_1064 = vector.shape_cast %and3A_131 : vector<16xi32> to vector<16x1xi32>
        %gather3A_1065 = vector.shape_cast %broadcast_in_dim3A_1064 : vector<16x1xi32> to vector<16xi32>
        %gather3A_1066 = tpu.dynamic_gather %add3A_1063[%gather3A_1065] in [0] : vector<16xf32>, vector<16xi32> -> vector<16xf32>
        %add3A_1067 = arith.addf %add3A_1063, %gather3A_1066 : vector<16xf32>
        %broadcast_in_dim3A_1068 = vector.shape_cast %and3A_137 : vector<16xi32> to vector<16x1xi32>
        %gather3A_1069 = vector.shape_cast %broadcast_in_dim3A_1068 : vector<16x1xi32> to vector<16xi32>
        %gather3A_1070 = tpu.dynamic_gather %add3A_1067[%gather3A_1069] in [0] : vector<16xf32>, vector<16xi32> -> vector<16xf32>
        %add3A_1071 = arith.addf %add3A_1067, %gather3A_1070 : vector<16xf32>
        %add3A_1072 = arith.constant 64 : i32
        %add3A_1073 = arith.addi %add3A_1072, %scan3A_682 : i32
        %broadcast_in_dim3A_1074 = vector.broadcast %add3A_1073 : i32 to vector<16xi32>
        tpu.vector_store_idx %arg9[%broadcast_in_dim3A_1074], %add3A_1071 masked %eq3A_114 : memref<384xf32, #tpu.memory_space<vmem>>[vector<16xi32>], vector<16xf32>, vector<16xi1>
        %broadcast_in_dim3A_1075 = vector.shape_cast %and3A_119 : vector<16xi32> to vector<16x1xi32>
        %gather3A_1076 = vector.shape_cast %broadcast_in_dim3A_1075 : vector<16x1xi32> to vector<16xi32>
        %gather3A_1077 = tpu.dynamic_gather %add3A_1015[%gather3A_1076] in [0] : vector<16xf32>, vector<16xi32> -> vector<16xf32>
        %add3A_1078 = arith.addf %add3A_1015, %gather3A_1077 : vector<16xf32>
        %broadcast_in_dim3A_1079 = vector.shape_cast %and3A_125 : vector<16xi32> to vector<16x1xi32>
        %gather3A_1080 = vector.shape_cast %broadcast_in_dim3A_1079 : vector<16x1xi32> to vector<16xi32>
        %gather3A_1081 = tpu.dynamic_gather %add3A_1078[%gather3A_1080] in [0] : vector<16xf32>, vector<16xi32> -> vector<16xf32>
        %add3A_1082 = arith.addf %add3A_1078, %gather3A_1081 : vector<16xf32>
        %broadcast_in_dim3A_1083 = vector.shape_cast %and3A_131 : vector<16xi32> to vector<16x1xi32>
        %gather3A_1084 = vector.shape_cast %broadcast_in_dim3A_1083 : vector<16x1xi32> to vector<16xi32>
        %gather3A_1085 = tpu.dynamic_gather %add3A_1082[%gather3A_1084] in [0] : vector<16xf32>, vector<16xi32> -> vector<16xf32>
        %add3A_1086 = arith.addf %add3A_1082, %gather3A_1085 : vector<16xf32>
        %broadcast_in_dim3A_1087 = vector.shape_cast %and3A_137 : vector<16xi32> to vector<16x1xi32>
        %gather3A_1088 = vector.shape_cast %broadcast_in_dim3A_1087 : vector<16x1xi32> to vector<16xi32>
        %gather3A_1089 = tpu.dynamic_gather %add3A_1086[%gather3A_1088] in [0] : vector<16xf32>, vector<16xi32> -> vector<16xf32>
        %add3A_1090 = arith.addf %add3A_1086, %gather3A_1089 : vector<16xf32>
        %add3A_1091 = arith.constant 128 : i32
        %add3A_1092 = arith.addi %add3A_1091, %scan3A_682 : i32
        %broadcast_in_dim3A_1093 = vector.broadcast %add3A_1092 : i32 to vector<16xi32>
        tpu.vector_store_idx %arg9[%broadcast_in_dim3A_1093], %add3A_1090 masked %eq3A_114 : memref<384xf32, #tpu.memory_space<vmem>>[vector<16xi32>], vector<16xf32>, vector<16xi1>
        %broadcast_in_dim3A_1094 = vector.shape_cast %and3A_119 : vector<16xi32> to vector<16x1xi32>
        %gather3A_1095 = vector.shape_cast %broadcast_in_dim3A_1094 : vector<16x1xi32> to vector<16xi32>
        %gather3A_1096 = tpu.dynamic_gather %add3A_1022[%gather3A_1095] in [0] : vector<16xf32>, vector<16xi32> -> vector<16xf32>
        %add3A_1097 = arith.addf %add3A_1022, %gather3A_1096 : vector<16xf32>
        %broadcast_in_dim3A_1098 = vector.shape_cast %and3A_125 : vector<16xi32> to vector<16x1xi32>
        %gather3A_1099 = vector.shape_cast %broadcast_in_dim3A_1098 : vector<16x1xi32> to vector<16xi32>
        %gather3A_1100 = tpu.dynamic_gather %add3A_1097[%gather3A_1099] in [0] : vector<16xf32>, vector<16xi32> -> vector<16xf32>
        %add3A_1101 = arith.addf %add3A_1097, %gather3A_1100 : vector<16xf32>
        %broadcast_in_dim3A_1102 = vector.shape_cast %and3A_131 : vector<16xi32> to vector<16x1xi32>
        %gather3A_1103 = vector.shape_cast %broadcast_in_dim3A_1102 : vector<16x1xi32> to vector<16xi32>
        %gather3A_1104 = tpu.dynamic_gather %add3A_1101[%gather3A_1103] in [0] : vector<16xf32>, vector<16xi32> -> vector<16xf32>
        %add3A_1105 = arith.addf %add3A_1101, %gather3A_1104 : vector<16xf32>
        %broadcast_in_dim3A_1106 = vector.shape_cast %and3A_137 : vector<16xi32> to vector<16x1xi32>
        %gather3A_1107 = vector.shape_cast %broadcast_in_dim3A_1106 : vector<16x1xi32> to vector<16xi32>
        %gather3A_1108 = tpu.dynamic_gather %add3A_1105[%gather3A_1107] in [0] : vector<16xf32>, vector<16xi32> -> vector<16xf32>
        %add3A_1109 = arith.addf %add3A_1105, %gather3A_1108 : vector<16xf32>
        %add3A_1110 = arith.constant 192 : i32
        %add3A_1111 = arith.addi %add3A_1110, %scan3A_682 : i32
        %broadcast_in_dim3A_1112 = vector.broadcast %add3A_1111 : i32 to vector<16xi32>
        tpu.vector_store_idx %arg9[%broadcast_in_dim3A_1112], %add3A_1109 masked %eq3A_114 : memref<384xf32, #tpu.memory_space<vmem>>[vector<16xi32>], vector<16xf32>, vector<16xi1>
        %broadcast_in_dim3A_1113 = vector.shape_cast %and3A_119 : vector<16xi32> to vector<16x1xi32>
        %gather3A_1114 = vector.shape_cast %broadcast_in_dim3A_1113 : vector<16x1xi32> to vector<16xi32>
        %gather3A_1115 = tpu.dynamic_gather %add3A_1029[%gather3A_1114] in [0] : vector<16xf32>, vector<16xi32> -> vector<16xf32>
        %add3A_1116 = arith.addf %add3A_1029, %gather3A_1115 : vector<16xf32>
        %broadcast_in_dim3A_1117 = vector.shape_cast %and3A_125 : vector<16xi32> to vector<16x1xi32>
        %gather3A_1118 = vector.shape_cast %broadcast_in_dim3A_1117 : vector<16x1xi32> to vector<16xi32>
        %gather3A_1119 = tpu.dynamic_gather %add3A_1116[%gather3A_1118] in [0] : vector<16xf32>, vector<16xi32> -> vector<16xf32>
        %add3A_1120 = arith.addf %add3A_1116, %gather3A_1119 : vector<16xf32>
        %broadcast_in_dim3A_1121 = vector.shape_cast %and3A_131 : vector<16xi32> to vector<16x1xi32>
        %gather3A_1122 = vector.shape_cast %broadcast_in_dim3A_1121 : vector<16x1xi32> to vector<16xi32>
        %gather3A_1123 = tpu.dynamic_gather %add3A_1120[%gather3A_1122] in [0] : vector<16xf32>, vector<16xi32> -> vector<16xf32>
        %add3A_1124 = arith.addf %add3A_1120, %gather3A_1123 : vector<16xf32>
        %broadcast_in_dim3A_1125 = vector.shape_cast %and3A_137 : vector<16xi32> to vector<16x1xi32>
        %gather3A_1126 = vector.shape_cast %broadcast_in_dim3A_1125 : vector<16x1xi32> to vector<16xi32>
        %gather3A_1127 = tpu.dynamic_gather %add3A_1124[%gather3A_1126] in [0] : vector<16xf32>, vector<16xi32> -> vector<16xf32>
        %add3A_1128 = arith.addf %add3A_1124, %gather3A_1127 : vector<16xf32>
        %add3A_1129 = arith.constant 256 : i32
        %add3A_1130 = arith.addi %add3A_1129, %scan3A_682 : i32
        %broadcast_in_dim3A_1131 = vector.broadcast %add3A_1130 : i32 to vector<16xi32>
        tpu.vector_store_idx %arg9[%broadcast_in_dim3A_1131], %add3A_1128 masked %eq3A_114 : memref<384xf32, #tpu.memory_space<vmem>>[vector<16xi32>], vector<16xf32>, vector<16xi1>
        %broadcast_in_dim3A_1132 = vector.shape_cast %and3A_119 : vector<16xi32> to vector<16x1xi32>
        %gather3A_1133 = vector.shape_cast %broadcast_in_dim3A_1132 : vector<16x1xi32> to vector<16xi32>
        %gather3A_1134 = tpu.dynamic_gather %add3A_1036[%gather3A_1133] in [0] : vector<16xf32>, vector<16xi32> -> vector<16xf32>
        %add3A_1135 = arith.addf %add3A_1036, %gather3A_1134 : vector<16xf32>
        %broadcast_in_dim3A_1136 = vector.shape_cast %and3A_125 : vector<16xi32> to vector<16x1xi32>
        %gather3A_1137 = vector.shape_cast %broadcast_in_dim3A_1136 : vector<16x1xi32> to vector<16xi32>
        %gather3A_1138 = tpu.dynamic_gather %add3A_1135[%gather3A_1137] in [0] : vector<16xf32>, vector<16xi32> -> vector<16xf32>
        %add3A_1139 = arith.addf %add3A_1135, %gather3A_1138 : vector<16xf32>
        %broadcast_in_dim3A_1140 = vector.shape_cast %and3A_131 : vector<16xi32> to vector<16x1xi32>
        %gather3A_1141 = vector.shape_cast %broadcast_in_dim3A_1140 : vector<16x1xi32> to vector<16xi32>
        %gather3A_1142 = tpu.dynamic_gather %add3A_1139[%gather3A_1141] in [0] : vector<16xf32>, vector<16xi32> -> vector<16xf32>
        %add3A_1143 = arith.addf %add3A_1139, %gather3A_1142 : vector<16xf32>
        %broadcast_in_dim3A_1144 = vector.shape_cast %and3A_137 : vector<16xi32> to vector<16x1xi32>
        %gather3A_1145 = vector.shape_cast %broadcast_in_dim3A_1144 : vector<16x1xi32> to vector<16xi32>
        %gather3A_1146 = tpu.dynamic_gather %add3A_1143[%gather3A_1145] in [0] : vector<16xf32>, vector<16xi32> -> vector<16xf32>
        %add3A_1147 = arith.addf %add3A_1143, %gather3A_1146 : vector<16xf32>
        %add3A_1148 = arith.constant 320 : i32
        %add3A_1149 = arith.addi %add3A_1148, %scan3A_682 : i32
        %broadcast_in_dim3A_1150 = vector.broadcast %add3A_1149 : i32 to vector<16xi32>
        tpu.vector_store_idx %arg9[%broadcast_in_dim3A_1150], %add3A_1147 masked %eq3A_114 : memref<384xf32, #tpu.memory_space<vmem>>[vector<16xi32>], vector<16xf32>, vector<16xi1>
      }
      %scan3A_143 = arith.constant 64 : i32
      %mul3A_144 = arith.constant 384 : i32
      %mul3A_145 = arith.muli %add3A_95, %mul3A_144 : i32
      %add3A_146 = arith.addi %multiple_of3A_9, %mul3A_145 : i32
      %multiple_of3A_147 = tpu.assume_multiple %add3A_146, 8 : i32
      %dma_start3A_148 = tpu.memref_slice %arg4[%multiple_of3A_147] : memref<3022848xf32, #tpu.memory_space<hbm>> -> memref<384xf32, #tpu.memory_space<hbm>>
      %dma_start3A_149 = tpu.memref_slice %arg4[%multiple_of3A_147] : memref<3022848xf32, #tpu.memory_space<hbm>> -> memref<384xf32, #tpu.memory_space<hbm>>
      tpu.enqueue_dma source(%arg9 : memref<384xf32, #tpu.memory_space<vmem>>) target(%dma_start3A_149 : memref<384xf32, #tpu.memory_space<hbm>>) target_semaphore(%arg15 : memref<!tpu.dma_semaphore, #tpu.memory_space<semaphore_mem>>)
      %mul3A_150 = arith.constant 2 : i32
      %mul3A_151 = arith.muli %mul3A_150, %scan3A_91 : i32
      %add3A_152 = arith.constant 1 : i32
      %add3A_153 = arith.addi %mul3A_151, %add3A_152 : i32
      %dma_wait3A_154 = arith.constant 0 : i32
      %dma_wait3A_155 = arith.constant 0 : i32
      %dma_wait3A_156 = tpu.memref_slice %arg2[%dma_wait3A_154, %dma_wait3A_155] : memref<100000x128xf32, #tpu.memory_space<hbm>> -> memref<448x128xf32, #tpu.memory_space<hbm>>
      %dma_wait3A_157 = arith.constant 0 : i32
      %dma_wait3A_158 = arith.constant 0 : i32
      %dma_wait3A_159 = tpu.memref_slice %arg2[%dma_wait3A_157, %dma_wait3A_158] : memref<100000x128xf32, #tpu.memory_space<hbm>> -> memref<448x128xf32, #tpu.memory_space<hbm>>
      tpu.wait_dma2 semaphore(%arg12 : memref<!tpu.dma_semaphore, #tpu.memory_space<semaphore_mem>>) src(%dma_wait3A_159 : memref<448x128xf32, #tpu.memory_space<hbm>>) dst(%arg8 : memref<448x128xf32, #tpu.memory_space<vmem>>)
      %lt3A_160 = arith.constant 245 : i32
      %lt3A_161 = arith.cmpi slt, %add3A_153, %lt3A_160 : i32
      %convert_element_type3A_162 = arith.extui %lt3A_161 : i1 to i32
      %cond3A_163 = arith.constant 0 : i32
      %cond3A_164 = arith.cmpi ne, %convert_element_type3A_162, %cond3A_163 : i32
      scf.if %cond3A_164 {
        %dma_wait3A_215 = arith.constant 0 : i32
        %dma_wait3A_216 = tpu.memref_slice %arg3[%dma_wait3A_215] : memref<3540992xi32, #tpu.memory_space<hbm>> -> memref<448xi32, #tpu.memory_space<hbm>>
        %dma_wait3A_217 = arith.constant 0 : i32
        %dma_wait3A_218 = tpu.memref_slice %arg3[%dma_wait3A_217] : memref<3540992xi32, #tpu.memory_space<hbm>> -> memref<448xi32, #tpu.memory_space<hbm>>
        tpu.wait_dma2 semaphore(%arg13 : memref<!tpu.dma_semaphore, #tpu.memory_space<semaphore_mem>>) src(%dma_wait3A_218 : memref<448xi32, #tpu.memory_space<hbm>>) dst(%arg5 : memref<448xi32, #tpu.memory_space<vmem>>)
        %dma_start3A_219 = arith.constant 0 : i32
        %dma_start3A_220 = arith.constant 0 : i32
        %dma_start3A_221 = tpu.memref_slice %arg7[%dma_start3A_219, %dma_start3A_220] : memref<448x128xf32, #tpu.memory_space<vmem>> -> memref<64x128xf32, #tpu.memory_space<vmem>>
        %dma_start3A_222 = arith.constant 0 : i32
        %dma_start3A_223 = tpu.memref_slice %arg5[%dma_start3A_222] : memref<448xi32, #tpu.memory_space<vmem>> -> memref<64xi32, #tpu.memory_space<vmem>>
        %dma_start3A_224 = arith.constant 0 : i32
        %dma_start3A_225 = arith.constant 0 : i32
        %dma_start3A_226 = tpu.memref_slice %arg2[%dma_start3A_224, %dma_start3A_225] : memref<100000x128xf32, #tpu.memory_space<hbm>> -> memref<100000x128xf32, #tpu.memory_space<hbm>>
        tpu.enqueue_indirect_dma source(%dma_start3A_226 : memref<100000x128xf32, #tpu.memory_space<hbm>>) target(%dma_start3A_221 : memref<64x128xf32, #tpu.memory_space<vmem>>) offsets(%dma_start3A_223 : memref<64xi32, #tpu.memory_space<vmem>>) semaphore(%arg11 : memref<!tpu.dma_semaphore, #tpu.memory_space<semaphore_mem>>)
        %dma_start3A_227 = arith.constant 64 : i32
        %dma_start3A_228 = arith.constant 0 : i32
        %dma_start3A_229 = tpu.memref_slice %arg7[%dma_start3A_227, %dma_start3A_228] : memref<448x128xf32, #tpu.memory_space<vmem>> -> memref<64x128xf32, #tpu.memory_space<vmem>>
        %dma_start3A_230 = arith.constant 64 : i32
        %dma_start3A_231 = tpu.memref_slice %arg5[%dma_start3A_230] : memref<448xi32, #tpu.memory_space<vmem>> -> memref<64xi32, #tpu.memory_space<vmem>>
        %dma_start3A_232 = arith.constant 0 : i32
        %dma_start3A_233 = arith.constant 0 : i32
        %dma_start3A_234 = tpu.memref_slice %arg2[%dma_start3A_232, %dma_start3A_233] : memref<100000x128xf32, #tpu.memory_space<hbm>> -> memref<100000x128xf32, #tpu.memory_space<hbm>>
        tpu.enqueue_indirect_dma source(%dma_start3A_234 : memref<100000x128xf32, #tpu.memory_space<hbm>>) target(%dma_start3A_229 : memref<64x128xf32, #tpu.memory_space<vmem>>) offsets(%dma_start3A_231 : memref<64xi32, #tpu.memory_space<vmem>>) semaphore(%arg11 : memref<!tpu.dma_semaphore, #tpu.memory_space<semaphore_mem>>)
        %dma_start3A_235 = arith.constant 128 : i32
        %dma_start3A_236 = arith.constant 0 : i32
        %dma_start3A_237 = tpu.memref_slice %arg7[%dma_start3A_235, %dma_start3A_236] : memref<448x128xf32, #tpu.memory_space<vmem>> -> memref<64x128xf32, #tpu.memory_space<vmem>>
        %dma_start3A_238 = arith.constant 128 : i32
        %dma_start3A_239 = tpu.memref_slice %arg5[%dma_start3A_238] : memref<448xi32, #tpu.memory_space<vmem>> -> memref<64xi32, #tpu.memory_space<vmem>>
        %dma_start3A_240 = arith.constant 0 : i32
        %dma_start3A_241 = arith.constant 0 : i32
        %dma_start3A_242 = tpu.memref_slice %arg2[%dma_start3A_240, %dma_start3A_241] : memref<100000x128xf32, #tpu.memory_space<hbm>> -> memref<100000x128xf32, #tpu.memory_space<hbm>>
        tpu.enqueue_indirect_dma source(%dma_start3A_242 : memref<100000x128xf32, #tpu.memory_space<hbm>>) target(%dma_start3A_237 : memref<64x128xf32, #tpu.memory_space<vmem>>) offsets(%dma_start3A_239 : memref<64xi32, #tpu.memory_space<vmem>>) semaphore(%arg11 : memref<!tpu.dma_semaphore, #tpu.memory_space<semaphore_mem>>)
        %dma_start3A_243 = arith.constant 192 : i32
        %dma_start3A_244 = arith.constant 0 : i32
        %dma_start3A_245 = tpu.memref_slice %arg7[%dma_start3A_243, %dma_start3A_244] : memref<448x128xf32, #tpu.memory_space<vmem>> -> memref<64x128xf32, #tpu.memory_space<vmem>>
        %dma_start3A_246 = arith.constant 192 : i32
        %dma_start3A_247 = tpu.memref_slice %arg5[%dma_start3A_246] : memref<448xi32, #tpu.memory_space<vmem>> -> memref<64xi32, #tpu.memory_space<vmem>>
        %dma_start3A_248 = arith.constant 0 : i32
        %dma_start3A_249 = arith.constant 0 : i32
        %dma_start3A_250 = tpu.memref_slice %arg2[%dma_start3A_248, %dma_start3A_249] : memref<100000x128xf32, #tpu.memory_space<hbm>> -> memref<100000x128xf32, #tpu.memory_space<hbm>>
        tpu.enqueue_indirect_dma source(%dma_start3A_250 : memref<100000x128xf32, #tpu.memory_space<hbm>>) target(%dma_start3A_245 : memref<64x128xf32, #tpu.memory_space<vmem>>) offsets(%dma_start3A_247 : memref<64xi32, #tpu.memory_space<vmem>>) semaphore(%arg11 : memref<!tpu.dma_semaphore, #tpu.memory_space<semaphore_mem>>)
        %dma_start3A_251 = arith.constant 256 : i32
        %dma_start3A_252 = arith.constant 0 : i32
        %dma_start3A_253 = tpu.memref_slice %arg7[%dma_start3A_251, %dma_start3A_252] : memref<448x128xf32, #tpu.memory_space<vmem>> -> memref<64x128xf32, #tpu.memory_space<vmem>>
        %dma_start3A_254 = arith.constant 256 : i32
        %dma_start3A_255 = tpu.memref_slice %arg5[%dma_start3A_254] : memref<448xi32, #tpu.memory_space<vmem>> -> memref<64xi32, #tpu.memory_space<vmem>>
        %dma_start3A_256 = arith.constant 0 : i32
        %dma_start3A_257 = arith.constant 0 : i32
        %dma_start3A_258 = tpu.memref_slice %arg2[%dma_start3A_256, %dma_start3A_257] : memref<100000x128xf32, #tpu.memory_space<hbm>> -> memref<100000x128xf32, #tpu.memory_space<hbm>>
        tpu.enqueue_indirect_dma source(%dma_start3A_258 : memref<100000x128xf32, #tpu.memory_space<hbm>>) target(%dma_start3A_253 : memref<64x128xf32, #tpu.memory_space<vmem>>) offsets(%dma_start3A_255 : memref<64xi32, #tpu.memory_space<vmem>>) semaphore(%arg11 : memref<!tpu.dma_semaphore, #tpu.memory_space<semaphore_mem>>)
        %dma_start3A_259 = arith.constant 320 : i32
        %dma_start3A_260 = arith.constant 0 : i32
        %dma_start3A_261 = tpu.memref_slice %arg7[%dma_start3A_259, %dma_start3A_260] : memref<448x128xf32, #tpu.memory_space<vmem>> -> memref<64x128xf32, #tpu.memory_space<vmem>>
        %dma_start3A_262 = arith.constant 320 : i32
        %dma_start3A_263 = tpu.memref_slice %arg5[%dma_start3A_262] : memref<448xi32, #tpu.memory_space<vmem>> -> memref<64xi32, #tpu.memory_space<vmem>>
        %dma_start3A_264 = arith.constant 0 : i32
        %dma_start3A_265 = arith.constant 0 : i32
        %dma_start3A_266 = tpu.memref_slice %arg2[%dma_start3A_264, %dma_start3A_265] : memref<100000x128xf32, #tpu.memory_space<hbm>> -> memref<100000x128xf32, #tpu.memory_space<hbm>>
        tpu.enqueue_indirect_dma source(%dma_start3A_266 : memref<100000x128xf32, #tpu.memory_space<hbm>>) target(%dma_start3A_261 : memref<64x128xf32, #tpu.memory_space<vmem>>) offsets(%dma_start3A_263 : memref<64xi32, #tpu.memory_space<vmem>>) semaphore(%arg11 : memref<!tpu.dma_semaphore, #tpu.memory_space<semaphore_mem>>)
        %dma_start3A_267 = arith.constant 384 : i32
        %dma_start3A_268 = arith.constant 0 : i32
        %dma_start3A_269 = tpu.memref_slice %arg7[%dma_start3A_267, %dma_start3A_268] : memref<448x128xf32, #tpu.memory_space<vmem>> -> memref<64x128xf32, #tpu.memory_space<vmem>>
        %dma_start3A_270 = arith.constant 384 : i32
        %dma_start3A_271 = tpu.memref_slice %arg5[%dma_start3A_270] : memref<448xi32, #tpu.memory_space<vmem>> -> memref<64xi32, #tpu.memory_space<vmem>>
        %dma_start3A_272 = arith.constant 0 : i32
        %dma_start3A_273 = arith.constant 0 : i32
        %dma_start3A_274 = tpu.memref_slice %arg2[%dma_start3A_272, %dma_start3A_273] : memref<100000x128xf32, #tpu.memory_space<hbm>> -> memref<100000x128xf32, #tpu.memory_space<hbm>>
        tpu.enqueue_indirect_dma source(%dma_start3A_274 : memref<100000x128xf32, #tpu.memory_space<hbm>>) target(%dma_start3A_269 : memref<64x128xf32, #tpu.memory_space<vmem>>) offsets(%dma_start3A_271 : memref<64xi32, #tpu.memory_space<vmem>>) semaphore(%arg11 : memref<!tpu.dma_semaphore, #tpu.memory_space<semaphore_mem>>)
      } else {
      }
      %lt3A_165 = arith.constant 244 : i32
      %lt3A_166 = arith.cmpi slt, %add3A_153, %lt3A_165 : i32
      %convert_element_type3A_167 = arith.extui %lt3A_166 : i1 to i32
      %cond3A_168 = arith.constant 0 : i32
      %cond3A_169 = arith.cmpi ne, %convert_element_type3A_167, %cond3A_168 : i32
      scf.if %cond3A_169 {
        %add3A_215 = arith.constant 2 : i32
        %add3A_216 = arith.addi %add3A_153, %add3A_215 : i32
        %mul3A_217 = arith.constant 448 : i32
        %mul3A_218 = arith.muli %add3A_216, %mul3A_217 : i32
        %add3A_219 = arith.addi %multiple_of3A, %mul3A_218 : i32
        %multiple_of3A_220 = tpu.assume_multiple %add3A_219, 8 : i32
        %dma_start3A_221 = tpu.memref_slice %arg3[%multiple_of3A_220] : memref<3540992xi32, #tpu.memory_space<hbm>> -> memref<448xi32, #tpu.memory_space<hbm>>
        %dma_start3A_222 = tpu.memref_slice %arg3[%multiple_of3A_220] : memref<3540992xi32, #tpu.memory_space<hbm>> -> memref<448xi32, #tpu.memory_space<hbm>>
        tpu.enqueue_dma source(%dma_start3A_222 : memref<448xi32, #tpu.memory_space<hbm>>) target(%arg6 : memref<448xi32, #tpu.memory_space<vmem>>) target_semaphore(%arg14 : memref<!tpu.dma_semaphore, #tpu.memory_space<semaphore_mem>>)
      } else {
      }
      %ge3A_170 = arith.constant 1 : i32
      %ge3A_171 = arith.cmpi sge, %scan3A_91, %ge3A_170 : i32
      %convert_element_type3A_172 = arith.extui %ge3A_171 : i1 to i32
      %cond3A_173 = arith.constant 0 : i32
      %cond3A_174 = arith.cmpi ne, %convert_element_type3A_172, %cond3A_173 : i32
      scf.if %cond3A_174 {
        %dma_wait3A_215 = arith.constant 0 : i32
        %dma_wait3A_216 = tpu.memref_slice %arg4[%dma_wait3A_215] : memref<3022848xf32, #tpu.memory_space<hbm>> -> memref<384xf32, #tpu.memory_space<hbm>>
        %dma_wait3A_217 = arith.constant 0 : i32
        %dma_wait3A_218 = tpu.memref_slice %arg4[%dma_wait3A_217] : memref<3022848xf32, #tpu.memory_space<hbm>> -> memref<384xf32, #tpu.memory_space<hbm>>
        tpu.wait_dma2 semaphore(%arg15 : memref<!tpu.dma_semaphore, #tpu.memory_space<semaphore_mem>>) src(%arg9 : memref<384xf32, #tpu.memory_space<vmem>>) dst(%dma_wait3A_218 : memref<384xf32, #tpu.memory_space<hbm>>)
      } else {
      }
      %iota3A_175 = tpu.iota {dimensions = array<i32: 0>} : vector<16xi32>
      %eq3A_176 = arith.constant 0 : i32
      %eq3A_177 = vector.broadcast %eq3A_176 : i32 to vector<16xi32>
      %eq3A_178 = arith.cmpi eq, %iota3A_175, %eq3A_177 : vector<16xi32>
      %add3A_179 = arith.constant 8 : i32
      %add3A_180 = vector.broadcast %add3A_179 : i32 to vector<16xi32>
      %add3A_181 = arith.addi %iota3A_175, %add3A_180 : vector<16xi32>
      %and3A_182 = arith.constant 15 : i32
      %and3A_183 = vector.broadcast %and3A_182 : i32 to vector<16xi32>
      %and3A_184 = arith.andi %add3A_181, %and3A_183 : vector<16xi32>
      %add3A_185 = arith.constant 4 : i32
      %add3A_186 = vector.broadcast %add3A_185 : i32 to vector<16xi32>
      %add3A_187 = arith.addi %iota3A_175, %add3A_186 : vector<16xi32>
      %and3A_188 = arith.constant 15 : i32
      %and3A_189 = vector.broadcast %and3A_188 : i32 to vector<16xi32>
      %and3A_190 = arith.andi %add3A_187, %and3A_189 : vector<16xi32>
      %add3A_191 = arith.constant 2 : i32
      %add3A_192 = vector.broadcast %add3A_191 : i32 to vector<16xi32>
      %add3A_193 = arith.addi %iota3A_175, %add3A_192 : vector<16xi32>
      %and3A_194 = arith.constant 15 : i32
      %and3A_195 = vector.broadcast %and3A_194 : i32 to vector<16xi32>
      %and3A_196 = arith.andi %add3A_193, %and3A_195 : vector<16xi32>
      %add3A_197 = arith.constant 1 : i32
      %add3A_198 = vector.broadcast %add3A_197 : i32 to vector<16xi32>
      %add3A_199 = arith.addi %iota3A_175, %add3A_198 : vector<16xi32>
      %and3A_200 = arith.constant 15 : i32
      %and3A_201 = vector.broadcast %and3A_200 : i32 to vector<16xi32>
      %and3A_202 = arith.andi %add3A_199, %and3A_201 : vector<16xi32>
      %scan3A_203 = arith.constant 0 : i32
      %scan3A_204 = arith.constant 0 : i32
      %scan3A_205 = arith.constant 64 : i32
      %scan3A_206 = arith.addi %scan3A_204, %scan3A_205 : i32
      %scan3A_207 = arith.constant 2 : i32
      scf.for %scan3A_215 = %scan3A_204 to %scan3A_206 step %scan3A_207  : i32 {
        %get3A = arith.index_cast %scan3A_215 : i32 to index
        %get3A_216 = arith.constant 0 : index
        %get3A_217 = tpu.vector_load %arg8[%get3A, %get3A_216] {strides = array<i32>} : memref<448x128xf32, #tpu.memory_space<vmem>>, vector<16xf32>,
        %get3A_218 = arith.index_cast %scan3A_215 : i32 to index
        %get3A_219 = arith.constant 16 : index
        %get3A_220 = tpu.vector_load %arg8[%get3A_218, %get3A_219] {strides = array<i32>} : memref<448x128xf32, #tpu.memory_space<vmem>>, vector<16xf32>,
        %get3A_221 = arith.index_cast %scan3A_215 : i32 to index
        %get3A_222 = arith.constant 32 : index
        %get3A_223 = tpu.vector_load %arg8[%get3A_221, %get3A_222] {strides = array<i32>} : memref<448x128xf32, #tpu.memory_space<vmem>>, vector<16xf32>,
        %get3A_224 = arith.index_cast %scan3A_215 : i32 to index
        %get3A_225 = arith.constant 48 : index
        %get3A_226 = tpu.vector_load %arg8[%get3A_224, %get3A_225] {strides = array<i32>} : memref<448x128xf32, #tpu.memory_space<vmem>>, vector<16xf32>,
        %get3A_227 = arith.index_cast %scan3A_215 : i32 to index
        %get3A_228 = arith.constant 64 : index
        %get3A_229 = tpu.vector_load %arg8[%get3A_227, %get3A_228] {strides = array<i32>} : memref<448x128xf32, #tpu.memory_space<vmem>>, vector<16xf32>,
        %get3A_230 = arith.index_cast %scan3A_215 : i32 to index
        %get3A_231 = arith.constant 80 : index
        %get3A_232 = tpu.vector_load %arg8[%get3A_230, %get3A_231] {strides = array<i32>} : memref<448x128xf32, #tpu.memory_space<vmem>>, vector<16xf32>,
        %get3A_233 = arith.index_cast %scan3A_215 : i32 to index
        %get3A_234 = arith.constant 96 : index
        %get3A_235 = tpu.vector_load %arg8[%get3A_233, %get3A_234] {strides = array<i32>} : memref<448x128xf32, #tpu.memory_space<vmem>>, vector<16xf32>,
        %get3A_236 = arith.index_cast %scan3A_215 : i32 to index
        %get3A_237 = arith.constant 112 : index
        %get3A_238 = tpu.vector_load %arg8[%get3A_236, %get3A_237] {strides = array<i32>} : memref<448x128xf32, #tpu.memory_space<vmem>>, vector<16xf32>,
        %add3A_239 = arith.constant 64 : i32
        %add3A_240 = arith.addi %add3A_239, %scan3A_215 : i32
        %get3A_241 = arith.index_cast %add3A_240 : i32 to index
        %get3A_242 = arith.constant 0 : index
        %get3A_243 = tpu.vector_load %arg8[%get3A_241, %get3A_242] {strides = array<i32>} : memref<448x128xf32, #tpu.memory_space<vmem>>, vector<16xf32>,
        %mul3A_244 = arith.mulf %get3A_217, %get3A_243 : vector<16xf32>
        %add3A_245 = arith.constant 128 : i32
        %add3A_246 = arith.addi %add3A_245, %scan3A_215 : i32
        %get3A_247 = arith.index_cast %add3A_246 : i32 to index
        %get3A_248 = arith.constant 0 : index
        %get3A_249 = tpu.vector_load %arg8[%get3A_247, %get3A_248] {strides = array<i32>} : memref<448x128xf32, #tpu.memory_space<vmem>>, vector<16xf32>,
        %mul3A_250 = arith.mulf %get3A_217, %get3A_249 : vector<16xf32>
        %add3A_251 = arith.constant 192 : i32
        %add3A_252 = arith.addi %add3A_251, %scan3A_215 : i32
        %get3A_253 = arith.index_cast %add3A_252 : i32 to index
        %get3A_254 = arith.constant 0 : index
        %get3A_255 = tpu.vector_load %arg8[%get3A_253, %get3A_254] {strides = array<i32>} : memref<448x128xf32, #tpu.memory_space<vmem>>, vector<16xf32>,
        %mul3A_256 = arith.mulf %get3A_217, %get3A_255 : vector<16xf32>
        %add3A_257 = arith.constant 256 : i32
        %add3A_258 = arith.addi %add3A_257, %scan3A_215 : i32
        %get3A_259 = arith.index_cast %add3A_258 : i32 to index
        %get3A_260 = arith.constant 0 : index
        %get3A_261 = tpu.vector_load %arg8[%get3A_259, %get3A_260] {strides = array<i32>} : memref<448x128xf32, #tpu.memory_space<vmem>>, vector<16xf32>,
        %mul3A_262 = arith.mulf %get3A_217, %get3A_261 : vector<16xf32>
        %add3A_263 = arith.constant 320 : i32
        %add3A_264 = arith.addi %add3A_263, %scan3A_215 : i32
        %get3A_265 = arith.index_cast %add3A_264 : i32 to index
        %get3A_266 = arith.constant 0 : index
        %get3A_267 = tpu.vector_load %arg8[%get3A_265, %get3A_266] {strides = array<i32>} : memref<448x128xf32, #tpu.memory_space<vmem>>, vector<16xf32>,
        %mul3A_268 = arith.mulf %get3A_217, %get3A_267 : vector<16xf32>
        %add3A_269 = arith.constant 384 : i32
        %add3A_270 = arith.addi %add3A_269, %scan3A_215 : i32
        %get3A_271 = arith.index_cast %add3A_270 : i32 to index
        %get3A_272 = arith.constant 0 : index
        %get3A_273 = tpu.vector_load %arg8[%get3A_271, %get3A_272] {strides = array<i32>} : memref<448x128xf32, #tpu.memory_space<vmem>>, vector<16xf32>,
        %mul3A_274 = arith.mulf %get3A_217, %get3A_273 : vector<16xf32>
        %add3A_275 = arith.constant 64 : i32
        %add3A_276 = arith.addi %add3A_275, %scan3A_215 : i32
        %get3A_277 = arith.index_cast %add3A_276 : i32 to index
        %get3A_278 = arith.constant 16 : index
        %get3A_279 = tpu.vector_load %arg8[%get3A_277, %get3A_278] {strides = array<i32>} : memref<448x128xf32, #tpu.memory_space<vmem>>, vector<16xf32>,
        %mul3A_280 = arith.mulf %get3A_220, %get3A_279 : vector<16xf32>
        %add3A_281 = arith.addf %mul3A_244, %mul3A_280 : vector<16xf32>
        %add3A_282 = arith.constant 128 : i32
        %add3A_283 = arith.addi %add3A_282, %scan3A_215 : i32
        %get3A_284 = arith.index_cast %add3A_283 : i32 to index
        %get3A_285 = arith.constant 16 : index
        %get3A_286 = tpu.vector_load %arg8[%get3A_284, %get3A_285] {strides = array<i32>} : memref<448x128xf32, #tpu.memory_space<vmem>>, vector<16xf32>,
        %mul3A_287 = arith.mulf %get3A_220, %get3A_286 : vector<16xf32>
        %add3A_288 = arith.addf %mul3A_250, %mul3A_287 : vector<16xf32>
        %add3A_289 = arith.constant 192 : i32
        %add3A_290 = arith.addi %add3A_289, %scan3A_215 : i32
        %get3A_291 = arith.index_cast %add3A_290 : i32 to index
        %get3A_292 = arith.constant 16 : index
        %get3A_293 = tpu.vector_load %arg8[%get3A_291, %get3A_292] {strides = array<i32>} : memref<448x128xf32, #tpu.memory_space<vmem>>, vector<16xf32>,
        %mul3A_294 = arith.mulf %get3A_220, %get3A_293 : vector<16xf32>
        %add3A_295 = arith.addf %mul3A_256, %mul3A_294 : vector<16xf32>
        %add3A_296 = arith.constant 256 : i32
        %add3A_297 = arith.addi %add3A_296, %scan3A_215 : i32
        %get3A_298 = arith.index_cast %add3A_297 : i32 to index
        %get3A_299 = arith.constant 16 : index
        %get3A_300 = tpu.vector_load %arg8[%get3A_298, %get3A_299] {strides = array<i32>} : memref<448x128xf32, #tpu.memory_space<vmem>>, vector<16xf32>,
        %mul3A_301 = arith.mulf %get3A_220, %get3A_300 : vector<16xf32>
        %add3A_302 = arith.addf %mul3A_262, %mul3A_301 : vector<16xf32>
        %add3A_303 = arith.constant 320 : i32
        %add3A_304 = arith.addi %add3A_303, %scan3A_215 : i32
        %get3A_305 = arith.index_cast %add3A_304 : i32 to index
        %get3A_306 = arith.constant 16 : index
        %get3A_307 = tpu.vector_load %arg8[%get3A_305, %get3A_306] {strides = array<i32>} : memref<448x128xf32, #tpu.memory_space<vmem>>, vector<16xf32>,
        %mul3A_308 = arith.mulf %get3A_220, %get3A_307 : vector<16xf32>
        %add3A_309 = arith.addf %mul3A_268, %mul3A_308 : vector<16xf32>
        %add3A_310 = arith.constant 384 : i32
        %add3A_311 = arith.addi %add3A_310, %scan3A_215 : i32
        %get3A_312 = arith.index_cast %add3A_311 : i32 to index
        %get3A_313 = arith.constant 16 : index
        %get3A_314 = tpu.vector_load %arg8[%get3A_312, %get3A_313] {strides = array<i32>} : memref<448x128xf32, #tpu.memory_space<vmem>>, vector<16xf32>,
        %mul3A_315 = arith.mulf %get3A_220, %get3A_314 : vector<16xf32>
        %add3A_316 = arith.addf %mul3A_274, %mul3A_315 : vector<16xf32>
        %add3A_317 = arith.constant 64 : i32
        %add3A_318 = arith.addi %add3A_317, %scan3A_215 : i32
        %get3A_319 = arith.index_cast %add3A_318 : i32 to index
        %get3A_320 = arith.constant 32 : index
        %get3A_321 = tpu.vector_load %arg8[%get3A_319, %get3A_320] {strides = array<i32>} : memref<448x128xf32, #tpu.memory_space<vmem>>, vector<16xf32>,
        %mul3A_322 = arith.mulf %get3A_223, %get3A_321 : vector<16xf32>
        %add3A_323 = arith.addf %add3A_281, %mul3A_322 : vector<16xf32>
        %add3A_324 = arith.constant 128 : i32
        %add3A_325 = arith.addi %add3A_324, %scan3A_215 : i32
        %get3A_326 = arith.index_cast %add3A_325 : i32 to index
        %get3A_327 = arith.constant 32 : index
        %get3A_328 = tpu.vector_load %arg8[%get3A_326, %get3A_327] {strides = array<i32>} : memref<448x128xf32, #tpu.memory_space<vmem>>, vector<16xf32>,
        %mul3A_329 = arith.mulf %get3A_223, %get3A_328 : vector<16xf32>
        %add3A_330 = arith.addf %add3A_288, %mul3A_329 : vector<16xf32>
        %add3A_331 = arith.constant 192 : i32
        %add3A_332 = arith.addi %add3A_331, %scan3A_215 : i32
        %get3A_333 = arith.index_cast %add3A_332 : i32 to index
        %get3A_334 = arith.constant 32 : index
        %get3A_335 = tpu.vector_load %arg8[%get3A_333, %get3A_334] {strides = array<i32>} : memref<448x128xf32, #tpu.memory_space<vmem>>, vector<16xf32>,
        %mul3A_336 = arith.mulf %get3A_223, %get3A_335 : vector<16xf32>
        %add3A_337 = arith.addf %add3A_295, %mul3A_336 : vector<16xf32>
        %add3A_338 = arith.constant 256 : i32
        %add3A_339 = arith.addi %add3A_338, %scan3A_215 : i32
        %get3A_340 = arith.index_cast %add3A_339 : i32 to index
        %get3A_341 = arith.constant 32 : index
        %get3A_342 = tpu.vector_load %arg8[%get3A_340, %get3A_341] {strides = array<i32>} : memref<448x128xf32, #tpu.memory_space<vmem>>, vector<16xf32>,
        %mul3A_343 = arith.mulf %get3A_223, %get3A_342 : vector<16xf32>
        %add3A_344 = arith.addf %add3A_302, %mul3A_343 : vector<16xf32>
        %add3A_345 = arith.constant 320 : i32
        %add3A_346 = arith.addi %add3A_345, %scan3A_215 : i32
        %get3A_347 = arith.index_cast %add3A_346 : i32 to index
        %get3A_348 = arith.constant 32 : index
        %get3A_349 = tpu.vector_load %arg8[%get3A_347, %get3A_348] {strides = array<i32>} : memref<448x128xf32, #tpu.memory_space<vmem>>, vector<16xf32>,
        %mul3A_350 = arith.mulf %get3A_223, %get3A_349 : vector<16xf32>
        %add3A_351 = arith.addf %add3A_309, %mul3A_350 : vector<16xf32>
        %add3A_352 = arith.constant 384 : i32
        %add3A_353 = arith.addi %add3A_352, %scan3A_215 : i32
        %get3A_354 = arith.index_cast %add3A_353 : i32 to index
        %get3A_355 = arith.constant 32 : index
        %get3A_356 = tpu.vector_load %arg8[%get3A_354, %get3A_355] {strides = array<i32>} : memref<448x128xf32, #tpu.memory_space<vmem>>, vector<16xf32>,
        %mul3A_357 = arith.mulf %get3A_223, %get3A_356 : vector<16xf32>
        %add3A_358 = arith.addf %add3A_316, %mul3A_357 : vector<16xf32>
        %add3A_359 = arith.constant 64 : i32
        %add3A_360 = arith.addi %add3A_359, %scan3A_215 : i32
        %get3A_361 = arith.index_cast %add3A_360 : i32 to index
        %get3A_362 = arith.constant 48 : index
        %get3A_363 = tpu.vector_load %arg8[%get3A_361, %get3A_362] {strides = array<i32>} : memref<448x128xf32, #tpu.memory_space<vmem>>, vector<16xf32>,
        %mul3A_364 = arith.mulf %get3A_226, %get3A_363 : vector<16xf32>
        %add3A_365 = arith.addf %add3A_323, %mul3A_364 : vector<16xf32>
        %add3A_366 = arith.constant 128 : i32
        %add3A_367 = arith.addi %add3A_366, %scan3A_215 : i32
        %get3A_368 = arith.index_cast %add3A_367 : i32 to index
        %get3A_369 = arith.constant 48 : index
        %get3A_370 = tpu.vector_load %arg8[%get3A_368, %get3A_369] {strides = array<i32>} : memref<448x128xf32, #tpu.memory_space<vmem>>, vector<16xf32>,
        %mul3A_371 = arith.mulf %get3A_226, %get3A_370 : vector<16xf32>
        %add3A_372 = arith.addf %add3A_330, %mul3A_371 : vector<16xf32>
        %add3A_373 = arith.constant 192 : i32
        %add3A_374 = arith.addi %add3A_373, %scan3A_215 : i32
        %get3A_375 = arith.index_cast %add3A_374 : i32 to index
        %get3A_376 = arith.constant 48 : index
        %get3A_377 = tpu.vector_load %arg8[%get3A_375, %get3A_376] {strides = array<i32>} : memref<448x128xf32, #tpu.memory_space<vmem>>, vector<16xf32>,
        %mul3A_378 = arith.mulf %get3A_226, %get3A_377 : vector<16xf32>
        %add3A_379 = arith.addf %add3A_337, %mul3A_378 : vector<16xf32>
        %add3A_380 = arith.constant 256 : i32
        %add3A_381 = arith.addi %add3A_380, %scan3A_215 : i32
        %get3A_382 = arith.index_cast %add3A_381 : i32 to index
        %get3A_383 = arith.constant 48 : index
        %get3A_384 = tpu.vector_load %arg8[%get3A_382, %get3A_383] {strides = array<i32>} : memref<448x128xf32, #tpu.memory_space<vmem>>, vector<16xf32>,
        %mul3A_385 = arith.mulf %get3A_226, %get3A_384 : vector<16xf32>
        %add3A_386 = arith.addf %add3A_344, %mul3A_385 : vector<16xf32>
        %add3A_387 = arith.constant 320 : i32
        %add3A_388 = arith.addi %add3A_387, %scan3A_215 : i32
        %get3A_389 = arith.index_cast %add3A_388 : i32 to index
        %get3A_390 = arith.constant 48 : index
        %get3A_391 = tpu.vector_load %arg8[%get3A_389, %get3A_390] {strides = array<i32>} : memref<448x128xf32, #tpu.memory_space<vmem>>, vector<16xf32>,
        %mul3A_392 = arith.mulf %get3A_226, %get3A_391 : vector<16xf32>
        %add3A_393 = arith.addf %add3A_351, %mul3A_392 : vector<16xf32>
        %add3A_394 = arith.constant 384 : i32
        %add3A_395 = arith.addi %add3A_394, %scan3A_215 : i32
        %get3A_396 = arith.index_cast %add3A_395 : i32 to index
        %get3A_397 = arith.constant 48 : index
        %get3A_398 = tpu.vector_load %arg8[%get3A_396, %get3A_397] {strides = array<i32>} : memref<448x128xf32, #tpu.memory_space<vmem>>, vector<16xf32>,
        %mul3A_399 = arith.mulf %get3A_226, %get3A_398 : vector<16xf32>
        %add3A_400 = arith.addf %add3A_358, %mul3A_399 : vector<16xf32>
        %add3A_401 = arith.constant 64 : i32
        %add3A_402 = arith.addi %add3A_401, %scan3A_215 : i32
        %get3A_403 = arith.index_cast %add3A_402 : i32 to index
        %get3A_404 = arith.constant 64 : index
        %get3A_405 = tpu.vector_load %arg8[%get3A_403, %get3A_404] {strides = array<i32>} : memref<448x128xf32, #tpu.memory_space<vmem>>, vector<16xf32>,
        %mul3A_406 = arith.mulf %get3A_229, %get3A_405 : vector<16xf32>
        %add3A_407 = arith.addf %add3A_365, %mul3A_406 : vector<16xf32>
        %add3A_408 = arith.constant 128 : i32
        %add3A_409 = arith.addi %add3A_408, %scan3A_215 : i32
        %get3A_410 = arith.index_cast %add3A_409 : i32 to index
        %get3A_411 = arith.constant 64 : index
        %get3A_412 = tpu.vector_load %arg8[%get3A_410, %get3A_411] {strides = array<i32>} : memref<448x128xf32, #tpu.memory_space<vmem>>, vector<16xf32>,
        %mul3A_413 = arith.mulf %get3A_229, %get3A_412 : vector<16xf32>
        %add3A_414 = arith.addf %add3A_372, %mul3A_413 : vector<16xf32>
        %add3A_415 = arith.constant 192 : i32
        %add3A_416 = arith.addi %add3A_415, %scan3A_215 : i32
        %get3A_417 = arith.index_cast %add3A_416 : i32 to index
        %get3A_418 = arith.constant 64 : index
        %get3A_419 = tpu.vector_load %arg8[%get3A_417, %get3A_418] {strides = array<i32>} : memref<448x128xf32, #tpu.memory_space<vmem>>, vector<16xf32>,
        %mul3A_420 = arith.mulf %get3A_229, %get3A_419 : vector<16xf32>
        %add3A_421 = arith.addf %add3A_379, %mul3A_420 : vector<16xf32>
        %add3A_422 = arith.constant 256 : i32
        %add3A_423 = arith.addi %add3A_422, %scan3A_215 : i32
        %get3A_424 = arith.index_cast %add3A_423 : i32 to index
        %get3A_425 = arith.constant 64 : index
        %get3A_426 = tpu.vector_load %arg8[%get3A_424, %get3A_425] {strides = array<i32>} : memref<448x128xf32, #tpu.memory_space<vmem>>, vector<16xf32>,
        %mul3A_427 = arith.mulf %get3A_229, %get3A_426 : vector<16xf32>
        %add3A_428 = arith.addf %add3A_386, %mul3A_427 : vector<16xf32>
        %add3A_429 = arith.constant 320 : i32
        %add3A_430 = arith.addi %add3A_429, %scan3A_215 : i32
        %get3A_431 = arith.index_cast %add3A_430 : i32 to index
        %get3A_432 = arith.constant 64 : index
        %get3A_433 = tpu.vector_load %arg8[%get3A_431, %get3A_432] {strides = array<i32>} : memref<448x128xf32, #tpu.memory_space<vmem>>, vector<16xf32>,
        %mul3A_434 = arith.mulf %get3A_229, %get3A_433 : vector<16xf32>
        %add3A_435 = arith.addf %add3A_393, %mul3A_434 : vector<16xf32>
        %add3A_436 = arith.constant 384 : i32
        %add3A_437 = arith.addi %add3A_436, %scan3A_215 : i32
        %get3A_438 = arith.index_cast %add3A_437 : i32 to index
        %get3A_439 = arith.constant 64 : index
        %get3A_440 = tpu.vector_load %arg8[%get3A_438, %get3A_439] {strides = array<i32>} : memref<448x128xf32, #tpu.memory_space<vmem>>, vector<16xf32>,
        %mul3A_441 = arith.mulf %get3A_229, %get3A_440 : vector<16xf32>
        %add3A_442 = arith.addf %add3A_400, %mul3A_441 : vector<16xf32>
        %add3A_443 = arith.constant 64 : i32
        %add3A_444 = arith.addi %add3A_443, %scan3A_215 : i32
        %get3A_445 = arith.index_cast %add3A_444 : i32 to index
        %get3A_446 = arith.constant 80 : index
        %get3A_447 = tpu.vector_load %arg8[%get3A_445, %get3A_446] {strides = array<i32>} : memref<448x128xf32, #tpu.memory_space<vmem>>, vector<16xf32>,
        %mul3A_448 = arith.mulf %get3A_232, %get3A_447 : vector<16xf32>
        %add3A_449 = arith.addf %add3A_407, %mul3A_448 : vector<16xf32>
        %add3A_450 = arith.constant 128 : i32
        %add3A_451 = arith.addi %add3A_450, %scan3A_215 : i32
        %get3A_452 = arith.index_cast %add3A_451 : i32 to index
        %get3A_453 = arith.constant 80 : index
        %get3A_454 = tpu.vector_load %arg8[%get3A_452, %get3A_453] {strides = array<i32>} : memref<448x128xf32, #tpu.memory_space<vmem>>, vector<16xf32>,
        %mul3A_455 = arith.mulf %get3A_232, %get3A_454 : vector<16xf32>
        %add3A_456 = arith.addf %add3A_414, %mul3A_455 : vector<16xf32>
        %add3A_457 = arith.constant 192 : i32
        %add3A_458 = arith.addi %add3A_457, %scan3A_215 : i32
        %get3A_459 = arith.index_cast %add3A_458 : i32 to index
        %get3A_460 = arith.constant 80 : index
        %get3A_461 = tpu.vector_load %arg8[%get3A_459, %get3A_460] {strides = array<i32>} : memref<448x128xf32, #tpu.memory_space<vmem>>, vector<16xf32>,
        %mul3A_462 = arith.mulf %get3A_232, %get3A_461 : vector<16xf32>
        %add3A_463 = arith.addf %add3A_421, %mul3A_462 : vector<16xf32>
        %add3A_464 = arith.constant 256 : i32
        %add3A_465 = arith.addi %add3A_464, %scan3A_215 : i32
        %get3A_466 = arith.index_cast %add3A_465 : i32 to index
        %get3A_467 = arith.constant 80 : index
        %get3A_468 = tpu.vector_load %arg8[%get3A_466, %get3A_467] {strides = array<i32>} : memref<448x128xf32, #tpu.memory_space<vmem>>, vector<16xf32>,
        %mul3A_469 = arith.mulf %get3A_232, %get3A_468 : vector<16xf32>
        %add3A_470 = arith.addf %add3A_428, %mul3A_469 : vector<16xf32>
        %add3A_471 = arith.constant 320 : i32
        %add3A_472 = arith.addi %add3A_471, %scan3A_215 : i32
        %get3A_473 = arith.index_cast %add3A_472 : i32 to index
        %get3A_474 = arith.constant 80 : index
        %get3A_475 = tpu.vector_load %arg8[%get3A_473, %get3A_474] {strides = array<i32>} : memref<448x128xf32, #tpu.memory_space<vmem>>, vector<16xf32>,
        %mul3A_476 = arith.mulf %get3A_232, %get3A_475 : vector<16xf32>
        %add3A_477 = arith.addf %add3A_435, %mul3A_476 : vector<16xf32>
        %add3A_478 = arith.constant 384 : i32
        %add3A_479 = arith.addi %add3A_478, %scan3A_215 : i32
        %get3A_480 = arith.index_cast %add3A_479 : i32 to index
        %get3A_481 = arith.constant 80 : index
        %get3A_482 = tpu.vector_load %arg8[%get3A_480, %get3A_481] {strides = array<i32>} : memref<448x128xf32, #tpu.memory_space<vmem>>, vector<16xf32>,
        %mul3A_483 = arith.mulf %get3A_232, %get3A_482 : vector<16xf32>
        %add3A_484 = arith.addf %add3A_442, %mul3A_483 : vector<16xf32>
        %add3A_485 = arith.constant 64 : i32
        %add3A_486 = arith.addi %add3A_485, %scan3A_215 : i32
        %get3A_487 = arith.index_cast %add3A_486 : i32 to index
        %get3A_488 = arith.constant 96 : index
        %get3A_489 = tpu.vector_load %arg8[%get3A_487, %get3A_488] {strides = array<i32>} : memref<448x128xf32, #tpu.memory_space<vmem>>, vector<16xf32>,
        %mul3A_490 = arith.mulf %get3A_235, %get3A_489 : vector<16xf32>
        %add3A_491 = arith.addf %add3A_449, %mul3A_490 : vector<16xf32>
        %add3A_492 = arith.constant 128 : i32
        %add3A_493 = arith.addi %add3A_492, %scan3A_215 : i32
        %get3A_494 = arith.index_cast %add3A_493 : i32 to index
        %get3A_495 = arith.constant 96 : index
        %get3A_496 = tpu.vector_load %arg8[%get3A_494, %get3A_495] {strides = array<i32>} : memref<448x128xf32, #tpu.memory_space<vmem>>, vector<16xf32>,
        %mul3A_497 = arith.mulf %get3A_235, %get3A_496 : vector<16xf32>
        %add3A_498 = arith.addf %add3A_456, %mul3A_497 : vector<16xf32>
        %add3A_499 = arith.constant 192 : i32
        %add3A_500 = arith.addi %add3A_499, %scan3A_215 : i32
        %get3A_501 = arith.index_cast %add3A_500 : i32 to index
        %get3A_502 = arith.constant 96 : index
        %get3A_503 = tpu.vector_load %arg8[%get3A_501, %get3A_502] {strides = array<i32>} : memref<448x128xf32, #tpu.memory_space<vmem>>, vector<16xf32>,
        %mul3A_504 = arith.mulf %get3A_235, %get3A_503 : vector<16xf32>
        %add3A_505 = arith.addf %add3A_463, %mul3A_504 : vector<16xf32>
        %add3A_506 = arith.constant 256 : i32
        %add3A_507 = arith.addi %add3A_506, %scan3A_215 : i32
        %get3A_508 = arith.index_cast %add3A_507 : i32 to index
        %get3A_509 = arith.constant 96 : index
        %get3A_510 = tpu.vector_load %arg8[%get3A_508, %get3A_509] {strides = array<i32>} : memref<448x128xf32, #tpu.memory_space<vmem>>, vector<16xf32>,
        %mul3A_511 = arith.mulf %get3A_235, %get3A_510 : vector<16xf32>
        %add3A_512 = arith.addf %add3A_470, %mul3A_511 : vector<16xf32>
        %add3A_513 = arith.constant 320 : i32
        %add3A_514 = arith.addi %add3A_513, %scan3A_215 : i32
        %get3A_515 = arith.index_cast %add3A_514 : i32 to index
        %get3A_516 = arith.constant 96 : index
        %get3A_517 = tpu.vector_load %arg8[%get3A_515, %get3A_516] {strides = array<i32>} : memref<448x128xf32, #tpu.memory_space<vmem>>, vector<16xf32>,
        %mul3A_518 = arith.mulf %get3A_235, %get3A_517 : vector<16xf32>
        %add3A_519 = arith.addf %add3A_477, %mul3A_518 : vector<16xf32>
        %add3A_520 = arith.constant 384 : i32
        %add3A_521 = arith.addi %add3A_520, %scan3A_215 : i32
        %get3A_522 = arith.index_cast %add3A_521 : i32 to index
        %get3A_523 = arith.constant 96 : index
        %get3A_524 = tpu.vector_load %arg8[%get3A_522, %get3A_523] {strides = array<i32>} : memref<448x128xf32, #tpu.memory_space<vmem>>, vector<16xf32>,
        %mul3A_525 = arith.mulf %get3A_235, %get3A_524 : vector<16xf32>
        %add3A_526 = arith.addf %add3A_484, %mul3A_525 : vector<16xf32>
        %add3A_527 = arith.constant 64 : i32
        %add3A_528 = arith.addi %add3A_527, %scan3A_215 : i32
        %get3A_529 = arith.index_cast %add3A_528 : i32 to index
        %get3A_530 = arith.constant 112 : index
        %get3A_531 = tpu.vector_load %arg8[%get3A_529, %get3A_530] {strides = array<i32>} : memref<448x128xf32, #tpu.memory_space<vmem>>, vector<16xf32>,
        %mul3A_532 = arith.mulf %get3A_238, %get3A_531 : vector<16xf32>
        %add3A_533 = arith.addf %add3A_491, %mul3A_532 : vector<16xf32>
        %add3A_534 = arith.constant 128 : i32
        %add3A_535 = arith.addi %add3A_534, %scan3A_215 : i32
        %get3A_536 = arith.index_cast %add3A_535 : i32 to index
        %get3A_537 = arith.constant 112 : index
        %get3A_538 = tpu.vector_load %arg8[%get3A_536, %get3A_537] {strides = array<i32>} : memref<448x128xf32, #tpu.memory_space<vmem>>, vector<16xf32>,
        %mul3A_539 = arith.mulf %get3A_238, %get3A_538 : vector<16xf32>
        %add3A_540 = arith.addf %add3A_498, %mul3A_539 : vector<16xf32>
        %add3A_541 = arith.constant 192 : i32
        %add3A_542 = arith.addi %add3A_541, %scan3A_215 : i32
        %get3A_543 = arith.index_cast %add3A_542 : i32 to index
        %get3A_544 = arith.constant 112 : index
        %get3A_545 = tpu.vector_load %arg8[%get3A_543, %get3A_544] {strides = array<i32>} : memref<448x128xf32, #tpu.memory_space<vmem>>, vector<16xf32>,
        %mul3A_546 = arith.mulf %get3A_238, %get3A_545 : vector<16xf32>
        %add3A_547 = arith.addf %add3A_505, %mul3A_546 : vector<16xf32>
        %add3A_548 = arith.constant 256 : i32
        %add3A_549 = arith.addi %add3A_548, %scan3A_215 : i32
        %get3A_550 = arith.index_cast %add3A_549 : i32 to index
        %get3A_551 = arith.constant 112 : index
        %get3A_552 = tpu.vector_load %arg8[%get3A_550, %get3A_551] {strides = array<i32>} : memref<448x128xf32, #tpu.memory_space<vmem>>, vector<16xf32>,
        %mul3A_553 = arith.mulf %get3A_238, %get3A_552 : vector<16xf32>
        %add3A_554 = arith.addf %add3A_512, %mul3A_553 : vector<16xf32>
        %add3A_555 = arith.constant 320 : i32
        %add3A_556 = arith.addi %add3A_555, %scan3A_215 : i32
        %get3A_557 = arith.index_cast %add3A_556 : i32 to index
        %get3A_558 = arith.constant 112 : index
        %get3A_559 = tpu.vector_load %arg8[%get3A_557, %get3A_558] {strides = array<i32>} : memref<448x128xf32, #tpu.memory_space<vmem>>, vector<16xf32>,
        %mul3A_560 = arith.mulf %get3A_238, %get3A_559 : vector<16xf32>
        %add3A_561 = arith.addf %add3A_519, %mul3A_560 : vector<16xf32>
        %add3A_562 = arith.constant 384 : i32
        %add3A_563 = arith.addi %add3A_562, %scan3A_215 : i32
        %get3A_564 = arith.index_cast %add3A_563 : i32 to index
        %get3A_565 = arith.constant 112 : index
        %get3A_566 = tpu.vector_load %arg8[%get3A_564, %get3A_565] {strides = array<i32>} : memref<448x128xf32, #tpu.memory_space<vmem>>, vector<16xf32>,
        %mul3A_567 = arith.mulf %get3A_238, %get3A_566 : vector<16xf32>
        %add3A_568 = arith.addf %add3A_526, %mul3A_567 : vector<16xf32>
        %broadcast_in_dim3A = vector.shape_cast %and3A_184 : vector<16xi32> to vector<16x1xi32>
        %gather3A = vector.shape_cast %broadcast_in_dim3A : vector<16x1xi32> to vector<16xi32>
        %gather3A_569 = tpu.dynamic_gather %add3A_533[%gather3A] in [0] : vector<16xf32>, vector<16xi32> -> vector<16xf32>
        %add3A_570 = arith.addf %add3A_533, %gather3A_569 : vector<16xf32>
        %broadcast_in_dim3A_571 = vector.shape_cast %and3A_190 : vector<16xi32> to vector<16x1xi32>
        %gather3A_572 = vector.shape_cast %broadcast_in_dim3A_571 : vector<16x1xi32> to vector<16xi32>
        %gather3A_573 = tpu.dynamic_gather %add3A_570[%gather3A_572] in [0] : vector<16xf32>, vector<16xi32> -> vector<16xf32>
        %add3A_574 = arith.addf %add3A_570, %gather3A_573 : vector<16xf32>
        %broadcast_in_dim3A_575 = vector.shape_cast %and3A_196 : vector<16xi32> to vector<16x1xi32>
        %gather3A_576 = vector.shape_cast %broadcast_in_dim3A_575 : vector<16x1xi32> to vector<16xi32>
        %gather3A_577 = tpu.dynamic_gather %add3A_574[%gather3A_576] in [0] : vector<16xf32>, vector<16xi32> -> vector<16xf32>
        %add3A_578 = arith.addf %add3A_574, %gather3A_577 : vector<16xf32>
        %broadcast_in_dim3A_579 = vector.shape_cast %and3A_202 : vector<16xi32> to vector<16x1xi32>
        %gather3A_580 = vector.shape_cast %broadcast_in_dim3A_579 : vector<16x1xi32> to vector<16xi32>
        %gather3A_581 = tpu.dynamic_gather %add3A_578[%gather3A_580] in [0] : vector<16xf32>, vector<16xi32> -> vector<16xf32>
        %add3A_582 = arith.addf %add3A_578, %gather3A_581 : vector<16xf32>
        %add3A_583 = arith.constant 0 : i32
        %add3A_584 = arith.addi %add3A_583, %scan3A_215 : i32
        %broadcast_in_dim3A_585 = vector.broadcast %add3A_584 : i32 to vector<16xi32>
        tpu.vector_store_idx %arg10[%broadcast_in_dim3A_585], %add3A_582 masked %eq3A_178 : memref<384xf32, #tpu.memory_space<vmem>>[vector<16xi32>], vector<16xf32>, vector<16xi1>
        %broadcast_in_dim3A_586 = vector.shape_cast %and3A_184 : vector<16xi32> to vector<16x1xi32>
        %gather3A_587 = vector.shape_cast %broadcast_in_dim3A_586 : vector<16x1xi32> to vector<16xi32>
        %gather3A_588 = tpu.dynamic_gather %add3A_540[%gather3A_587] in [0] : vector<16xf32>, vector<16xi32> -> vector<16xf32>
        %add3A_589 = arith.addf %add3A_540, %gather3A_588 : vector<16xf32>
        %broadcast_in_dim3A_590 = vector.shape_cast %and3A_190 : vector<16xi32> to vector<16x1xi32>
        %gather3A_591 = vector.shape_cast %broadcast_in_dim3A_590 : vector<16x1xi32> to vector<16xi32>
        %gather3A_592 = tpu.dynamic_gather %add3A_589[%gather3A_591] in [0] : vector<16xf32>, vector<16xi32> -> vector<16xf32>
        %add3A_593 = arith.addf %add3A_589, %gather3A_592 : vector<16xf32>
        %broadcast_in_dim3A_594 = vector.shape_cast %and3A_196 : vector<16xi32> to vector<16x1xi32>
        %gather3A_595 = vector.shape_cast %broadcast_in_dim3A_594 : vector<16x1xi32> to vector<16xi32>
        %gather3A_596 = tpu.dynamic_gather %add3A_593[%gather3A_595] in [0] : vector<16xf32>, vector<16xi32> -> vector<16xf32>
        %add3A_597 = arith.addf %add3A_593, %gather3A_596 : vector<16xf32>
        %broadcast_in_dim3A_598 = vector.shape_cast %and3A_202 : vector<16xi32> to vector<16x1xi32>
        %gather3A_599 = vector.shape_cast %broadcast_in_dim3A_598 : vector<16x1xi32> to vector<16xi32>
        %gather3A_600 = tpu.dynamic_gather %add3A_597[%gather3A_599] in [0] : vector<16xf32>, vector<16xi32> -> vector<16xf32>
        %add3A_601 = arith.addf %add3A_597, %gather3A_600 : vector<16xf32>
        %add3A_602 = arith.constant 64 : i32
        %add3A_603 = arith.addi %add3A_602, %scan3A_215 : i32
        %broadcast_in_dim3A_604 = vector.broadcast %add3A_603 : i32 to vector<16xi32>
        tpu.vector_store_idx %arg10[%broadcast_in_dim3A_604], %add3A_601 masked %eq3A_178 : memref<384xf32, #tpu.memory_space<vmem>>[vector<16xi32>], vector<16xf32>, vector<16xi1>
        %broadcast_in_dim3A_605 = vector.shape_cast %and3A_184 : vector<16xi32> to vector<16x1xi32>
        %gather3A_606 = vector.shape_cast %broadcast_in_dim3A_605 : vector<16x1xi32> to vector<16xi32>
        %gather3A_607 = tpu.dynamic_gather %add3A_547[%gather3A_606] in [0] : vector<16xf32>, vector<16xi32> -> vector<16xf32>
        %add3A_608 = arith.addf %add3A_547, %gather3A_607 : vector<16xf32>
        %broadcast_in_dim3A_609 = vector.shape_cast %and3A_190 : vector<16xi32> to vector<16x1xi32>
        %gather3A_610 = vector.shape_cast %broadcast_in_dim3A_609 : vector<16x1xi32> to vector<16xi32>
        %gather3A_611 = tpu.dynamic_gather %add3A_608[%gather3A_610] in [0] : vector<16xf32>, vector<16xi32> -> vector<16xf32>
        %add3A_612 = arith.addf %add3A_608, %gather3A_611 : vector<16xf32>
        %broadcast_in_dim3A_613 = vector.shape_cast %and3A_196 : vector<16xi32> to vector<16x1xi32>
        %gather3A_614 = vector.shape_cast %broadcast_in_dim3A_613 : vector<16x1xi32> to vector<16xi32>
        %gather3A_615 = tpu.dynamic_gather %add3A_612[%gather3A_614] in [0] : vector<16xf32>, vector<16xi32> -> vector<16xf32>
        %add3A_616 = arith.addf %add3A_612, %gather3A_615 : vector<16xf32>
        %broadcast_in_dim3A_617 = vector.shape_cast %and3A_202 : vector<16xi32> to vector<16x1xi32>
        %gather3A_618 = vector.shape_cast %broadcast_in_dim3A_617 : vector<16x1xi32> to vector<16xi32>
        %gather3A_619 = tpu.dynamic_gather %add3A_616[%gather3A_618] in [0] : vector<16xf32>, vector<16xi32> -> vector<16xf32>
        %add3A_620 = arith.addf %add3A_616, %gather3A_619 : vector<16xf32>
        %add3A_621 = arith.constant 128 : i32
        %add3A_622 = arith.addi %add3A_621, %scan3A_215 : i32
        %broadcast_in_dim3A_623 = vector.broadcast %add3A_622 : i32 to vector<16xi32>
        tpu.vector_store_idx %arg10[%broadcast_in_dim3A_623], %add3A_620 masked %eq3A_178 : memref<384xf32, #tpu.memory_space<vmem>>[vector<16xi32>], vector<16xf32>, vector<16xi1>
        %broadcast_in_dim3A_624 = vector.shape_cast %and3A_184 : vector<16xi32> to vector<16x1xi32>
        %gather3A_625 = vector.shape_cast %broadcast_in_dim3A_624 : vector<16x1xi32> to vector<16xi32>
        %gather3A_626 = tpu.dynamic_gather %add3A_554[%gather3A_625] in [0] : vector<16xf32>, vector<16xi32> -> vector<16xf32>
        %add3A_627 = arith.addf %add3A_554, %gather3A_626 : vector<16xf32>
        %broadcast_in_dim3A_628 = vector.shape_cast %and3A_190 : vector<16xi32> to vector<16x1xi32>
        %gather3A_629 = vector.shape_cast %broadcast_in_dim3A_628 : vector<16x1xi32> to vector<16xi32>
        %gather3A_630 = tpu.dynamic_gather %add3A_627[%gather3A_629] in [0] : vector<16xf32>, vector<16xi32> -> vector<16xf32>
        %add3A_631 = arith.addf %add3A_627, %gather3A_630 : vector<16xf32>
        %broadcast_in_dim3A_632 = vector.shape_cast %and3A_196 : vector<16xi32> to vector<16x1xi32>
        %gather3A_633 = vector.shape_cast %broadcast_in_dim3A_632 : vector<16x1xi32> to vector<16xi32>
        %gather3A_634 = tpu.dynamic_gather %add3A_631[%gather3A_633] in [0] : vector<16xf32>, vector<16xi32> -> vector<16xf32>
        %add3A_635 = arith.addf %add3A_631, %gather3A_634 : vector<16xf32>
        %broadcast_in_dim3A_636 = vector.shape_cast %and3A_202 : vector<16xi32> to vector<16x1xi32>
        %gather3A_637 = vector.shape_cast %broadcast_in_dim3A_636 : vector<16x1xi32> to vector<16xi32>
        %gather3A_638 = tpu.dynamic_gather %add3A_635[%gather3A_637] in [0] : vector<16xf32>, vector<16xi32> -> vector<16xf32>
        %add3A_639 = arith.addf %add3A_635, %gather3A_638 : vector<16xf32>
        %add3A_640 = arith.constant 192 : i32
        %add3A_641 = arith.addi %add3A_640, %scan3A_215 : i32
        %broadcast_in_dim3A_642 = vector.broadcast %add3A_641 : i32 to vector<16xi32>
        tpu.vector_store_idx %arg10[%broadcast_in_dim3A_642], %add3A_639 masked %eq3A_178 : memref<384xf32, #tpu.memory_space<vmem>>[vector<16xi32>], vector<16xf32>, vector<16xi1>
        %broadcast_in_dim3A_643 = vector.shape_cast %and3A_184 : vector<16xi32> to vector<16x1xi32>
        %gather3A_644 = vector.shape_cast %broadcast_in_dim3A_643 : vector<16x1xi32> to vector<16xi32>
        %gather3A_645 = tpu.dynamic_gather %add3A_561[%gather3A_644] in [0] : vector<16xf32>, vector<16xi32> -> vector<16xf32>
        %add3A_646 = arith.addf %add3A_561, %gather3A_645 : vector<16xf32>
        %broadcast_in_dim3A_647 = vector.shape_cast %and3A_190 : vector<16xi32> to vector<16x1xi32>
        %gather3A_648 = vector.shape_cast %broadcast_in_dim3A_647 : vector<16x1xi32> to vector<16xi32>
        %gather3A_649 = tpu.dynamic_gather %add3A_646[%gather3A_648] in [0] : vector<16xf32>, vector<16xi32> -> vector<16xf32>
        %add3A_650 = arith.addf %add3A_646, %gather3A_649 : vector<16xf32>
        %broadcast_in_dim3A_651 = vector.shape_cast %and3A_196 : vector<16xi32> to vector<16x1xi32>
        %gather3A_652 = vector.shape_cast %broadcast_in_dim3A_651 : vector<16x1xi32> to vector<16xi32>
        %gather3A_653 = tpu.dynamic_gather %add3A_650[%gather3A_652] in [0] : vector<16xf32>, vector<16xi32> -> vector<16xf32>
        %add3A_654 = arith.addf %add3A_650, %gather3A_653 : vector<16xf32>
        %broadcast_in_dim3A_655 = vector.shape_cast %and3A_202 : vector<16xi32> to vector<16x1xi32>
        %gather3A_656 = vector.shape_cast %broadcast_in_dim3A_655 : vector<16x1xi32> to vector<16xi32>
        %gather3A_657 = tpu.dynamic_gather %add3A_654[%gather3A_656] in [0] : vector<16xf32>, vector<16xi32> -> vector<16xf32>
        %add3A_658 = arith.addf %add3A_654, %gather3A_657 : vector<16xf32>
        %add3A_659 = arith.constant 256 : i32
        %add3A_660 = arith.addi %add3A_659, %scan3A_215 : i32
        %broadcast_in_dim3A_661 = vector.broadcast %add3A_660 : i32 to vector<16xi32>
        tpu.vector_store_idx %arg10[%broadcast_in_dim3A_661], %add3A_658 masked %eq3A_178 : memref<384xf32, #tpu.memory_space<vmem>>[vector<16xi32>], vector<16xf32>, vector<16xi1>
        %broadcast_in_dim3A_662 = vector.shape_cast %and3A_184 : vector<16xi32> to vector<16x1xi32>
        %gather3A_663 = vector.shape_cast %broadcast_in_dim3A_662 : vector<16x1xi32> to vector<16xi32>
        %gather3A_664 = tpu.dynamic_gather %add3A_568[%gather3A_663] in [0] : vector<16xf32>, vector<16xi32> -> vector<16xf32>
        %add3A_665 = arith.addf %add3A_568, %gather3A_664 : vector<16xf32>
        %broadcast_in_dim3A_666 = vector.shape_cast %and3A_190 : vector<16xi32> to vector<16x1xi32>
        %gather3A_667 = vector.shape_cast %broadcast_in_dim3A_666 : vector<16x1xi32> to vector<16xi32>
        %gather3A_668 = tpu.dynamic_gather %add3A_665[%gather3A_667] in [0] : vector<16xf32>, vector<16xi32> -> vector<16xf32>
        %add3A_669 = arith.addf %add3A_665, %gather3A_668 : vector<16xf32>
        %broadcast_in_dim3A_670 = vector.shape_cast %and3A_196 : vector<16xi32> to vector<16x1xi32>
        %gather3A_671 = vector.shape_cast %broadcast_in_dim3A_670 : vector<16x1xi32> to vector<16xi32>
        %gather3A_672 = tpu.dynamic_gather %add3A_669[%gather3A_671] in [0] : vector<16xf32>, vector<16xi32> -> vector<16xf32>
        %add3A_673 = arith.addf %add3A_669, %gather3A_672 : vector<16xf32>
        %broadcast_in_dim3A_674 = vector.shape_cast %and3A_202 : vector<16xi32> to vector<16x1xi32>
        %gather3A_675 = vector.shape_cast %broadcast_in_dim3A_674 : vector<16x1xi32> to vector<16xi32>
        %gather3A_676 = tpu.dynamic_gather %add3A_673[%gather3A_675] in [0] : vector<16xf32>, vector<16xi32> -> vector<16xf32>
        %add3A_677 = arith.addf %add3A_673, %gather3A_676 : vector<16xf32>
        %add3A_678 = arith.constant 320 : i32
        %add3A_679 = arith.addi %add3A_678, %scan3A_215 : i32
        %broadcast_in_dim3A_680 = vector.broadcast %add3A_679 : i32 to vector<16xi32>
        tpu.vector_store_idx %arg10[%broadcast_in_dim3A_680], %add3A_677 masked %eq3A_178 : memref<384xf32, #tpu.memory_space<vmem>>[vector<16xi32>], vector<16xf32>, vector<16xi1>
        %scan3A_681 = arith.constant 1 : i32
        %scan3A_682 = arith.addi %scan3A_215, %scan3A_681 : i32
        %get3A_683 = arith.index_cast %scan3A_682 : i32 to index
        %get3A_684 = arith.constant 0 : index
        %get3A_685 = tpu.vector_load %arg8[%get3A_683, %get3A_684] {strides = array<i32>} : memref<448x128xf32, #tpu.memory_space<vmem>>, vector<16xf32>,
        %get3A_686 = arith.index_cast %scan3A_682 : i32 to index
        %get3A_687 = arith.constant 16 : index
        %get3A_688 = tpu.vector_load %arg8[%get3A_686, %get3A_687] {strides = array<i32>} : memref<448x128xf32, #tpu.memory_space<vmem>>, vector<16xf32>,
        %get3A_689 = arith.index_cast %scan3A_682 : i32 to index
        %get3A_690 = arith.constant 32 : index
        %get3A_691 = tpu.vector_load %arg8[%get3A_689, %get3A_690] {strides = array<i32>} : memref<448x128xf32, #tpu.memory_space<vmem>>, vector<16xf32>,
        %get3A_692 = arith.index_cast %scan3A_682 : i32 to index
        %get3A_693 = arith.constant 48 : index
        %get3A_694 = tpu.vector_load %arg8[%get3A_692, %get3A_693] {strides = array<i32>} : memref<448x128xf32, #tpu.memory_space<vmem>>, vector<16xf32>,
        %get3A_695 = arith.index_cast %scan3A_682 : i32 to index
        %get3A_696 = arith.constant 64 : index
        %get3A_697 = tpu.vector_load %arg8[%get3A_695, %get3A_696] {strides = array<i32>} : memref<448x128xf32, #tpu.memory_space<vmem>>, vector<16xf32>,
        %get3A_698 = arith.index_cast %scan3A_682 : i32 to index
        %get3A_699 = arith.constant 80 : index
        %get3A_700 = tpu.vector_load %arg8[%get3A_698, %get3A_699] {strides = array<i32>} : memref<448x128xf32, #tpu.memory_space<vmem>>, vector<16xf32>,
        %get3A_701 = arith.index_cast %scan3A_682 : i32 to index
        %get3A_702 = arith.constant 96 : index
        %get3A_703 = tpu.vector_load %arg8[%get3A_701, %get3A_702] {strides = array<i32>} : memref<448x128xf32, #tpu.memory_space<vmem>>, vector<16xf32>,
        %get3A_704 = arith.index_cast %scan3A_682 : i32 to index
        %get3A_705 = arith.constant 112 : index
        %get3A_706 = tpu.vector_load %arg8[%get3A_704, %get3A_705] {strides = array<i32>} : memref<448x128xf32, #tpu.memory_space<vmem>>, vector<16xf32>,
        %add3A_707 = arith.constant 64 : i32
        %add3A_708 = arith.addi %add3A_707, %scan3A_682 : i32
        %get3A_709 = arith.index_cast %add3A_708 : i32 to index
        %get3A_710 = arith.constant 0 : index
        %get3A_711 = tpu.vector_load %arg8[%get3A_709, %get3A_710] {strides = array<i32>} : memref<448x128xf32, #tpu.memory_space<vmem>>, vector<16xf32>,
        %mul3A_712 = arith.mulf %get3A_685, %get3A_711 : vector<16xf32>
        %add3A_713 = arith.constant 128 : i32
        %add3A_714 = arith.addi %add3A_713, %scan3A_682 : i32
        %get3A_715 = arith.index_cast %add3A_714 : i32 to index
        %get3A_716 = arith.constant 0 : index
        %get3A_717 = tpu.vector_load %arg8[%get3A_715, %get3A_716] {strides = array<i32>} : memref<448x128xf32, #tpu.memory_space<vmem>>, vector<16xf32>,
        %mul3A_718 = arith.mulf %get3A_685, %get3A_717 : vector<16xf32>
        %add3A_719 = arith.constant 192 : i32
        %add3A_720 = arith.addi %add3A_719, %scan3A_682 : i32
        %get3A_721 = arith.index_cast %add3A_720 : i32 to index
        %get3A_722 = arith.constant 0 : index
        %get3A_723 = tpu.vector_load %arg8[%get3A_721, %get3A_722] {strides = array<i32>} : memref<448x128xf32, #tpu.memory_space<vmem>>, vector<16xf32>,
        %mul3A_724 = arith.mulf %get3A_685, %get3A_723 : vector<16xf32>
        %add3A_725 = arith.constant 256 : i32
        %add3A_726 = arith.addi %add3A_725, %scan3A_682 : i32
        %get3A_727 = arith.index_cast %add3A_726 : i32 to index
        %get3A_728 = arith.constant 0 : index
        %get3A_729 = tpu.vector_load %arg8[%get3A_727, %get3A_728] {strides = array<i32>} : memref<448x128xf32, #tpu.memory_space<vmem>>, vector<16xf32>,
        %mul3A_730 = arith.mulf %get3A_685, %get3A_729 : vector<16xf32>
        %add3A_731 = arith.constant 320 : i32
        %add3A_732 = arith.addi %add3A_731, %scan3A_682 : i32
        %get3A_733 = arith.index_cast %add3A_732 : i32 to index
        %get3A_734 = arith.constant 0 : index
        %get3A_735 = tpu.vector_load %arg8[%get3A_733, %get3A_734] {strides = array<i32>} : memref<448x128xf32, #tpu.memory_space<vmem>>, vector<16xf32>,
        %mul3A_736 = arith.mulf %get3A_685, %get3A_735 : vector<16xf32>
        %add3A_737 = arith.constant 384 : i32
        %add3A_738 = arith.addi %add3A_737, %scan3A_682 : i32
        %get3A_739 = arith.index_cast %add3A_738 : i32 to index
        %get3A_740 = arith.constant 0 : index
        %get3A_741 = tpu.vector_load %arg8[%get3A_739, %get3A_740] {strides = array<i32>} : memref<448x128xf32, #tpu.memory_space<vmem>>, vector<16xf32>,
        %mul3A_742 = arith.mulf %get3A_685, %get3A_741 : vector<16xf32>
        %add3A_743 = arith.constant 64 : i32
        %add3A_744 = arith.addi %add3A_743, %scan3A_682 : i32
        %get3A_745 = arith.index_cast %add3A_744 : i32 to index
        %get3A_746 = arith.constant 16 : index
        %get3A_747 = tpu.vector_load %arg8[%get3A_745, %get3A_746] {strides = array<i32>} : memref<448x128xf32, #tpu.memory_space<vmem>>, vector<16xf32>,
        %mul3A_748 = arith.mulf %get3A_688, %get3A_747 : vector<16xf32>
        %add3A_749 = arith.addf %mul3A_712, %mul3A_748 : vector<16xf32>
        %add3A_750 = arith.constant 128 : i32
        %add3A_751 = arith.addi %add3A_750, %scan3A_682 : i32
        %get3A_752 = arith.index_cast %add3A_751 : i32 to index
        %get3A_753 = arith.constant 16 : index
        %get3A_754 = tpu.vector_load %arg8[%get3A_752, %get3A_753] {strides = array<i32>} : memref<448x128xf32, #tpu.memory_space<vmem>>, vector<16xf32>,
        %mul3A_755 = arith.mulf %get3A_688, %get3A_754 : vector<16xf32>
        %add3A_756 = arith.addf %mul3A_718, %mul3A_755 : vector<16xf32>
        %add3A_757 = arith.constant 192 : i32
        %add3A_758 = arith.addi %add3A_757, %scan3A_682 : i32
        %get3A_759 = arith.index_cast %add3A_758 : i32 to index
        %get3A_760 = arith.constant 16 : index
        %get3A_761 = tpu.vector_load %arg8[%get3A_759, %get3A_760] {strides = array<i32>} : memref<448x128xf32, #tpu.memory_space<vmem>>, vector<16xf32>,
        %mul3A_762 = arith.mulf %get3A_688, %get3A_761 : vector<16xf32>
        %add3A_763 = arith.addf %mul3A_724, %mul3A_762 : vector<16xf32>
        %add3A_764 = arith.constant 256 : i32
        %add3A_765 = arith.addi %add3A_764, %scan3A_682 : i32
        %get3A_766 = arith.index_cast %add3A_765 : i32 to index
        %get3A_767 = arith.constant 16 : index
        %get3A_768 = tpu.vector_load %arg8[%get3A_766, %get3A_767] {strides = array<i32>} : memref<448x128xf32, #tpu.memory_space<vmem>>, vector<16xf32>,
        %mul3A_769 = arith.mulf %get3A_688, %get3A_768 : vector<16xf32>
        %add3A_770 = arith.addf %mul3A_730, %mul3A_769 : vector<16xf32>
        %add3A_771 = arith.constant 320 : i32
        %add3A_772 = arith.addi %add3A_771, %scan3A_682 : i32
        %get3A_773 = arith.index_cast %add3A_772 : i32 to index
        %get3A_774 = arith.constant 16 : index
        %get3A_775 = tpu.vector_load %arg8[%get3A_773, %get3A_774] {strides = array<i32>} : memref<448x128xf32, #tpu.memory_space<vmem>>, vector<16xf32>,
        %mul3A_776 = arith.mulf %get3A_688, %get3A_775 : vector<16xf32>
        %add3A_777 = arith.addf %mul3A_736, %mul3A_776 : vector<16xf32>
        %add3A_778 = arith.constant 384 : i32
        %add3A_779 = arith.addi %add3A_778, %scan3A_682 : i32
        %get3A_780 = arith.index_cast %add3A_779 : i32 to index
        %get3A_781 = arith.constant 16 : index
        %get3A_782 = tpu.vector_load %arg8[%get3A_780, %get3A_781] {strides = array<i32>} : memref<448x128xf32, #tpu.memory_space<vmem>>, vector<16xf32>,
        %mul3A_783 = arith.mulf %get3A_688, %get3A_782 : vector<16xf32>
        %add3A_784 = arith.addf %mul3A_742, %mul3A_783 : vector<16xf32>
        %add3A_785 = arith.constant 64 : i32
        %add3A_786 = arith.addi %add3A_785, %scan3A_682 : i32
        %get3A_787 = arith.index_cast %add3A_786 : i32 to index
        %get3A_788 = arith.constant 32 : index
        %get3A_789 = tpu.vector_load %arg8[%get3A_787, %get3A_788] {strides = array<i32>} : memref<448x128xf32, #tpu.memory_space<vmem>>, vector<16xf32>,
        %mul3A_790 = arith.mulf %get3A_691, %get3A_789 : vector<16xf32>
        %add3A_791 = arith.addf %add3A_749, %mul3A_790 : vector<16xf32>
        %add3A_792 = arith.constant 128 : i32
        %add3A_793 = arith.addi %add3A_792, %scan3A_682 : i32
        %get3A_794 = arith.index_cast %add3A_793 : i32 to index
        %get3A_795 = arith.constant 32 : index
        %get3A_796 = tpu.vector_load %arg8[%get3A_794, %get3A_795] {strides = array<i32>} : memref<448x128xf32, #tpu.memory_space<vmem>>, vector<16xf32>,
        %mul3A_797 = arith.mulf %get3A_691, %get3A_796 : vector<16xf32>
        %add3A_798 = arith.addf %add3A_756, %mul3A_797 : vector<16xf32>
        %add3A_799 = arith.constant 192 : i32
        %add3A_800 = arith.addi %add3A_799, %scan3A_682 : i32
        %get3A_801 = arith.index_cast %add3A_800 : i32 to index
        %get3A_802 = arith.constant 32 : index
        %get3A_803 = tpu.vector_load %arg8[%get3A_801, %get3A_802] {strides = array<i32>} : memref<448x128xf32, #tpu.memory_space<vmem>>, vector<16xf32>,
        %mul3A_804 = arith.mulf %get3A_691, %get3A_803 : vector<16xf32>
        %add3A_805 = arith.addf %add3A_763, %mul3A_804 : vector<16xf32>
        %add3A_806 = arith.constant 256 : i32
        %add3A_807 = arith.addi %add3A_806, %scan3A_682 : i32
        %get3A_808 = arith.index_cast %add3A_807 : i32 to index
        %get3A_809 = arith.constant 32 : index
        %get3A_810 = tpu.vector_load %arg8[%get3A_808, %get3A_809] {strides = array<i32>} : memref<448x128xf32, #tpu.memory_space<vmem>>, vector<16xf32>,
        %mul3A_811 = arith.mulf %get3A_691, %get3A_810 : vector<16xf32>
        %add3A_812 = arith.addf %add3A_770, %mul3A_811 : vector<16xf32>
        %add3A_813 = arith.constant 320 : i32
        %add3A_814 = arith.addi %add3A_813, %scan3A_682 : i32
        %get3A_815 = arith.index_cast %add3A_814 : i32 to index
        %get3A_816 = arith.constant 32 : index
        %get3A_817 = tpu.vector_load %arg8[%get3A_815, %get3A_816] {strides = array<i32>} : memref<448x128xf32, #tpu.memory_space<vmem>>, vector<16xf32>,
        %mul3A_818 = arith.mulf %get3A_691, %get3A_817 : vector<16xf32>
        %add3A_819 = arith.addf %add3A_777, %mul3A_818 : vector<16xf32>
        %add3A_820 = arith.constant 384 : i32
        %add3A_821 = arith.addi %add3A_820, %scan3A_682 : i32
        %get3A_822 = arith.index_cast %add3A_821 : i32 to index
        %get3A_823 = arith.constant 32 : index
        %get3A_824 = tpu.vector_load %arg8[%get3A_822, %get3A_823] {strides = array<i32>} : memref<448x128xf32, #tpu.memory_space<vmem>>, vector<16xf32>,
        %mul3A_825 = arith.mulf %get3A_691, %get3A_824 : vector<16xf32>
        %add3A_826 = arith.addf %add3A_784, %mul3A_825 : vector<16xf32>
        %add3A_827 = arith.constant 64 : i32
        %add3A_828 = arith.addi %add3A_827, %scan3A_682 : i32
        %get3A_829 = arith.index_cast %add3A_828 : i32 to index
        %get3A_830 = arith.constant 48 : index
        %get3A_831 = tpu.vector_load %arg8[%get3A_829, %get3A_830] {strides = array<i32>} : memref<448x128xf32, #tpu.memory_space<vmem>>, vector<16xf32>,
        %mul3A_832 = arith.mulf %get3A_694, %get3A_831 : vector<16xf32>
        %add3A_833 = arith.addf %add3A_791, %mul3A_832 : vector<16xf32>
        %add3A_834 = arith.constant 128 : i32
        %add3A_835 = arith.addi %add3A_834, %scan3A_682 : i32
        %get3A_836 = arith.index_cast %add3A_835 : i32 to index
        %get3A_837 = arith.constant 48 : index
        %get3A_838 = tpu.vector_load %arg8[%get3A_836, %get3A_837] {strides = array<i32>} : memref<448x128xf32, #tpu.memory_space<vmem>>, vector<16xf32>,
        %mul3A_839 = arith.mulf %get3A_694, %get3A_838 : vector<16xf32>
        %add3A_840 = arith.addf %add3A_798, %mul3A_839 : vector<16xf32>
        %add3A_841 = arith.constant 192 : i32
        %add3A_842 = arith.addi %add3A_841, %scan3A_682 : i32
        %get3A_843 = arith.index_cast %add3A_842 : i32 to index
        %get3A_844 = arith.constant 48 : index
        %get3A_845 = tpu.vector_load %arg8[%get3A_843, %get3A_844] {strides = array<i32>} : memref<448x128xf32, #tpu.memory_space<vmem>>, vector<16xf32>,
        %mul3A_846 = arith.mulf %get3A_694, %get3A_845 : vector<16xf32>
        %add3A_847 = arith.addf %add3A_805, %mul3A_846 : vector<16xf32>
        %add3A_848 = arith.constant 256 : i32
        %add3A_849 = arith.addi %add3A_848, %scan3A_682 : i32
        %get3A_850 = arith.index_cast %add3A_849 : i32 to index
        %get3A_851 = arith.constant 48 : index
        %get3A_852 = tpu.vector_load %arg8[%get3A_850, %get3A_851] {strides = array<i32>} : memref<448x128xf32, #tpu.memory_space<vmem>>, vector<16xf32>,
        %mul3A_853 = arith.mulf %get3A_694, %get3A_852 : vector<16xf32>
        %add3A_854 = arith.addf %add3A_812, %mul3A_853 : vector<16xf32>
        %add3A_855 = arith.constant 320 : i32
        %add3A_856 = arith.addi %add3A_855, %scan3A_682 : i32
        %get3A_857 = arith.index_cast %add3A_856 : i32 to index
        %get3A_858 = arith.constant 48 : index
        %get3A_859 = tpu.vector_load %arg8[%get3A_857, %get3A_858] {strides = array<i32>} : memref<448x128xf32, #tpu.memory_space<vmem>>, vector<16xf32>,
        %mul3A_860 = arith.mulf %get3A_694, %get3A_859 : vector<16xf32>
        %add3A_861 = arith.addf %add3A_819, %mul3A_860 : vector<16xf32>
        %add3A_862 = arith.constant 384 : i32
        %add3A_863 = arith.addi %add3A_862, %scan3A_682 : i32
        %get3A_864 = arith.index_cast %add3A_863 : i32 to index
        %get3A_865 = arith.constant 48 : index
        %get3A_866 = tpu.vector_load %arg8[%get3A_864, %get3A_865] {strides = array<i32>} : memref<448x128xf32, #tpu.memory_space<vmem>>, vector<16xf32>,
        %mul3A_867 = arith.mulf %get3A_694, %get3A_866 : vector<16xf32>
        %add3A_868 = arith.addf %add3A_826, %mul3A_867 : vector<16xf32>
        %add3A_869 = arith.constant 64 : i32
        %add3A_870 = arith.addi %add3A_869, %scan3A_682 : i32
        %get3A_871 = arith.index_cast %add3A_870 : i32 to index
        %get3A_872 = arith.constant 64 : index
        %get3A_873 = tpu.vector_load %arg8[%get3A_871, %get3A_872] {strides = array<i32>} : memref<448x128xf32, #tpu.memory_space<vmem>>, vector<16xf32>,
        %mul3A_874 = arith.mulf %get3A_697, %get3A_873 : vector<16xf32>
        %add3A_875 = arith.addf %add3A_833, %mul3A_874 : vector<16xf32>
        %add3A_876 = arith.constant 128 : i32
        %add3A_877 = arith.addi %add3A_876, %scan3A_682 : i32
        %get3A_878 = arith.index_cast %add3A_877 : i32 to index
        %get3A_879 = arith.constant 64 : index
        %get3A_880 = tpu.vector_load %arg8[%get3A_878, %get3A_879] {strides = array<i32>} : memref<448x128xf32, #tpu.memory_space<vmem>>, vector<16xf32>,
        %mul3A_881 = arith.mulf %get3A_697, %get3A_880 : vector<16xf32>
        %add3A_882 = arith.addf %add3A_840, %mul3A_881 : vector<16xf32>
        %add3A_883 = arith.constant 192 : i32
        %add3A_884 = arith.addi %add3A_883, %scan3A_682 : i32
        %get3A_885 = arith.index_cast %add3A_884 : i32 to index
        %get3A_886 = arith.constant 64 : index
        %get3A_887 = tpu.vector_load %arg8[%get3A_885, %get3A_886] {strides = array<i32>} : memref<448x128xf32, #tpu.memory_space<vmem>>, vector<16xf32>,
        %mul3A_888 = arith.mulf %get3A_697, %get3A_887 : vector<16xf32>
        %add3A_889 = arith.addf %add3A_847, %mul3A_888 : vector<16xf32>
        %add3A_890 = arith.constant 256 : i32
        %add3A_891 = arith.addi %add3A_890, %scan3A_682 : i32
        %get3A_892 = arith.index_cast %add3A_891 : i32 to index
        %get3A_893 = arith.constant 64 : index
        %get3A_894 = tpu.vector_load %arg8[%get3A_892, %get3A_893] {strides = array<i32>} : memref<448x128xf32, #tpu.memory_space<vmem>>, vector<16xf32>,
        %mul3A_895 = arith.mulf %get3A_697, %get3A_894 : vector<16xf32>
        %add3A_896 = arith.addf %add3A_854, %mul3A_895 : vector<16xf32>
        %add3A_897 = arith.constant 320 : i32
        %add3A_898 = arith.addi %add3A_897, %scan3A_682 : i32
        %get3A_899 = arith.index_cast %add3A_898 : i32 to index
        %get3A_900 = arith.constant 64 : index
        %get3A_901 = tpu.vector_load %arg8[%get3A_899, %get3A_900] {strides = array<i32>} : memref<448x128xf32, #tpu.memory_space<vmem>>, vector<16xf32>,
        %mul3A_902 = arith.mulf %get3A_697, %get3A_901 : vector<16xf32>
        %add3A_903 = arith.addf %add3A_861, %mul3A_902 : vector<16xf32>
        %add3A_904 = arith.constant 384 : i32
        %add3A_905 = arith.addi %add3A_904, %scan3A_682 : i32
        %get3A_906 = arith.index_cast %add3A_905 : i32 to index
        %get3A_907 = arith.constant 64 : index
        %get3A_908 = tpu.vector_load %arg8[%get3A_906, %get3A_907] {strides = array<i32>} : memref<448x128xf32, #tpu.memory_space<vmem>>, vector<16xf32>,
        %mul3A_909 = arith.mulf %get3A_697, %get3A_908 : vector<16xf32>
        %add3A_910 = arith.addf %add3A_868, %mul3A_909 : vector<16xf32>
        %add3A_911 = arith.constant 64 : i32
        %add3A_912 = arith.addi %add3A_911, %scan3A_682 : i32
        %get3A_913 = arith.index_cast %add3A_912 : i32 to index
        %get3A_914 = arith.constant 80 : index
        %get3A_915 = tpu.vector_load %arg8[%get3A_913, %get3A_914] {strides = array<i32>} : memref<448x128xf32, #tpu.memory_space<vmem>>, vector<16xf32>,
        %mul3A_916 = arith.mulf %get3A_700, %get3A_915 : vector<16xf32>
        %add3A_917 = arith.addf %add3A_875, %mul3A_916 : vector<16xf32>
        %add3A_918 = arith.constant 128 : i32
        %add3A_919 = arith.addi %add3A_918, %scan3A_682 : i32
        %get3A_920 = arith.index_cast %add3A_919 : i32 to index
        %get3A_921 = arith.constant 80 : index
        %get3A_922 = tpu.vector_load %arg8[%get3A_920, %get3A_921] {strides = array<i32>} : memref<448x128xf32, #tpu.memory_space<vmem>>, vector<16xf32>,
        %mul3A_923 = arith.mulf %get3A_700, %get3A_922 : vector<16xf32>
        %add3A_924 = arith.addf %add3A_882, %mul3A_923 : vector<16xf32>
        %add3A_925 = arith.constant 192 : i32
        %add3A_926 = arith.addi %add3A_925, %scan3A_682 : i32
        %get3A_927 = arith.index_cast %add3A_926 : i32 to index
        %get3A_928 = arith.constant 80 : index
        %get3A_929 = tpu.vector_load %arg8[%get3A_927, %get3A_928] {strides = array<i32>} : memref<448x128xf32, #tpu.memory_space<vmem>>, vector<16xf32>,
        %mul3A_930 = arith.mulf %get3A_700, %get3A_929 : vector<16xf32>
        %add3A_931 = arith.addf %add3A_889, %mul3A_930 : vector<16xf32>
        %add3A_932 = arith.constant 256 : i32
        %add3A_933 = arith.addi %add3A_932, %scan3A_682 : i32
        %get3A_934 = arith.index_cast %add3A_933 : i32 to index
        %get3A_935 = arith.constant 80 : index
        %get3A_936 = tpu.vector_load %arg8[%get3A_934, %get3A_935] {strides = array<i32>} : memref<448x128xf32, #tpu.memory_space<vmem>>, vector<16xf32>,
        %mul3A_937 = arith.mulf %get3A_700, %get3A_936 : vector<16xf32>
        %add3A_938 = arith.addf %add3A_896, %mul3A_937 : vector<16xf32>
        %add3A_939 = arith.constant 320 : i32
        %add3A_940 = arith.addi %add3A_939, %scan3A_682 : i32
        %get3A_941 = arith.index_cast %add3A_940 : i32 to index
        %get3A_942 = arith.constant 80 : index
        %get3A_943 = tpu.vector_load %arg8[%get3A_941, %get3A_942] {strides = array<i32>} : memref<448x128xf32, #tpu.memory_space<vmem>>, vector<16xf32>,
        %mul3A_944 = arith.mulf %get3A_700, %get3A_943 : vector<16xf32>
        %add3A_945 = arith.addf %add3A_903, %mul3A_944 : vector<16xf32>
        %add3A_946 = arith.constant 384 : i32
        %add3A_947 = arith.addi %add3A_946, %scan3A_682 : i32
        %get3A_948 = arith.index_cast %add3A_947 : i32 to index
        %get3A_949 = arith.constant 80 : index
        %get3A_950 = tpu.vector_load %arg8[%get3A_948, %get3A_949] {strides = array<i32>} : memref<448x128xf32, #tpu.memory_space<vmem>>, vector<16xf32>,
        %mul3A_951 = arith.mulf %get3A_700, %get3A_950 : vector<16xf32>
        %add3A_952 = arith.addf %add3A_910, %mul3A_951 : vector<16xf32>
        %add3A_953 = arith.constant 64 : i32
        %add3A_954 = arith.addi %add3A_953, %scan3A_682 : i32
        %get3A_955 = arith.index_cast %add3A_954 : i32 to index
        %get3A_956 = arith.constant 96 : index
        %get3A_957 = tpu.vector_load %arg8[%get3A_955, %get3A_956] {strides = array<i32>} : memref<448x128xf32, #tpu.memory_space<vmem>>, vector<16xf32>,
        %mul3A_958 = arith.mulf %get3A_703, %get3A_957 : vector<16xf32>
        %add3A_959 = arith.addf %add3A_917, %mul3A_958 : vector<16xf32>
        %add3A_960 = arith.constant 128 : i32
        %add3A_961 = arith.addi %add3A_960, %scan3A_682 : i32
        %get3A_962 = arith.index_cast %add3A_961 : i32 to index
        %get3A_963 = arith.constant 96 : index
        %get3A_964 = tpu.vector_load %arg8[%get3A_962, %get3A_963] {strides = array<i32>} : memref<448x128xf32, #tpu.memory_space<vmem>>, vector<16xf32>,
        %mul3A_965 = arith.mulf %get3A_703, %get3A_964 : vector<16xf32>
        %add3A_966 = arith.addf %add3A_924, %mul3A_965 : vector<16xf32>
        %add3A_967 = arith.constant 192 : i32
        %add3A_968 = arith.addi %add3A_967, %scan3A_682 : i32
        %get3A_969 = arith.index_cast %add3A_968 : i32 to index
        %get3A_970 = arith.constant 96 : index
        %get3A_971 = tpu.vector_load %arg8[%get3A_969, %get3A_970] {strides = array<i32>} : memref<448x128xf32, #tpu.memory_space<vmem>>, vector<16xf32>,
        %mul3A_972 = arith.mulf %get3A_703, %get3A_971 : vector<16xf32>
        %add3A_973 = arith.addf %add3A_931, %mul3A_972 : vector<16xf32>
        %add3A_974 = arith.constant 256 : i32
        %add3A_975 = arith.addi %add3A_974, %scan3A_682 : i32
        %get3A_976 = arith.index_cast %add3A_975 : i32 to index
        %get3A_977 = arith.constant 96 : index
        %get3A_978 = tpu.vector_load %arg8[%get3A_976, %get3A_977] {strides = array<i32>} : memref<448x128xf32, #tpu.memory_space<vmem>>, vector<16xf32>,
        %mul3A_979 = arith.mulf %get3A_703, %get3A_978 : vector<16xf32>
        %add3A_980 = arith.addf %add3A_938, %mul3A_979 : vector<16xf32>
        %add3A_981 = arith.constant 320 : i32
        %add3A_982 = arith.addi %add3A_981, %scan3A_682 : i32
        %get3A_983 = arith.index_cast %add3A_982 : i32 to index
        %get3A_984 = arith.constant 96 : index
        %get3A_985 = tpu.vector_load %arg8[%get3A_983, %get3A_984] {strides = array<i32>} : memref<448x128xf32, #tpu.memory_space<vmem>>, vector<16xf32>,
        %mul3A_986 = arith.mulf %get3A_703, %get3A_985 : vector<16xf32>
        %add3A_987 = arith.addf %add3A_945, %mul3A_986 : vector<16xf32>
        %add3A_988 = arith.constant 384 : i32
        %add3A_989 = arith.addi %add3A_988, %scan3A_682 : i32
        %get3A_990 = arith.index_cast %add3A_989 : i32 to index
        %get3A_991 = arith.constant 96 : index
        %get3A_992 = tpu.vector_load %arg8[%get3A_990, %get3A_991] {strides = array<i32>} : memref<448x128xf32, #tpu.memory_space<vmem>>, vector<16xf32>,
        %mul3A_993 = arith.mulf %get3A_703, %get3A_992 : vector<16xf32>
        %add3A_994 = arith.addf %add3A_952, %mul3A_993 : vector<16xf32>
        %add3A_995 = arith.constant 64 : i32
        %add3A_996 = arith.addi %add3A_995, %scan3A_682 : i32
        %get3A_997 = arith.index_cast %add3A_996 : i32 to index
        %get3A_998 = arith.constant 112 : index
        %get3A_999 = tpu.vector_load %arg8[%get3A_997, %get3A_998] {strides = array<i32>} : memref<448x128xf32, #tpu.memory_space<vmem>>, vector<16xf32>,
        %mul3A_1000 = arith.mulf %get3A_706, %get3A_999 : vector<16xf32>
        %add3A_1001 = arith.addf %add3A_959, %mul3A_1000 : vector<16xf32>
        %add3A_1002 = arith.constant 128 : i32
        %add3A_1003 = arith.addi %add3A_1002, %scan3A_682 : i32
        %get3A_1004 = arith.index_cast %add3A_1003 : i32 to index
        %get3A_1005 = arith.constant 112 : index
        %get3A_1006 = tpu.vector_load %arg8[%get3A_1004, %get3A_1005] {strides = array<i32>} : memref<448x128xf32, #tpu.memory_space<vmem>>, vector<16xf32>,
        %mul3A_1007 = arith.mulf %get3A_706, %get3A_1006 : vector<16xf32>
        %add3A_1008 = arith.addf %add3A_966, %mul3A_1007 : vector<16xf32>
        %add3A_1009 = arith.constant 192 : i32
        %add3A_1010 = arith.addi %add3A_1009, %scan3A_682 : i32
        %get3A_1011 = arith.index_cast %add3A_1010 : i32 to index
        %get3A_1012 = arith.constant 112 : index
        %get3A_1013 = tpu.vector_load %arg8[%get3A_1011, %get3A_1012] {strides = array<i32>} : memref<448x128xf32, #tpu.memory_space<vmem>>, vector<16xf32>,
        %mul3A_1014 = arith.mulf %get3A_706, %get3A_1013 : vector<16xf32>
        %add3A_1015 = arith.addf %add3A_973, %mul3A_1014 : vector<16xf32>
        %add3A_1016 = arith.constant 256 : i32
        %add3A_1017 = arith.addi %add3A_1016, %scan3A_682 : i32
        %get3A_1018 = arith.index_cast %add3A_1017 : i32 to index
        %get3A_1019 = arith.constant 112 : index
        %get3A_1020 = tpu.vector_load %arg8[%get3A_1018, %get3A_1019] {strides = array<i32>} : memref<448x128xf32, #tpu.memory_space<vmem>>, vector<16xf32>,
        %mul3A_1021 = arith.mulf %get3A_706, %get3A_1020 : vector<16xf32>
        %add3A_1022 = arith.addf %add3A_980, %mul3A_1021 : vector<16xf32>
        %add3A_1023 = arith.constant 320 : i32
        %add3A_1024 = arith.addi %add3A_1023, %scan3A_682 : i32
        %get3A_1025 = arith.index_cast %add3A_1024 : i32 to index
        %get3A_1026 = arith.constant 112 : index
        %get3A_1027 = tpu.vector_load %arg8[%get3A_1025, %get3A_1026] {strides = array<i32>} : memref<448x128xf32, #tpu.memory_space<vmem>>, vector<16xf32>,
        %mul3A_1028 = arith.mulf %get3A_706, %get3A_1027 : vector<16xf32>
        %add3A_1029 = arith.addf %add3A_987, %mul3A_1028 : vector<16xf32>
        %add3A_1030 = arith.constant 384 : i32
        %add3A_1031 = arith.addi %add3A_1030, %scan3A_682 : i32
        %get3A_1032 = arith.index_cast %add3A_1031 : i32 to index
        %get3A_1033 = arith.constant 112 : index
        %get3A_1034 = tpu.vector_load %arg8[%get3A_1032, %get3A_1033] {strides = array<i32>} : memref<448x128xf32, #tpu.memory_space<vmem>>, vector<16xf32>,
        %mul3A_1035 = arith.mulf %get3A_706, %get3A_1034 : vector<16xf32>
        %add3A_1036 = arith.addf %add3A_994, %mul3A_1035 : vector<16xf32>
        %broadcast_in_dim3A_1037 = vector.shape_cast %and3A_184 : vector<16xi32> to vector<16x1xi32>
        %gather3A_1038 = vector.shape_cast %broadcast_in_dim3A_1037 : vector<16x1xi32> to vector<16xi32>
        %gather3A_1039 = tpu.dynamic_gather %add3A_1001[%gather3A_1038] in [0] : vector<16xf32>, vector<16xi32> -> vector<16xf32>
        %add3A_1040 = arith.addf %add3A_1001, %gather3A_1039 : vector<16xf32>
        %broadcast_in_dim3A_1041 = vector.shape_cast %and3A_190 : vector<16xi32> to vector<16x1xi32>
        %gather3A_1042 = vector.shape_cast %broadcast_in_dim3A_1041 : vector<16x1xi32> to vector<16xi32>
        %gather3A_1043 = tpu.dynamic_gather %add3A_1040[%gather3A_1042] in [0] : vector<16xf32>, vector<16xi32> -> vector<16xf32>
        %add3A_1044 = arith.addf %add3A_1040, %gather3A_1043 : vector<16xf32>
        %broadcast_in_dim3A_1045 = vector.shape_cast %and3A_196 : vector<16xi32> to vector<16x1xi32>
        %gather3A_1046 = vector.shape_cast %broadcast_in_dim3A_1045 : vector<16x1xi32> to vector<16xi32>
        %gather3A_1047 = tpu.dynamic_gather %add3A_1044[%gather3A_1046] in [0] : vector<16xf32>, vector<16xi32> -> vector<16xf32>
        %add3A_1048 = arith.addf %add3A_1044, %gather3A_1047 : vector<16xf32>
        %broadcast_in_dim3A_1049 = vector.shape_cast %and3A_202 : vector<16xi32> to vector<16x1xi32>
        %gather3A_1050 = vector.shape_cast %broadcast_in_dim3A_1049 : vector<16x1xi32> to vector<16xi32>
        %gather3A_1051 = tpu.dynamic_gather %add3A_1048[%gather3A_1050] in [0] : vector<16xf32>, vector<16xi32> -> vector<16xf32>
        %add3A_1052 = arith.addf %add3A_1048, %gather3A_1051 : vector<16xf32>
        %add3A_1053 = arith.constant 0 : i32
        %add3A_1054 = arith.addi %add3A_1053, %scan3A_682 : i32
        %broadcast_in_dim3A_1055 = vector.broadcast %add3A_1054 : i32 to vector<16xi32>
        tpu.vector_store_idx %arg10[%broadcast_in_dim3A_1055], %add3A_1052 masked %eq3A_178 : memref<384xf32, #tpu.memory_space<vmem>>[vector<16xi32>], vector<16xf32>, vector<16xi1>
        %broadcast_in_dim3A_1056 = vector.shape_cast %and3A_184 : vector<16xi32> to vector<16x1xi32>
        %gather3A_1057 = vector.shape_cast %broadcast_in_dim3A_1056 : vector<16x1xi32> to vector<16xi32>
        %gather3A_1058 = tpu.dynamic_gather %add3A_1008[%gather3A_1057] in [0] : vector<16xf32>, vector<16xi32> -> vector<16xf32>
        %add3A_1059 = arith.addf %add3A_1008, %gather3A_1058 : vector<16xf32>
        %broadcast_in_dim3A_1060 = vector.shape_cast %and3A_190 : vector<16xi32> to vector<16x1xi32>
        %gather3A_1061 = vector.shape_cast %broadcast_in_dim3A_1060 : vector<16x1xi32> to vector<16xi32>
        %gather3A_1062 = tpu.dynamic_gather %add3A_1059[%gather3A_1061] in [0] : vector<16xf32>, vector<16xi32> -> vector<16xf32>
        %add3A_1063 = arith.addf %add3A_1059, %gather3A_1062 : vector<16xf32>
        %broadcast_in_dim3A_1064 = vector.shape_cast %and3A_196 : vector<16xi32> to vector<16x1xi32>
        %gather3A_1065 = vector.shape_cast %broadcast_in_dim3A_1064 : vector<16x1xi32> to vector<16xi32>
        %gather3A_1066 = tpu.dynamic_gather %add3A_1063[%gather3A_1065] in [0] : vector<16xf32>, vector<16xi32> -> vector<16xf32>
        %add3A_1067 = arith.addf %add3A_1063, %gather3A_1066 : vector<16xf32>
        %broadcast_in_dim3A_1068 = vector.shape_cast %and3A_202 : vector<16xi32> to vector<16x1xi32>
        %gather3A_1069 = vector.shape_cast %broadcast_in_dim3A_1068 : vector<16x1xi32> to vector<16xi32>
        %gather3A_1070 = tpu.dynamic_gather %add3A_1067[%gather3A_1069] in [0] : vector<16xf32>, vector<16xi32> -> vector<16xf32>
        %add3A_1071 = arith.addf %add3A_1067, %gather3A_1070 : vector<16xf32>
        %add3A_1072 = arith.constant 64 : i32
        %add3A_1073 = arith.addi %add3A_1072, %scan3A_682 : i32
        %broadcast_in_dim3A_1074 = vector.broadcast %add3A_1073 : i32 to vector<16xi32>
        tpu.vector_store_idx %arg10[%broadcast_in_dim3A_1074], %add3A_1071 masked %eq3A_178 : memref<384xf32, #tpu.memory_space<vmem>>[vector<16xi32>], vector<16xf32>, vector<16xi1>
        %broadcast_in_dim3A_1075 = vector.shape_cast %and3A_184 : vector<16xi32> to vector<16x1xi32>
        %gather3A_1076 = vector.shape_cast %broadcast_in_dim3A_1075 : vector<16x1xi32> to vector<16xi32>
        %gather3A_1077 = tpu.dynamic_gather %add3A_1015[%gather3A_1076] in [0] : vector<16xf32>, vector<16xi32> -> vector<16xf32>
        %add3A_1078 = arith.addf %add3A_1015, %gather3A_1077 : vector<16xf32>
        %broadcast_in_dim3A_1079 = vector.shape_cast %and3A_190 : vector<16xi32> to vector<16x1xi32>
        %gather3A_1080 = vector.shape_cast %broadcast_in_dim3A_1079 : vector<16x1xi32> to vector<16xi32>
        %gather3A_1081 = tpu.dynamic_gather %add3A_1078[%gather3A_1080] in [0] : vector<16xf32>, vector<16xi32> -> vector<16xf32>
        %add3A_1082 = arith.addf %add3A_1078, %gather3A_1081 : vector<16xf32>
        %broadcast_in_dim3A_1083 = vector.shape_cast %and3A_196 : vector<16xi32> to vector<16x1xi32>
        %gather3A_1084 = vector.shape_cast %broadcast_in_dim3A_1083 : vector<16x1xi32> to vector<16xi32>
        %gather3A_1085 = tpu.dynamic_gather %add3A_1082[%gather3A_1084] in [0] : vector<16xf32>, vector<16xi32> -> vector<16xf32>
        %add3A_1086 = arith.addf %add3A_1082, %gather3A_1085 : vector<16xf32>
        %broadcast_in_dim3A_1087 = vector.shape_cast %and3A_202 : vector<16xi32> to vector<16x1xi32>
        %gather3A_1088 = vector.shape_cast %broadcast_in_dim3A_1087 : vector<16x1xi32> to vector<16xi32>
        %gather3A_1089 = tpu.dynamic_gather %add3A_1086[%gather3A_1088] in [0] : vector<16xf32>, vector<16xi32> -> vector<16xf32>
        %add3A_1090 = arith.addf %add3A_1086, %gather3A_1089 : vector<16xf32>
        %add3A_1091 = arith.constant 128 : i32
        %add3A_1092 = arith.addi %add3A_1091, %scan3A_682 : i32
        %broadcast_in_dim3A_1093 = vector.broadcast %add3A_1092 : i32 to vector<16xi32>
        tpu.vector_store_idx %arg10[%broadcast_in_dim3A_1093], %add3A_1090 masked %eq3A_178 : memref<384xf32, #tpu.memory_space<vmem>>[vector<16xi32>], vector<16xf32>, vector<16xi1>
        %broadcast_in_dim3A_1094 = vector.shape_cast %and3A_184 : vector<16xi32> to vector<16x1xi32>
        %gather3A_1095 = vector.shape_cast %broadcast_in_dim3A_1094 : vector<16x1xi32> to vector<16xi32>
        %gather3A_1096 = tpu.dynamic_gather %add3A_1022[%gather3A_1095] in [0] : vector<16xf32>, vector<16xi32> -> vector<16xf32>
        %add3A_1097 = arith.addf %add3A_1022, %gather3A_1096 : vector<16xf32>
        %broadcast_in_dim3A_1098 = vector.shape_cast %and3A_190 : vector<16xi32> to vector<16x1xi32>
        %gather3A_1099 = vector.shape_cast %broadcast_in_dim3A_1098 : vector<16x1xi32> to vector<16xi32>
        %gather3A_1100 = tpu.dynamic_gather %add3A_1097[%gather3A_1099] in [0] : vector<16xf32>, vector<16xi32> -> vector<16xf32>
        %add3A_1101 = arith.addf %add3A_1097, %gather3A_1100 : vector<16xf32>
        %broadcast_in_dim3A_1102 = vector.shape_cast %and3A_196 : vector<16xi32> to vector<16x1xi32>
        %gather3A_1103 = vector.shape_cast %broadcast_in_dim3A_1102 : vector<16x1xi32> to vector<16xi32>
        %gather3A_1104 = tpu.dynamic_gather %add3A_1101[%gather3A_1103] in [0] : vector<16xf32>, vector<16xi32> -> vector<16xf32>
        %add3A_1105 = arith.addf %add3A_1101, %gather3A_1104 : vector<16xf32>
        %broadcast_in_dim3A_1106 = vector.shape_cast %and3A_202 : vector<16xi32> to vector<16x1xi32>
        %gather3A_1107 = vector.shape_cast %broadcast_in_dim3A_1106 : vector<16x1xi32> to vector<16xi32>
        %gather3A_1108 = tpu.dynamic_gather %add3A_1105[%gather3A_1107] in [0] : vector<16xf32>, vector<16xi32> -> vector<16xf32>
        %add3A_1109 = arith.addf %add3A_1105, %gather3A_1108 : vector<16xf32>
        %add3A_1110 = arith.constant 192 : i32
        %add3A_1111 = arith.addi %add3A_1110, %scan3A_682 : i32
        %broadcast_in_dim3A_1112 = vector.broadcast %add3A_1111 : i32 to vector<16xi32>
        tpu.vector_store_idx %arg10[%broadcast_in_dim3A_1112], %add3A_1109 masked %eq3A_178 : memref<384xf32, #tpu.memory_space<vmem>>[vector<16xi32>], vector<16xf32>, vector<16xi1>
        %broadcast_in_dim3A_1113 = vector.shape_cast %and3A_184 : vector<16xi32> to vector<16x1xi32>
        %gather3A_1114 = vector.shape_cast %broadcast_in_dim3A_1113 : vector<16x1xi32> to vector<16xi32>
        %gather3A_1115 = tpu.dynamic_gather %add3A_1029[%gather3A_1114] in [0] : vector<16xf32>, vector<16xi32> -> vector<16xf32>
        %add3A_1116 = arith.addf %add3A_1029, %gather3A_1115 : vector<16xf32>
        %broadcast_in_dim3A_1117 = vector.shape_cast %and3A_190 : vector<16xi32> to vector<16x1xi32>
        %gather3A_1118 = vector.shape_cast %broadcast_in_dim3A_1117 : vector<16x1xi32> to vector<16xi32>
        %gather3A_1119 = tpu.dynamic_gather %add3A_1116[%gather3A_1118] in [0] : vector<16xf32>, vector<16xi32> -> vector<16xf32>
        %add3A_1120 = arith.addf %add3A_1116, %gather3A_1119 : vector<16xf32>
        %broadcast_in_dim3A_1121 = vector.shape_cast %and3A_196 : vector<16xi32> to vector<16x1xi32>
        %gather3A_1122 = vector.shape_cast %broadcast_in_dim3A_1121 : vector<16x1xi32> to vector<16xi32>
        %gather3A_1123 = tpu.dynamic_gather %add3A_1120[%gather3A_1122] in [0] : vector<16xf32>, vector<16xi32> -> vector<16xf32>
        %add3A_1124 = arith.addf %add3A_1120, %gather3A_1123 : vector<16xf32>
        %broadcast_in_dim3A_1125 = vector.shape_cast %and3A_202 : vector<16xi32> to vector<16x1xi32>
        %gather3A_1126 = vector.shape_cast %broadcast_in_dim3A_1125 : vector<16x1xi32> to vector<16xi32>
        %gather3A_1127 = tpu.dynamic_gather %add3A_1124[%gather3A_1126] in [0] : vector<16xf32>, vector<16xi32> -> vector<16xf32>
        %add3A_1128 = arith.addf %add3A_1124, %gather3A_1127 : vector<16xf32>
        %add3A_1129 = arith.constant 256 : i32
        %add3A_1130 = arith.addi %add3A_1129, %scan3A_682 : i32
        %broadcast_in_dim3A_1131 = vector.broadcast %add3A_1130 : i32 to vector<16xi32>
        tpu.vector_store_idx %arg10[%broadcast_in_dim3A_1131], %add3A_1128 masked %eq3A_178 : memref<384xf32, #tpu.memory_space<vmem>>[vector<16xi32>], vector<16xf32>, vector<16xi1>
        %broadcast_in_dim3A_1132 = vector.shape_cast %and3A_184 : vector<16xi32> to vector<16x1xi32>
        %gather3A_1133 = vector.shape_cast %broadcast_in_dim3A_1132 : vector<16x1xi32> to vector<16xi32>
        %gather3A_1134 = tpu.dynamic_gather %add3A_1036[%gather3A_1133] in [0] : vector<16xf32>, vector<16xi32> -> vector<16xf32>
        %add3A_1135 = arith.addf %add3A_1036, %gather3A_1134 : vector<16xf32>
        %broadcast_in_dim3A_1136 = vector.shape_cast %and3A_190 : vector<16xi32> to vector<16x1xi32>
        %gather3A_1137 = vector.shape_cast %broadcast_in_dim3A_1136 : vector<16x1xi32> to vector<16xi32>
        %gather3A_1138 = tpu.dynamic_gather %add3A_1135[%gather3A_1137] in [0] : vector<16xf32>, vector<16xi32> -> vector<16xf32>
        %add3A_1139 = arith.addf %add3A_1135, %gather3A_1138 : vector<16xf32>
        %broadcast_in_dim3A_1140 = vector.shape_cast %and3A_196 : vector<16xi32> to vector<16x1xi32>
        %gather3A_1141 = vector.shape_cast %broadcast_in_dim3A_1140 : vector<16x1xi32> to vector<16xi32>
        %gather3A_1142 = tpu.dynamic_gather %add3A_1139[%gather3A_1141] in [0] : vector<16xf32>, vector<16xi32> -> vector<16xf32>
        %add3A_1143 = arith.addf %add3A_1139, %gather3A_1142 : vector<16xf32>
        %broadcast_in_dim3A_1144 = vector.shape_cast %and3A_202 : vector<16xi32> to vector<16x1xi32>
        %gather3A_1145 = vector.shape_cast %broadcast_in_dim3A_1144 : vector<16x1xi32> to vector<16xi32>
        %gather3A_1146 = tpu.dynamic_gather %add3A_1143[%gather3A_1145] in [0] : vector<16xf32>, vector<16xi32> -> vector<16xf32>
        %add3A_1147 = arith.addf %add3A_1143, %gather3A_1146 : vector<16xf32>
        %add3A_1148 = arith.constant 320 : i32
        %add3A_1149 = arith.addi %add3A_1148, %scan3A_682 : i32
        %broadcast_in_dim3A_1150 = vector.broadcast %add3A_1149 : i32 to vector<16xi32>
        tpu.vector_store_idx %arg10[%broadcast_in_dim3A_1150], %add3A_1147 masked %eq3A_178 : memref<384xf32, #tpu.memory_space<vmem>>[vector<16xi32>], vector<16xf32>, vector<16xi1>
      }
      %scan3A_208 = arith.constant 64 : i32
      %mul3A_209 = arith.constant 384 : i32
      %mul3A_210 = arith.muli %add3A_153, %mul3A_209 : i32
      %add3A_211 = arith.addi %multiple_of3A_9, %mul3A_210 : i32
      %multiple_of3A_212 = tpu.assume_multiple %add3A_211, 8 : i32
      %dma_start3A_213 = tpu.memref_slice %arg4[%multiple_of3A_212] : memref<3022848xf32, #tpu.memory_space<hbm>> -> memref<384xf32, #tpu.memory_space<hbm>>
      %dma_start3A_214 = tpu.memref_slice %arg4[%multiple_of3A_212] : memref<3022848xf32, #tpu.memory_space<hbm>> -> memref<384xf32, #tpu.memory_space<hbm>>
      tpu.enqueue_dma source(%arg10 : memref<384xf32, #tpu.memory_space<vmem>>) target(%dma_start3A_214 : memref<384xf32, #tpu.memory_space<hbm>>) target_semaphore(%arg15 : memref<!tpu.dma_semaphore, #tpu.memory_space<semaphore_mem>>)
    }
    %scan3A_82 = arith.constant 123 : i32
    %dma_wait3A_83 = arith.constant 0 : i32
    %dma_wait3A_84 = tpu.memref_slice %arg4[%dma_wait3A_83] : memref<3022848xf32, #tpu.memory_space<hbm>> -> memref<384xf32, #tpu.memory_space<hbm>>
    %dma_wait3A_85 = arith.constant 0 : i32
    %dma_wait3A_86 = tpu.memref_slice %arg4[%dma_wait3A_85] : memref<3022848xf32, #tpu.memory_space<hbm>> -> memref<384xf32, #tpu.memory_space<hbm>>
    tpu.wait_dma2 semaphore(%arg15 : memref<!tpu.dma_semaphore, #tpu.memory_space<semaphore_mem>>) src(%arg9 : memref<384xf32, #tpu.memory_space<vmem>>) dst(%dma_wait3A_86 : memref<384xf32, #tpu.memory_space<hbm>>)
    %dma_wait3A_87 = arith.constant 0 : i32
    %dma_wait3A_88 = tpu.memref_slice %arg4[%dma_wait3A_87] : memref<3022848xf32, #tpu.memory_space<hbm>> -> memref<384xf32, #tpu.memory_space<hbm>>
    %dma_wait3A_89 = arith.constant 0 : i32
    %dma_wait3A_90 = tpu.memref_slice %arg4[%dma_wait3A_89] : memref<3022848xf32, #tpu.memory_space<hbm>> -> memref<384xf32, #tpu.memory_space<hbm>>
    tpu.wait_dma2 semaphore(%arg15 : memref<!tpu.dma_semaphore, #tpu.memory_space<semaphore_mem>>) src(%arg9 : memref<384xf32, #tpu.memory_space<vmem>>) dst(%dma_wait3A_90 : memref<384xf32, #tpu.memory_space<hbm>>)
    return
  }
}

module attributes {stable_mosaic.version = 14 : i64} {
  func.func @body(%arg0: i32, %arg1: memref<1x246x384xf32, #tpu.memory_space<vmem>>, %arg2: memref<1x1xf32, #tpu.memory_space<smem>>) attributes {dimension_semantics = [#tpu.dimension_semantics<arbitrary>], iteration_bounds = array<i64: 32>, scalar_prefetch = 0 : i64, scratch_operands = 0 : i64, tpu.core_type = #tpu.core_type<tc>, window_params = [{transform_indices = @transform_0, window_bounds = array<i64: 1, 246, 384>}, {transform_indices = @transform_1, window_bounds = array<i64: 1, 1>}]} {
    %eq3A = arith.constant 0 : i32
    %eq3A_0 = arith.cmpi eq, %arg0, %eq3A : i32
    %convert_element_type3A = arith.extui %eq3A_0 : i1 to i32
    %cond3A = arith.constant 0 : i32
    %cond3A_1 = arith.cmpi ne, %convert_element_type3A, %cond3A : i32
    scf.if %cond3A_1 {
      %swap3A_63 = arith.constant 0.000000e+00 : f32
      %swap3A_64 = arith.constant 0 : index
      %swap3A_65 = arith.constant 0 : index
      %swap3A_66 = memref.load %arg2[%swap3A_64, %swap3A_65] : memref<1x1xf32, #tpu.memory_space<smem>>
      memref.store %swap3A_63, %arg2[%swap3A_64, %swap3A_65] : memref<1x1xf32, #tpu.memory_space<smem>>
    } else {
    }
    %get3A = arith.constant 0 : index
    %get3A_2 = arith.constant 0 : index
    %get3A_3 = arith.constant 0 : index
    %get3A_4 = vector.load %arg1[%get3A, %get3A_2, %get3A_3] : memref<1x246x384xf32, #tpu.memory_space<vmem>>, vector<1x246x384xf32>
    %get3A_5 = vector.shape_cast %get3A_4 : vector<1x246x384xf32> to vector<246x384xf32>
    %iota3A = tpu.iota {dimensions = array<i32: 0>} : vector<246x384xi32>
    %iota3A_6 = tpu.iota {dimensions = array<i32: 1>} : vector<246x384xi32>
    %lt3A = arith.constant 64 : i32
    %lt3A_7 = vector.broadcast %lt3A : i32 to vector<246x384xi32>
    %lt3A_8 = arith.cmpi slt, %iota3A_6, %lt3A_7 : vector<246x384xi32>
    %neg3A = arith.constant 0.000000e+00 : f32
    %neg3A_9 = vector.broadcast %neg3A : f32 to vector<246x384xf32>
    %neg3A_10 = arith.subf %neg3A_9, %get3A_5 : vector<246x384xf32>
    %select_n3A = arith.select %lt3A_8, %get3A_5, %neg3A_10 : vector<246x384xi1>, vector<246x384xf32>
    %abs3A = math.absf %select_n3A : vector<246x384xf32>
    %neg3A_11 = arith.constant 0.000000e+00 : f32
    %neg3A_12 = vector.broadcast %neg3A_11 : f32 to vector<246x384xf32>
    %neg3A_13 = arith.subf %neg3A_12, %abs3A : vector<246x384xf32>
    %exp3A = math.exp %neg3A_13 : vector<246x384xf32>
    %ge3A = arith.constant 0.000000e+00 : f32
    %ge3A_14 = vector.broadcast %ge3A : f32 to vector<246x384xf32>
    %ge3A_15 = arith.cmpf oge, %select_n3A, %ge3A_14 : vector<246x384xf32>
    %add3A = arith.constant 1.000000e+00 : f32
    %add3A_16 = vector.broadcast %add3A : f32 to vector<246x384xf32>
    %add3A_17 = arith.addf %add3A_16, %exp3A : vector<246x384xf32>
    %div3A = arith.constant 1.000000e+00 : f32
    %div3A_18 = vector.broadcast %div3A : f32 to vector<246x384xf32>
    %div3A_19 = arith.divf %div3A_18, %add3A_17 : vector<246x384xf32>
    %add3A_20 = arith.constant 1.000000e+00 : f32
    %add3A_21 = vector.broadcast %add3A_20 : f32 to vector<246x384xf32>
    %add3A_22 = arith.addf %add3A_21, %exp3A : vector<246x384xf32>
    %div3A_23 = arith.divf %exp3A, %add3A_22 : vector<246x384xf32>
    %select_n3A_24 = arith.select %ge3A_15, %div3A_19, %div3A_23 : vector<246x384xi1>, vector<246x384xf32>
    %log3A = math.log %select_n3A_24 : vector<246x384xf32>
    %mul3A = arith.constant 64 : i32
    %mul3A_25 = vector.broadcast %mul3A : i32 to vector<246x384xi32>
    %mul3A_26 = arith.muli %iota3A, %mul3A_25 : vector<246x384xi32>
    %jit3A = arith.constant 64 : i32
    %eq3A_27 = arith.constant 0 : i32
    %eq3A_28 = arith.cmpi eq, %jit3A, %eq3A_27 : i32
    %jit3A_29 = arith.constant 1 : i32
    %select_n3A_30 = arith.select %eq3A_28, %jit3A_29, %jit3A : i32
    %rem3A = vector.broadcast %select_n3A_30 : i32 to vector<246x384xi32>
    %rem3A_31 = arith.remsi %iota3A_6, %rem3A : vector<246x384xi32>
    %ne3A = arith.constant 0 : i32
    %ne3A_32 = vector.broadcast %ne3A : i32 to vector<246x384xi32>
    %ne3A_33 = arith.cmpi ne, %rem3A_31, %ne3A_32 : vector<246x384xi32>
    %lt3A_34 = arith.constant 0 : i32
    %lt3A_35 = vector.broadcast %lt3A_34 : i32 to vector<246x384xi32>
    %lt3A_36 = arith.cmpi slt, %rem3A_31, %lt3A_35 : vector<246x384xi32>
    %lt3A_37 = arith.constant 0 : i32
    %lt3A_38 = arith.cmpi slt, %select_n3A_30, %lt3A_37 : i32
    %ne3A_39 = vector.broadcast %lt3A_38 : i1 to vector<246x384xi1>
    %ne3A_40 = vector.broadcast %ne3A_39 : vector<246x384xi1> to vector<246x384xi1>
    %ne3A_41 = arith.xori %lt3A_36, %ne3A_40 : vector<246x384xi1>
    %and3A = arith.andi %ne3A_41, %ne3A_33 : vector<246x384xi1>
    %add3A_42 = vector.broadcast %select_n3A_30 : i32 to vector<246x384xi32>
    %add3A_43 = arith.addi %rem3A_31, %add3A_42 : vector<246x384xi32>
    %select_n3A_44 = arith.select %and3A, %add3A_43, %rem3A_31 : vector<246x384xi1>, vector<246x384xi32>
    %add3A_45 = arith.addi %mul3A_26, %select_n3A_44 : vector<246x384xi32>
    %lt3A_46 = arith.constant 15625 : i32
    %lt3A_47 = vector.broadcast %lt3A_46 : i32 to vector<246x384xi32>
    %lt3A_48 = arith.cmpi slt, %add3A_45, %lt3A_47 : vector<246x384xi32>
    %get3A_49 = arith.constant 0 : index
    %get3A_50 = arith.constant 0 : index
    %get3A_51 = memref.load %arg2[%get3A_49, %get3A_50] : memref<1x1xf32, #tpu.memory_space<smem>>
    %jit3A_52 = arith.constant 0.000000e+00 : f32
    %broadcast_in_dim3A = vector.broadcast %jit3A_52 : f32 to vector<246x384xf32>
    %select_n3A_53 = arith.select %lt3A_48, %log3A, %broadcast_in_dim3A : vector<246x384xi1>, vector<246x384xf32>
    %reduce_sum3A = vector.shape_cast %select_n3A_53 : vector<246x384xf32> to vector<1x246x384xf32>
    %reduce_sum3A_54 = arith.constant dense<0.000000e+00> : vector<1xf32>
    %reduce_sum3A_55 = vector.multi_reduction <add>, %reduce_sum3A, %reduce_sum3A_54 [1, 2] : vector<1x246x384xf32> to vector<1xf32>
    %reduce_sum3A_56 = vector.shape_cast %reduce_sum3A_55 : vector<1xf32> to vector<1x1x1xf32>
    %reduce_sum3A_57 = vector.extract %reduce_sum3A_56[0, 0, 0] : f32 from vector<1x1x1xf32>
    %mul3A_58 = arith.constant -2.000000e-06 : f32
    %mul3A_59 = arith.mulf %reduce_sum3A_57, %mul3A_58 : f32
    %add3A_60 = arith.addf %get3A_51, %mul3A_59 : f32
    %swap3A = arith.constant 0 : index
    %swap3A_61 = arith.constant 0 : index
    %swap3A_62 = memref.load %arg2[%swap3A, %swap3A_61] : memref<1x1xf32, #tpu.memory_space<smem>>
    memref.store %add3A_60, %arg2[%swap3A, %swap3A_61] : memref<1x1xf32, #tpu.memory_space<smem>>
    return
  }
  func.func @transform_0(%arg0: i32) -> (i32, i32, i32) {
    %c0_i32 = arith.constant 0 : i32
    %c0_i32_0 = arith.constant 0 : i32
    %c0_i32_1 = arith.constant 0 : i32
    return %arg0, %c0_i32, %c0_i32_0 : i32, i32, i32
  }
  func.func @transform_1(%arg0: i32) -> (i32, i32) {
    %c0_i32 = arith.constant 0 : i32
    %c0_i32_0 = arith.constant 0 : i32
    %c0_i32_1 = arith.constant 0 : i32
    return %c0_i32, %c0_i32_0 : i32, i32
  }
}

</mosaic_0001>

<sc_bundles>
// kernel: kernel.4.cloned.1.call-start
scs
__scs_entry_jumppad:
0x0: {  	(pc) =	sbr.rel $0x88, $3  }
0x1: {  	(tag) =	ssettag $0x0;
	lr =	simm.s32 $0x1  }
0x2: {  	[smem:$0x3F9F] =	sst lr;
	_ =	strace $0xD0000000  }
0x3: {  	_ = 	snop  }
0x4: {  	_ = 	snop  }
0x5: {  	_ = 	snop  }
0x6: {  	_ = 	snop  }
0x7: {  	_ = 	snop  }
__scs_overlays_trampoline_lowered:
0x8: {  	[smem:$0x3FAE] =	sst s0  }
0x9: {  	[smem:$0x3FAF] =	sst s1  }
0xa: {  	[smem:$0x3FB0] =	sst s2  }
0xb: {  	[smem:$0x3FB1] =	sst s3  }
0xc: {  	[smem:$0x3FB2] =	sst s4  }
0xd: {  	[smem:$0x3FB3] =	sst s5  }
0xe: {  	[smem:$0x3FB4] =	sst s6  }
0xf: {  	[smem:$0x3FB5] =	sst s7  }
0x10: {  	[smem:$0x3FB6] =	sst s8  }
0x11: {  	[smem:$0x3FB7] =	sst s9;
	s0 =	simm.s32 @!p0 $0x0  }
0x12: {  	s1 =	sld [smem:$0x3F9D];
	s0 =	simm.s32 @p0 $0x1  }
0x13: {  	[smem:$0x3FB8] =	sst s0;
	s0 =	simm.s32 @!p1 $0x0  }
0x14: {  	s2 =	sld [smem:$0x3F9C];
	s0 =	simm.s32 @p1 $0x1  }
0x15: {  	[smem:$0x3FB9] =	sst s0;
	s0 =	simm.s32 @!p2 $0x0  }
0x16: {  	s3 =	sld [smem:$0x3FDB];
	s0 =	simm.s32 @p2 $0x1  }
0x17: {  	s4 =	simm.s32 $0x1BF5;
	[smem:$0x3FBB] =	sst s0  }
0x18: {  	s0 =	sld [smem:$0x3F9E];
	_ =	swait.ge [sflag:s4], $0x0  }
0x19: {  	s7 =	sld [smem:$0x3F9F]  }
0x1a: {  	s8 =	sadd.s32 $0xFFFFE003, lr  }
0x1b: {  	s9 =	sadd.s32 $0xFFFFFEF7, lr;
	s5 =	simm.s32 $0xFFFFFFFF;
	p2 =	slt.u32 s8, $0xFFFFF086  }
0x1c: {  	p1 =	slt.u32 s9, $0xF7A;
	s5 =	simm.s32 @!p2 $0x0  }
0x1d: {  	s5 =	simm.s32 @p1 $0x1;
	p0 =	seq.s32 s7, s2  }
0x1e: {  	s7 =	smul.u32 @!p0 $0xF7A, s2;
	p2 =	seq.s32 @!p0 s5, $0x0  }
0x1f: {  	s9 =	smul.u32 $0xF7A, s1;
	s8 =	simm.s32 @!p0 $0x1BF5;
	p2 =	por !p2, p0  }
0x20: {  	[sflag:s8] =	ssyncset.s32 @!p0 $0xFFFFF086;
	s6 =	sadd.s32 @!p0 s3, s7;
	s7 =	simm.s32 @!p0 $0x108  }
0x21: {  	s3 =	sadd.s32 s3, s9;
	s6 =	sadd.s32 @!p0 $0x88, s6;
	s7 =	simm.s32 @p2 $0x1082  }
0x22: {  	[simem:s7], [sflag:s8] =	dma.local @!p0 [hbm:s6], $0xF7A  }
0x23: {  	s9 =	sor.u32 $0xD0000000, s2;
	s6 =	simm.s32 $0x108;
	_ =	swait.ge @!p0 [sflag:s8], $0x0  }
0x24: {  	s3 =	sadd.s32 $0x88, s3;
	s6 =	simm.s32 @!p1 $0x1082;
	[sflag:s4] =	ssyncset.s32 $0xFFFFF086  }
0x25: {  	[simem:s6], [sflag:s4] =	dma.local [hbm:s3], $0xF7A  }
0x26: {  	[smem:$0x3F9F] =	sst s1;
	(tag) =	ssettag s2;
	_ =	strace s9  }
0x27: {  	s1 =	sld [smem:$0x3FAF]  }
0x28: {  	s2 =	sld [smem:$0x3FB0]  }
0x29: {  	s4 =	sld [smem:$0x3FB2]  }
0x2a: {  	p0 =	seq.s32 s5, $0x0;
	s5 =	sld [smem:$0x3FB3]  }
0x2b: {  	s6 =	sld [smem:$0x3FB4]  }
0x2c: {  	s7 =	sld [smem:$0x3FB5]  }
0x2d: {  	s3 =	simm.s32 $0x108;
	s8 =	sld [smem:$0x3FB6]  }
0x2e: {  	s3 =	simm.s32 @!p0 $0x1082;
	s9 =	sld [smem:$0x3FB7]  }
0x2f: {  	lr =	sadd.s32 s0, s3;
	s0 =	sld [smem:$0x3FAE]  }
0x30: {  	s3 =	sld [smem:$0x3FB1]  }
0x31: {  	[smem:$0x3FBA] =	sst s10  }
0x32: {  	s10 =	sld [smem:$0x3FB8];
	_ =	sdelay $0x3  }
0x33: {  	p0 =	seq.s32 s10, $0x1;
	s10 =	sld [smem:$0x3FBA];
	_ =	sdelay $0x3  }
0x34: {  	[smem:$0x3FBA] =	sst s10  }
0x35: {  	s10 =	sld [smem:$0x3FB9];
	_ =	sdelay $0x3  }
0x36: {  	p1 =	seq.s32 s10, $0x1;
	s10 =	sld [smem:$0x3FBA];
	_ =	sdelay $0x3  }
0x37: {  	[smem:$0x3FBA] =	sst s10  }
0x38: {  	s10 =	sld [smem:$0x3FBB]  }
0x39: {  	_ = 	snop;
	(pc) =	sbr.ind lr, $3  }
0x3a: {  	_ = 	snop  }
0x3b: {  	_ = 	snop  }
0x3c: {  	p2 =	seq.s32 s10, $0x1;
	s10 =	sld [smem:$0x3FBA]  }
0x3d: {  	_ =	shalt  }
0x3e: {  	_ =	shalt  }
0x3f: {  	_ =	shalt  }
0x40: {  	_ =	shalt  }
0x41: {  	_ =	shalt  }
0x42: {  	_ =	shalt  }
0x43: {  	_ =	shalt  }
0x44: {  	_ =	shalt  }
0x45: {  	_ =	shalt  }
0x46: {  	_ =	shalt  }
0x47: {  	_ =	shalt  }
0x48: {  	_ =	shalt  }
0x49: {  	_ =	shalt  }
0x4a: {  	_ =	shalt  }
0x4b: {  	_ =	shalt  }
0x4c: {  	_ =	shalt  }
0x4d: {  	_ =	shalt  }
0x4e: {  	_ =	shalt  }
0x4f: {  	_ =	shalt  }
0x50: {  	_ =	shalt  }
0x51: {  	_ =	shalt  }
0x52: {  	_ =	shalt  }
0x53: {  	_ =	shalt  }
0x54: {  	_ =	shalt  }
0x55: {  	_ =	shalt  }
0x56: {  	_ =	shalt  }
0x57: {  	_ =	shalt  }
0x58: {  	_ =	shalt  }
0x59: {  	_ =	shalt  }
0x5a: {  	_ =	shalt  }
0x5b: {  	_ =	shalt  }
0x5c: {  	_ =	shalt  }
0x5d: {  	_ =	shalt  }
0x5e: {  	_ =	shalt  }
0x5f: {  	_ =	shalt  }
0x60: {  	_ =	shalt  }
0x61: {  	_ =	shalt  }
0x62: {  	_ =	shalt  }
0x63: {  	_ =	shalt  }
0x64: {  	_ =	shalt  }
0x65: {  	_ =	shalt  }
0x66: {  	_ =	shalt  }
0x67: {  	_ =	shalt  }
0x68: {  	_ =	shalt  }
0x69: {  	_ =	shalt  }
0x6a: {  	_ =	shalt  }
0x6b: {  	_ =	shalt  }
0x6c: {  	_ =	shalt  }
0x6d: {  	_ =	shalt  }
0x6e: {  	_ =	shalt  }
0x6f: {  	_ =	shalt  }
0x70: {  	_ =	shalt  }
0x71: {  	_ =	shalt  }
0x72: {  	_ =	shalt  }
0x73: {  	_ =	shalt  }
0x74: {  	_ =	shalt  }
0x75: {  	_ =	shalt  }
0x76: {  	_ =	shalt  }
0x77: {  	_ =	shalt  }
0x78: {  	_ =	shalt  }
0x79: {  	_ =	shalt  }
0x7a: {  	_ =	shalt  }
0x7b: {  	_ =	shalt  }
0x7c: {  	_ =	shalt  }
0x7d: {  	_ =	shalt  }
0x7e: {  	_ =	shalt  }
0x7f: {  	_ =	shalt  }
0x80: {  	_ =	shalt  }
0x81: {  	_ =	shalt  }
0x82: {  	_ =	shalt  }
0x83: {  	_ =	shalt  }
0x84: {  	_ =	shalt  }
0x85: {  	_ =	shalt  }
0x86: {  	_ =	shalt  }
0x87: {  	_ =	shalt  }
.Lfunc_end0:
.L_simem_size_0:
called_computation_lowered:
.L_overlay_start_0:
0x88: {  	s2 =	sld [smem:$0x3FD9]  }
0x89: {  	s3 =	sld [smem:$0x3FFE];
	_ =	sdelay $0x1  }
0x8a: {  	s1 =	srdreg.scid  }
0x8b: {  	s0 =	sand.u32 $0x1, s1  }
0x8c: {  	s17 =	sshll.u32 s0, $0xA;
	s2 =	sadd.s32 s3, s2  }
0x8d: {  	s2 =	sadd.s32 s2, s17  }
0x8e: {  	[smem:$0x3FC6] =	sst s2  }
0x8f: {  	_ = 	snop  }
0x90: {  	s2 =	sld [smem:$0x3FC8];
	(tm) =	ssettm $0x1  }
0x91: {  	s18 =	sld [smem:$0x3FFB];
	_ =	sdelay $0x3  }
0x92: {  	_ =	strace s18  }
0x93: {  	s3 =	sld [smem:$0x3FFC];
	_ =	sdelay $0x3  }
0x94: {  	_ =	strace s3  }
0x95: {  	s3 =	sld [smem:$0x3FFD];
	_ =	sdelay $0x3  }
0x96: {  	_ =	strace s3  }
0x97: {  	_ =	strace $0x8FFFFFFF  }
0x98: {  	s19 =	sld [smem:$0x3FDB];
	_ =	sdelay $0x1  }
0x99: {  	s4 =	simm.s32 $_scs_section_size  }
0x9a: {  	s5 =	simm.s32 $_size__tile_overlayer_lowered;
	s6 =	simm.s32 $_tile_overlayer_lowered  }
0x9b: {  	s22 =	simm.s32 $0x1BFF;
	s21 =	sshll.u32 s6, $0x1;
	s3 =	sadd.s32 s4, s19  }
0x9c: {  	s7 =	simm.s32 $0x0;
	s20 =	sshll.u32 s5, $0x1;
	s5 =	sadd.s32 s21, s3  }
0x9d: {  	[timem:s7], [sflag:s22] =	dma.local [hbm:s5], s20  }
0x9e: {  	_ =	swait.ge [sflag:s22], s20  }
0x9f: {  	s4 =	ssub.s32 $0x0, s20;
	[sflag:s22] =	ssyncset.done $0x0  }
0xa0: {  	[sflag:s22] =	ssyncadd.s32 s4;
	_ =	sdelay $0x1  }
0xa1: {  	s23 =	simm.s32 $0x1B8B  }
0xa2: {  	_ =	swait.ge [sflag:s23], $0x1  }
0xa3: {  	[sflag:s23] =	ssyncset.done $0x0  }
0xa4: {  	s25 =	simm.s32 $0x1B8E;
	s24 =	sld [smem:$0x3FFE];
	[sflag:s23] =	ssyncadd.s32 $0xFFFFFFFF  }
0xa5: {  	s26 =	simm.s32 $execute0_lowered;
	[smem:$0x3FD2] =	sst s25  }
0xa6: {  	s5 =	sshll.u32 s26, $0x1;
	_ =	strace $0x80000046;
	[dreg:$0x1] =	wrdreg $0xFFFFFFFF  }
0xa7: {  	s28 =	simm.s32 $_size_execute0_lowered;
	s3 =	sadd.s32 s3, s5;
	[dreg:$0x0] =	wrdreg $0x0  }
0xa8: {  	s5 =	sshll.u32 s28, $0x1;
	[dreg:$0x2] =	wrdreg s3  }
0xa9: {  	[dreg:$0x3] =	wrdreg s5  }
0xaa: {  	[dreg:$0x4] =	wrdreg $0xC0  }
0xab: {  	_ =	task [dreg:s7], $0x5FFFF  }
0xac: {  	[dreg:$0x1] =	wrdreg $0xFFFFFFFF  }
0xad: {  	[dreg:$0x0] =	wrdreg $0x60  }
0xae: {  	[dreg:$0x2] =	wrdreg s2  }
0xaf: {  	[dreg:$0x3] =	wrdreg s24  }
0xb0: {  	[dreg:$0x4] =	wrdreg $0x9  }
0xb1: {  	_ =	task.clear_ibuf [dreg:s7], $0x5FFFF;
	_ =	strace $0x90000046  }
0xb2: {  	s29 =	simm.s32 $0x9;
	_ =	strace $0x80000048  }
0xb3: {  	_ =	swait.ge [sflag:s29], $0x1  }
0xb4: {  	[sflag:s29] =	ssyncadd.s32 $0xFFFFFFFF  }
0xb5: {  	_ =	strace $0x90000048  }
0xb6: {  	_ =	sfence  }
0xb7: {  	s30 =	sld [smem:$0x0];
	_ =	sdelay $0x2  }
0xb8: {  	s31 =	sshll.u32 s1, $0xD;
	s1 =	sshrl.u32 s1, $0x2  }
0xb9: {  	s3 =	sand.u32 $0x4000, s31;
	s1 =	sadd.s32 s1, s30  }
0xba: {  	s0 =	sor.u32 s3, s0;
	s1 =	sshll.u32 s1, $0x11  }
0xbb: {  	s0 =	sor.u32 s1, s0  }
0xbc: {  	s0 =	sadd.s32 $0x8F2B, s0  }
0xbd: {  	[sflag:s0] =	ssyncadd.remote.s32 $0x1  }
0xbe: {  	_ =	sfence.sel $0xFFFF  }
0xbf: {  	[dreg:$0x0] =	wrdreg $0xFFFFFFFF;
	(pc) =	sbr.abs _section_cstart, $3  }
0xc0: {  	[dreg:$0x1] =	wrdreg $0xFFFFFFFF  }
0xc1: {  	_ =	task.clear_ibuf [dreg:s7], $0x2FFFF;
	_ =	strace $0x9FFFFFFF  }
0xc2: {  	(tm) =	ssettm $0x7FFFFFFF  }
0xc3: {  	_ =	shalt  }
tec
execute0_lowered:
.L_overlay_start_1:
0x0: {  	(tag) =	ssettag $0x1  }
0x1: {  	s2 =	rddreg [dreg:$0x0]  }
0x2: {  	s0 =	srdreg.scid;
	s3 =	stileid.u32;
	v0 =	vimm.s32 $0xFEDCBA98  }
0x3: {  	s1 =	rddreg [dreg:$0x1];
	v1 =	vimm.s32 $0x76543210;
	v2 =	vimm.s32 $0x3210FEDC;
	s23 =	simm.s32 $0x40;
	s26 =	simm.s32 $0x200  }
0x4: {  	v3 =	vimm.s32 $0xBA987654;
	v4 =	vimm.s32 $0x10FEDCBA;
	s28 =	simm.s32 $0x1;
	s29 =	simm.s32 $0x4;
	s11 =	simm.s32 $0x12400  }
0x5: {  	v5 =	vimm.s32 $0x98765432;
	s12 =	simm.s32 $0x2C0;
	s13 =	simm.s32 $0x14400;
	s14 =	simm.s32 $0x300  }
0x6: {  	v6 =	vimm.s32 $0xFEDCBA9;
	s15 =	simm.s32 $0x16400;
	s16 =	simm.s32 $0x340;
	s17 =	simm.s32 $0x18400  }
0x7: {  	v7 =	vimm.s32 $0x87654321;
	s20 =	simm.s32 $0x380;
	s21 =	simm.s32 $0x1A400;
	s22 =	simm.s32 $0x1C400  }
0x8: {  	s24 =	simm.s32 $0x2;
	s0 =	sand.u32 $0x1, s0;
	s4 =	sshll.u32 s3, $0x1;
	v0 =	vunpack.c.l.s4.s8 v0;
	v1 =	vunpack.c.l.s4.s8 v1;
	v2 =	vunpack.c.l.s4.s8 v2  }
0x9: {  	s25 =	simm.s32 $0x1C580;
	s3 =	simm.s32 $0x0;
	v3 =	vunpack.c.l.s4.s8 v3;
	v4 =	vunpack.c.l.s4.s8 v4;
	v5 =	vunpack.c.l.s4.s8 v5;
	s6 =	sor.u32 s0, s4  }
0xa: {  	s5 =	sadd.s32 $0x6C400, s1;
	v6 =	vunpack.c.l.s4.s8 v6;
	v7 =	vunpack.c.l.s4.s8 v7;
	s0 =	ssub.s32 $0x2, s0;
	s8 =	smul.u32 $0x1B040, s6;
	v0 =	vunpack.c.0.s8.s32 v0  }
0xb: {  	[smem:$0x7FF] =	sst s3;
	s4 =	sadd.s32 $0x200, s1;
	s30 =	sshrl.u32 s0, $0x1;
	v2 =	vunpack.c.0.s8.s32 v2;
	v3 =	vunpack.c.0.s8.s32 v3;
	v4 =	vunpack.c.0.s8.s32 v4  }
0xc: {  	_ =	strace $0x80000047;
	v5 =	vunpack.c.0.s8.s32 v5;
	v6 =	vunpack.c.0.s8.s32 v6;
	v7 =	vunpack.c.0.s8.s32 v7;
	s0 =	ssub.s32 s0, s30;
	s7 =	sshrl.u32 s8, $0x3  }
0xd: {  	v1 =	vunpack.c.0.s8.s32 v1;
	s10 =	sadd.s32 $0x540, s8;
	s0 =	smax.u32 s0, $0x1;
	v2 =	vcombine.low v3, v2;
	s9 =	sadd.s32 s4, s7  }
0xe: {  	v3 =	vcombine.low v5, v4;
	v4 =	vcombine.low v7, v6;
	v0 =	vand.u32 $0xF, v0;
	s7 =	smul.u32 $0x17100, s6;
	[dreg:$0x5] =	wrdreg s0;
	s0 =	simm.s32 $0x280  }
0xf: {  	v0 =	vcombine.low v0, v1;
	s6 =	simm.s32 $0x0;
	[dreg:$0x3] =	wrdreg s9;
	s31 =	sadd.s32 $0x38, s9  }
0x10: {  	s9 =	sadd.s32 $0x380, s8;
	v1 =	vand.u32 $0xF, v2;
	v2 =	vand.u32 $0xF, v3;
	v3 =	vand.u32 $0xF, v4;
	s8 =	simm.s32 $0x5;
	[dreg:$0x4] =	wrdreg s31  }
.LBB2_1:
0x11: {  	[dreg:$0x6] =	wrdreg s6  }
0x12: {  	s1 =	rddreg [dreg:$0x3];
	s6 =	simm.s32 $0x3  }
0x13: {  	[tilespmem:s3], [sflag:$0x3] =	stream.linear.gather [hbm4b:s1+s3], $0x1C0, $0x38;
	[tilespmem:$0x1C700] =	vst v63  }
0x14: {  	_ =	swait.ge [sflag:s6], $0x1C0  }
0x15: {  	[sflag:s6] =	ssyncset.done $0x0  }
0x16: {  	s18 =	simm.s32 $0x400;
	[sflag:s6] =	ssyncadd.s32 $0xFFFFFE40  }
0x17: {  	[tilespmem:s18], [sflag:$0x1] =	stream.indirect.gather [hbm4b:s2+s23], $0x80, s3, s23, $0xb8;
	[tilespmem:$0x1C700] =	vst v63  }
0x18: {  	s19 =	simm.s32 $0x2400  }
0x19: {  	[tilespmem:s19], [sflag:$0x1] =	stream.indirect.gather [hbm4b:s2+s23], $0x80, s23, s23, $0xb8;
	[tilespmem:$0x1C700] =	vst v63  }
0x1a: {  	s30 =	simm.s32 $0x4400;
	s31 =	simm.s32 $0x80  }
0x1b: {  	[tilespmem:s30], [sflag:$0x1] =	stream.indirect.gather [hbm4b:s2+s23], $0x80, s31, s23, $0xb8;
	[tilespmem:$0x1C700] =	vst v63  }
0x1c: {  	s18 =	simm.s32 $0xC0;
	s19 =	simm.s32 $0x6400  }
0x1d: {  	[tilespmem:s19], [sflag:$0x1] =	stream.indirect.gather [hbm4b:s2+s23], $0x80, s18, s23, $0xb8;
	[tilespmem:$0x1C700] =	vst v63  }
0x1e: {  	s30 =	simm.s32 $0x8400;
	s31 =	simm.s32 $0x100  }
0x1f: {  	[tilespmem:s30], [sflag:$0x1] =	stream.indirect.gather [hbm4b:s2+s23], $0x80, s31, s23, $0xb8;
	[tilespmem:$0x1C700] =	vst v63  }
0x20: {  	s6 =	simm.s32 $0x140;
	s18 =	simm.s32 $0xA400  }
0x21: {  	[tilespmem:s18], [sflag:$0x1] =	stream.indirect.gather [hbm4b:s2+s23], $0x80, s6, s23, $0xb8;
	[tilespmem:$0x1C700] =	vst v63  }
0x22: {  	s19 =	simm.s32 $0x180;
	s30 =	simm.s32 $0xC400  }
0x23: {  	[tilespmem:s30], [sflag:$0x1] =	stream.indirect.gather [hbm4b:s2+s23], $0x80, s19, s23, $0xb8;
	[tilespmem:$0x1C700] =	vst v63  }
0x24: {  	s31 =	rddreg [dreg:$0x4];
	s6 =	simm.s32 $0x0  }
0x25: {  	[tilespmem:s26], [sflag:$0x4] =	stream.linear.gather [hbm4b:s31+s3], $0x1C0, $0x38;
	[tilespmem:$0x1C700] =	vst v63  }
.LBB2_2:
0x26: {  	_ =	swait.ge [sflag:s28], $0xE000  }
0x27: {  	[sflag:s28] =	ssyncset.done $0x0  }
0x28: {  	[sflag:s28] =	ssyncadd.s32 $0xFFFF2000  }
0x29: {  	_ =	swait.ge [sflag:s29], $0x1C0  }
0x2a: {  	[sflag:s29] =	ssyncset.done $0x0  }
0x2b: {  	s1 =	simm.s32 $0xE400;
	[sflag:s29] =	ssyncadd.s32 $0xFFFFFE40  }
0x2c: {  	[tilespmem:s1], [sflag:$0x2] =	stream.indirect.gather [hbm4b:s2+s23], $0x80, s26, s23, $0xb8;
	[tilespmem:$0x1C700] =	vst v63  }
0x2d: {  	s31 =	simm.s32 $0x240;
	s18 =	simm.s32 $0x10400  }
0x2e: {  	[tilespmem:s18], [sflag:$0x2] =	stream.indirect.gather [hbm4b:s2+s23], $0x80, s31, s23, $0xb8;
	[tilespmem:$0x1C700] =	vst v63  }
0x2f: {  	_ = 	snop  }
0x30: {  	[tilespmem:s11], [sflag:$0x2] =	stream.indirect.gather [hbm4b:s2+s23], $0x80, s0, s23, $0xb8;
	[tilespmem:$0x1C700] =	vst v63  }
0x31: {  	p0 =	seq.s32 s6, $0x7A  }
0x32: {  	[tilespmem:s13], [sflag:$0x2] =	stream.indirect.gather [hbm4b:s2+s23], $0x80, s12, s23, $0xb8;
	[tilespmem:$0x1C700] =	vst v63  }
0x33: {  	p1 =	seq.s32 @!p0 s6, $0x0  }
0x34: {  	[tilespmem:s15], [sflag:$0x2] =	stream.indirect.gather [hbm4b:s2+s23], $0x80, s14, s23, $0xb8;
	[tilespmem:$0x1C700] =	vst v63  }
0x35: {  	s19 =	smul.u32 @!p0 $0x380, s6;
	p1 =	por p0, !p1  }
0x36: {  	[tilespmem:s17], [sflag:$0x2] =	stream.indirect.gather [hbm4b:s2+s23], $0x80, s16, s23, $0xb8;
	[tilespmem:$0x1C700] =	vst v63  }
.Ltmp0:
0x37: {  	s18 =	sadd.s32 @!p0 s19, s9;
	(pc) =	sbr.rel @!p1 .LBB2_3-.Ltmp0, $4  }
0x38: {  	s18 =	sshrl.u32 @!p0 s18, $0x3  }
0x39: {  	[tilespmem:s21], [sflag:$0x2] =	stream.indirect.gather [hbm4b:s2+s23], $0x80, s20, s23, $0xb8;
	[tilespmem:$0x1C700] =	vst v63  }
0x3a: {  	s30 =	simm.s32 @!p0 $0x0;
	s18 =	sadd.s32 @!p0 s4, s18  }
0x3b: {  	[tilespmem:s30], [sflag:$0x3] =	stream.linear.gather @!p0 [hbm4b:s18+s30], $0x1C0, $0x38;
	[tilespmem:$0x1C700] =	vst v63  }
.Ltmp1:
0x3c: {  	(pc) =	sbr.rel .LBB2_5-.Ltmp1, $4  }
0x3d: {  	_ = 	snop  }
0x3e: {  	_ =	swait.ge [sflag:s8], $0x180  }
0x3f: {  	[sflag:s8] =	ssyncset.done $0x0  }
0x40: {  	p1 =	por $0x0, $0x0;
	[sflag:s8] =	ssyncadd.s32 $0xFFFFFE80  }
.LBB2_3:
0x41: {  	p1 =	por @!p0 $0x1, $0x1  }
.LBB2_5:
0x42: {  	s18 =	sshll.u32 s6, $0x1;
	s30 =	simm.s32 $0x0;
	s31 =	simm.s32 $0x6480  }
.LBB2_6:
0x43: {  	v6 =	vld [tilespmem:s31+$0xFFFF9F80]  }
0x44: {  	v7 =	vld [tilespmem:s31+$0xFFFF9F90]  }
0x45: {  	v8 =	vld [tilespmem:s31+$0xFFFF9FA0]  }
0x46: {  	v9 =	vld [tilespmem:s31+$0xFFFF9FB0]  }
0x47: {  	v10 =	vld [tilespmem:s31+$0xFFFF9FC0]  }
0x48: {  	v11 =	vld [tilespmem:s31+$0xFFFF9FD0]  }
0x49: {  	v5 =	vld [tilespmem:s31+$0xFFFF9FE0]  }
0x4a: {  	v4 =	vld [tilespmem:s31+$0xFFFF9FF0]  }
0x4b: {  	v12 =	vld [tilespmem:s31+$0xFFFFBF80]  }
0x4c: {  	v13 =	vld [tilespmem:s31+$0xFFFFDF80]  }
0x4d: {  	v14 =	vld [tilespmem:s31+$0xFFFFFF80]  }
0x4e: {  	v15 =	vld [tilespmem:s31+$0x1F80]  }
0x4f: {  	v16 =	vld [tilespmem:s31+$0x3F80]  }
0x50: {  	v17 =	vld [tilespmem:s31+$0x5F80]  }
0x51: {  	v18 =	vld [tilespmem:s31+$0xFFFFBF90]  }
0x52: {  	v19 =	vld [tilespmem:s31+$0xFFFFDF90]  }
0x53: {  	v20 =	vld [tilespmem:s31+$0xFFFFFF90]  }
0x54: {  	v21 =	vld [tilespmem:s31+$0x1F90]  }
0x55: {  	v22 =	vld [tilespmem:s31+$0x3F90]  }
0x56: {  	v23 =	vld [tilespmem:s31+$0x5F90]  }
0x57: {  	v24 =	vld [tilespmem:s31+$0xFFFFBFA0]  }
0x58: {  	v25 =	vld [tilespmem:s31+$0xFFFFDFA0]  }
0x59: {  	v26 =	vld [tilespmem:s31+$0xFFFFFFA0]  }
0x5a: {  	v27 =	vld [tilespmem:s31+$0x1FA0]  }
0x5b: {  	v28 =	vld [tilespmem:s31+$0x3FA0]  }
0x5c: {  	v29 =	vld [tilespmem:s31+$0x5FA0]  }
0x5d: {  	v30 =	vld [tilespmem:s31+$0xFFFFBFB0]  }
0x5e: {  	v31 =	vld [tilespmem:s31+$0xFFFFDFB0]  }
0x5f: {  	v32 =	vld [tilespmem:s31+$0xFFFFFFB0];
	v12 =	vmul.f32 v12, v6;
	v13 =	vmul.f32 v13, v6  }
0x60: {  	v33 =	vld [tilespmem:s31+$0x1FB0];
	v14 =	vmul.f32 v14, v6;
	v15 =	vmul.f32 v15, v6  }
0x61: {  	v34 =	vld [tilespmem:s31+$0x3FB0];
	v18 =	vmul.f32 v18, v7;
	v16 =	vmul.f32 v16, v6  }
0x62: {  	v48 =	vld [tilespmem:s31+$0x5FB0];
	v19 =	vmul.f32 v19, v7;
	v6 =	vmul.f32 v17, v6  }
0x63: {  	v51 =	vld [tilespmem:s31+$0xFFFFBFC0];
	v47 =	vmul.f32 v20, v7;
	v49 =	vmul.f32 v21, v7  }
0x64: {  	v53 =	vld [tilespmem:s31+$0xFFFFDFC0];
	v50 =	vmul.f32 v22, v7;
	v7 =	vmul.f32 v23, v7  }
0x65: {  	v55 =	vld [tilespmem:s31+$0xFFFFFFC0];
	v52 =	vmul.f32 v24, v8;
	v54 =	vmul.f32 v25, v8  }
0x66: {  	v58 =	vld [tilespmem:s31+$0x1FC0];
	v57 =	vmul.f32 v26, v8;
	v59 =	vmul.f32 v27, v8  }
0x67: {  	v61 =	vld [tilespmem:s31+$0x3FC0];
	v60 =	vmul.f32 v28, v8;
	v8 =	vmul.f32 v29, v8  }
0x68: {  	v63 =	vld [tilespmem:s31+$0x5FC0];
	v62 =	vmul.f32 v30, v9;
	v29 =	vmul.f32 v31, v9  }
0x69: {  	v36 =	vld [tilespmem:s31+$0xFFFFFFD0];
	v31 =	vmul.f32 v32, v9;
	v33 =	vmul.f32 v33, v9  }
0x6a: {  	v44 =	vld [tilespmem:s31+$0xFFFFDFF0];
	v35 =	vmul.f32 v34, v9;
	v9 =	vmul.f32 v48, v9  }
0x6b: {  	v46 =	vld [tilespmem:s31+$0x1FD0];
	v37 =	vmul.f32 v51, v10;
	v39 =	vmul.f32 v53, v10  }
0x6c: {  	v38 =	vld [tilespmem:s31+$0xFFFFBFE0];
	v41 =	vmul.f32 v55, v10;
	v17 =	vmul.f32 v58, v10  }
0x6d: {  	v40 =	vld [tilespmem:s31+$0xFFFFDFE0];
	v45 =	vmul.f32 v61, v10;
	v10 =	vmul.f32 v63, v10  }
0x6e: {  	v30 =	vld [tilespmem:s31+$0xFFFFBFD0];
	v51 =	vmul.f32 v36, v11;
	v12 =	vadd.f32 v18, v12;
	v13 =	vadd.f32 v19, v13  }
0x6f: {  	v32 =	vld [tilespmem:s31+$0xFFFFDFD0];
	v20 =	vmul.f32 v44, v4;
	v14 =	vadd.f32 v47, v14;
	v15 =	vadd.f32 v49, v15  }
0x70: {  	v53 =	vmul.f32 v46, v11;
	v61 =	vld [tilespmem:s31+$0x3FF0];
	v16 =	vadd.f32 v50, v16;
	v6 =	vadd.f32 v7, v6  }
0x71: {  	v42 =	vld [tilespmem:s31+$0xFFFFBFF0];
	v18 =	vmul.f32 v38, v5;
	v56 =	vadd.f32 v52, v12;
	v13 =	vadd.f32 v54, v13  }
0x72: {  	v55 =	vld [tilespmem:s31+$0x3FE0];
	v49 =	vmul.f32 v40, v5;
	v12 =	vadd.f32 v57, v14;
	v15 =	vadd.f32 v59, v15  }
0x73: {  	v50 =	vld [tilespmem:s31+$0xFFFFFFE0];
	v16 =	vadd.f32 v60, v16;
	v6 =	vadd.f32 v8, v6;
	v43 =	vmul.f32 v30, v11  }
0x74: {  	v48 =	vld [tilespmem:s31+$0x5FD0];
	v14 =	vmul.f32 v32, v11;
	v7 =	vadd.f32 v62, v56;
	v13 =	vadd.f32 v29, v13  }
0x75: {  	v47 =	vld [tilespmem:s31+$0x3FD0];
	v25 =	vmul.f32 v61, v4;
	v8 =	vadd.f32 v31, v12;
	v15 =	vadd.f32 v33, v15  }
0x76: {  	s1 =	sadd.s32 $0x40, s30;
	v52 =	vld [tilespmem:s31+$0x1FE0];
	v30 =	vmov s30;
	v16 =	vadd.f32 v35, v16;
	v6 =	vadd.f32 v9, v6  }
0x77: {  	v59 =	vld [tilespmem:s31+$0x1FF0];
	v12 =	vmul.f32 v42, v4;
	v62 =	vmul.f32 v55, v5;
	v35 =	vmov s1  }
0x78: {  	s1 =	sadd.s32 $0x80, s30;
	v58 =	vmul.f32 v50, v5;
	v7 =	vadd.f32 v37, v7;
	v13 =	vadd.f32 v39, v13  }
0x79: {  	v40 =	vmov s1;
	v8 =	vadd.f32 v41, v8;
	v15 =	vadd.f32 v17, v15  }
0x7a: {  	v56 =	vld [tilespmem:s31+$0x5FE0];
	s1 =	sadd.s32 $0xC0, s30;
	v9 =	vadd.f32 v45, v16;
	v6 =	vadd.f32 v10, v6;
	v17 =	vmul.f32 v47, v11  }
0x7b: {  	v11 =	vmul.f32 v48, v11;
	v44 =	vmov s1;
	v60 =	vmul.f32 v52, v5  }
0x7c: {  	v22 =	vmul.f32 v59, v4;
	v7 =	vadd.f32 v43, v7;
	v13 =	vadd.f32 v14, v13  }
0x7d: {  	v63 =	vld [tilespmem:s31+$0x5FF0];
	s1 =	sadd.s32 $0x100, s30;
	v45 =	vand.u32 $0xFFFFFFFE, v44;
	v8 =	vadd.f32 v51, v8;
	v10 =	vadd.f32 v53, v15  }
0x7e: {  	v54 =	vld [tilespmem:s31+$0xFFFFFFF0];
	v47 =	vmov s1;
	v9 =	vadd.f32 v17, v9;
	v6 =	vadd.f32 v11, v6  }
0x7f: {  	v16 =	vand.u32 $0xFFFFFFFE, v47;
	v5 =	vmul.f32 v56, v5;
	v7 =	vadd.f32 v18, v7  }
0x80: {  	s1 =	sadd.s32 $0x140, s30;
	v50 =	vbroadcast v16, $0x0;
	v13 =	vadd.f32 v49, v13;
	v8 =	vadd.f32 v58, v8  }
0x81: {  	v10 =	vadd.f32 v60, v10;
	v9 =	vadd.f32 v62, v9;
	v49 =	vmov s1  }
0x82: {  	v5 =	vadd.f32 v5, v6;
	v51 =	vand.u32 $0xFFFFFFFE, v49;
	v7 =	vadd.f32 v12, v7  }
0x83: {  	v13 =	vadd.f32 v20, v13;
	v12 =	vmul.f32 v54, v4;
	v4 =	vmul.f32 v63, v4  }
0x84: {  	v10 =	vadd.f32 v22, v10;
	v9 =	vadd.f32 v25, v9;
	v57 =	vperm.xlane v7, v0  }
0x85: {  	v20 =	vperm.xlane v13, v0;
	v8 =	vadd.f32 v12, v8;
	v4 =	vadd.f32 v4, v5  }
0x86: {  	v31 =	vperm.xlane v10, v0;
	v12 =	vand.u32 $0xFFFFFFFE, v30;
	v34 =	vperm.xlane v9, v0  }
0x87: {  	v32 =	vbroadcast v12, $0x0;
	v7 =	vadd.f32 v57, v7;
	v13 =	vadd.f32 v20, v13  }
0x88: {  	v24 =	vperm.xlane v8, v0;
	v10 =	vadd.f32 v31, v10;
	v37 =	vperm.xlane v4, v0  }
0x89: {  	v9 =	vadd.f32 v34, v9;
	v20 =	vperm.xlane v7, v1;
	v21 =	vperm.xlane v13, v1  }
0x8a: {  	v8 =	vadd.f32 v24, v8;
	v36 =	vperm.xlane v10, v1;
	v4 =	vadd.f32 v37, v4  }
0x8b: {  	v41 =	vperm.xlane v9, v1;
	v7 =	vadd.f32 v20, v7;
	v23 =	vadd.f32 v21, v13  }
0x8c: {  	v28 =	vperm.xlane v8, v1;
	v13 =	vand.u32 $0xFFFFFFFE, v35;
	v10 =	vadd.f32 v36, v10  }
0x8d: {  	v43 =	vperm.xlane v4, v1;
	v9 =	vadd.f32 v41, v9;
	v27 =	vperm.xlane v23, v2  }
0x8e: {  	v38 =	vbroadcast v13, $0x0;
	v26 =	vperm.xlane v7, v2;
	v6 =	vadd.f32 v28, v8  }
0x8f: {  	v13 =	vand.u32 $0xFFFFFFFE, v40;
	v42 =	vperm.xlane v10, v2;
	v5 =	vadd.f32 v27, v23  }
0x90: {  	v13 =	vbroadcast v13, $0x0;
	v7 =	vadd.f32 v26, v7;
	v33 =	vperm.xlane v6, v2  }
0x91: {  	v4 =	vadd.f32 v43, v4;
	v46 =	vperm.xlane v9, v2;
	v14 =	vperm.xlane v5, v3  }
0x92: {  	v10 =	vadd.f32 v42, v10;
	v29 =	vperm.xlane v7, v3;
	v6 =	vadd.f32 v33, v6  }
0x93: {  	v48 =	vperm.xlane v4, v2;
	v5 =	vadd.f32 v14, v5;
	v14 =	vbroadcast v45, $0x0  }
0x94: {  	v9 =	vadd.f32 v46, v9;
	v7 =	vadd.f32 v29, v7;
	v39 =	vperm.xlane v6, v3  }
0x95: {  	v16 =	vbroadcast v51, $0x0;
	v52 =	vperm.xlane v10, v3;
	v4 =	vadd.f32 v48, v4  }
0x96: {  	v53 =	vperm.xlane v9, v3;
	[tilespmem:v32+s22+$0x0] =	vst.idx.msk $0x1, v7;
	v6 =	vadd.f32 v39, v6  }
0x97: {  	v54 =	vperm.xlane v4, v3;
	[tilespmem:v38+s22+$0x0] =	vst.idx.msk $0x1, v5;
	v5 =	vadd.f32 v52, v10  }
0x98: {  	v55 =	vadd.f32 v53, v9;
	[tilespmem:v13+s22+$0x0] =	vst.idx.msk $0x1, v6  }
0x99: {  	v4 =	vadd.f32 v54, v4;
	[tilespmem:v14+s22+$0x0] =	vst.idx.msk $0x1, v5  }
0x9a: {  	[tilespmem:v50+s22+$0x0] =	vst.idx.msk $0x1, v55  }
0x9b: {  	[tilespmem:v16+s22+$0x0] =	vst.idx.msk $0x1, v4  }
0x9c: {  	v6 =	vld [tilespmem:s31+$0xFFFFA000]  }
0x9d: {  	v56 =	vld [tilespmem:s31+$0xFFFFA010]  }
0x9e: {  	v8 =	vld [tilespmem:s31+$0xFFFFA020]  }
0x9f: {  	v9 =	vld [tilespmem:s31+$0xFFFFA030]  }
0xa0: {  	v10 =	vld [tilespmem:s31+$0xFFFFA040]  }
0xa1: {  	v11 =	vld [tilespmem:s31+$0xFFFFA050]  }
0xa2: {  	v5 =	vld [tilespmem:s31+$0xFFFFA060]  }
0xa3: {  	v4 =	vld [tilespmem:s31+$0xFFFFA070]  }
0xa4: {  	v57 =	vld [tilespmem:s31+$0xFFFFC000]  }
0xa5: {  	v13 =	vld [tilespmem:s31+$0xFFFFE000]  }
0xa6: {  	v14 =	vld [tilespmem:s31+$0x0]  }
0xa7: {  	v15 =	vld [tilespmem:s31+$0x2000]  }
0xa8: {  	v16 =	vld [tilespmem:s31+$0x4000]  }
0xa9: {  	v58 =	vld [tilespmem:s31+$0x6000]  }
0xaa: {  	v59 =	vld [tilespmem:s31+$0xFFFFC010]  }
0xab: {  	v60 =	vld [tilespmem:s31+$0xFFFFE010]  }
0xac: {  	v61 =	vld [tilespmem:s31+$0x10]  }
0xad: {  	v62 =	vld [tilespmem:s31+$0x2010]  }
0xae: {  	v63 =	vld [tilespmem:s31+$0x4010]  }
0xaf: {  	v36 =	vld [tilespmem:s31+$0x6010]  }
0xb0: {  	v37 =	vld [tilespmem:s31+$0xFFFFC020]  }
0xb1: {  	v38 =	vld [tilespmem:s31+$0xFFFFE020]  }
0xb2: {  	v39 =	vld [tilespmem:s31+$0x20]  }
0xb3: {  	v40 =	vld [tilespmem:s31+$0x2020]  }
0xb4: {  	v41 =	vld [tilespmem:s31+$0x4020]  }
0xb5: {  	v42 =	vld [tilespmem:s31+$0x6020]  }
0xb6: {  	v43 =	vld [tilespmem:s31+$0xFFFFC030]  }
0xb7: {  	v44 =	vld [tilespmem:s31+$0xFFFFE030]  }
0xb8: {  	v45 =	vld [tilespmem:s31+$0x30]  }
0xb9: {  	v46 =	vld [tilespmem:s31+$0x2030];
	v12 =	vmul.f32 v57, v6  }
0xba: {  	v47 =	vld [tilespmem:s31+$0x4030];
	v13 =	vmul.f32 v13, v6;
	v14 =	vmul.f32 v14, v6  }
0xbb: {  	v49 =	vld [tilespmem:s31+$0x6030];
	v15 =	vmul.f32 v15, v6;
	v16 =	vmul.f32 v16, v6  }
0xbc: {  	v52 =	vld [tilespmem:s31+$0xFFFFC040];
	v18 =	vmul.f32 v59, v56;
	v6 =	vmul.f32 v58, v6  }
0xbd: {  	v54 =	vld [tilespmem:s31+$0xFFFFE040];
	v48 =	vmul.f32 v60, v56;
	v50 =	vmul.f32 v61, v56  }
0xbe: {  	v35 =	vld [tilespmem:s31+$0xFFFFC050];
	v51 =	vmul.f32 v62, v56;
	v53 =	vmul.f32 v63, v56  }
0xbf: {  	v25 =	vld [tilespmem:s31+$0x70];
	v7 =	vmul.f32 v36, v56;
	v55 =	vmul.f32 v37, v8  }
0xc0: {  	v27 =	vld [tilespmem:s31+$0x2070];
	v57 =	vmul.f32 v38, v8;
	v59 =	vmul.f32 v39, v8  }
0xc1: {  	v56 =	vld [tilespmem:s31+$0x40];
	v60 =	vmul.f32 v40, v8;
	v62 =	vmul.f32 v41, v8  }
0xc2: {  	v58 =	vld [tilespmem:s31+$0x2040];
	v8 =	vmul.f32 v42, v8;
	v30 =	vmul.f32 v43, v9  }
0xc3: {  	v61 =	vld [tilespmem:s31+$0x4040];
	v36 =	vmul.f32 v44, v9;
	v38 =	vmul.f32 v45, v9  }
0xc4: {  	v63 =	vld [tilespmem:s31+$0x6040];
	v39 =	vmul.f32 v46, v9;
	v41 =	vmul.f32 v47, v9  }
0xc5: {  	v37 =	vld [tilespmem:s31+$0xFFFFE050];
	v9 =	vmul.f32 v49, v9;
	v43 =	vmul.f32 v52, v10;
	v12 =	vadd.f32 v18, v12  }
0xc6: {  	v40 =	vld [tilespmem:s31+$0x50];
	v45 =	vmul.f32 v54, v10;
	v13 =	vadd.f32 v48, v13;
	v14 =	vadd.f32 v50, v14  }
0xc7: {  	v44 =	vld [tilespmem:s31+$0xFFFFC060];
	v33 =	vmul.f32 v25, v4;
	v15 =	vadd.f32 v51, v15;
	v16 =	vadd.f32 v53, v16  }
0xc8: {  	v42 =	vld [tilespmem:s31+$0x2050];
	v6 =	vadd.f32 v7, v6;
	v50 =	vmul.f32 v35, v11;
	v12 =	vadd.f32 v55, v12  }
0xc9: {  	v46 =	vld [tilespmem:s31+$0x4050];
	v35 =	vmul.f32 v27, v4;
	v7 =	vadd.f32 v57, v13;
	v14 =	vadd.f32 v59, v14  }
0xca: {  	v52 =	vld [tilespmem:s31+$0x6050];
	v15 =	vadd.f32 v60, v15;
	v47 =	vmul.f32 v56, v10;
	v17 =	vmul.f32 v58, v10  }
0xcb: {  	v48 =	vld [tilespmem:s31+$0xFFFFC070];
	v13 =	vadd.f32 v62, v16;
	v49 =	vmul.f32 v61, v10;
	v10 =	vmul.f32 v63, v10  }
0xcc: {  	v51 =	vld [tilespmem:s31+$0xFFFFE060];
	v6 =	vadd.f32 v8, v6;
	v54 =	vmul.f32 v44, v5;
	v56 =	vmul.f32 v37, v11  }
0xcd: {  	v55 =	vld [tilespmem:s31+$0xFFFFE070];
	v57 =	vmul.f32 v40, v11;
	v12 =	vadd.f32 v30, v12;
	v7 =	vadd.f32 v36, v7  }
0xce: {  	v59 =	vld [tilespmem:s31+$0x2060];
	v19 =	vmul.f32 v42, v11;
	v14 =	vadd.f32 v38, v14;
	v15 =	vadd.f32 v39, v15  }
0xcf: {  	v62 =	vld [tilespmem:s31+$0x4060];
	v8 =	vadd.f32 v41, v13;
	v6 =	vadd.f32 v9, v6;
	v13 =	vmul.f32 v46, v11  }
0xd0: {  	v11 =	vmul.f32 v52, v11;
	v12 =	vadd.f32 v43, v12;
	v7 =	vadd.f32 v45, v7  }
0xd1: {  	v58 =	vld [tilespmem:s31+$0x60];
	v20 =	vmul.f32 v48, v4;
	v14 =	vadd.f32 v47, v14;
	v15 =	vadd.f32 v17, v15  }
0xd2: {  	s1 =	sadd.s32 $0x1, s30;
	v63 =	vld [tilespmem:s31+$0x6060];
	v61 =	vmul.f32 v51, v5;
	v8 =	vadd.f32 v49, v8;
	v6 =	vadd.f32 v10, v6  }
0xd3: {  	v29 =	vld [tilespmem:s31+$0x4070];
	v49 =	vmov s1;
	v24 =	vmul.f32 v55, v4;
	v53 =	vadd.f32 v50, v12  }
0xd4: {  	s1 =	sadd.s32 $0x41, s30;
	v28 =	vmul.f32 v59, v5;
	v30 =	vmul.f32 v62, v5;
	v7 =	vadd.f32 v56, v7  }
0xd5: {  	v31 =	vld [tilespmem:s31+$0x6070];
	v51 =	vmov s1;
	v60 =	vadd.f32 v57, v14;
	v9 =	vadd.f32 v54, v53  }
0xd6: {  	v15 =	vadd.f32 v19, v15;
	v8 =	vadd.f32 v13, v8;
	v26 =	vmul.f32 v58, v5  }
0xd7: {  	v6 =	vadd.f32 v11, v6;
	v5 =	vmul.f32 v63, v5;
	v9 =	vadd.f32 v20, v9  }
0xd8: {  	v12 =	vmul.f32 v29, v4;
	v7 =	vadd.f32 v61, v7;
	v10 =	vadd.f32 v26, v60  }
0xd9: {  	v11 =	vadd.f32 v28, v15;
	v8 =	vadd.f32 v30, v8;
	v20 =	vperm.xlane v9, v0  }
0xda: {  	s1 =	sadd.s32 $0x81, s30;
	v4 =	vmul.f32 v31, v4;
	v5 =	vadd.f32 v5, v6;
	v7 =	vadd.f32 v24, v7  }
0xdb: {  	v53 =	vmov s1;
	s1 =	sadd.s32 $0xC1, s30;
	v10 =	vadd.f32 v33, v10;
	v9 =	vadd.f32 v20, v9  }
0xdc: {  	v56 =	vmov s1;
	v6 =	vadd.f32 v35, v11;
	v32 =	vperm.xlane v7, v0  }
0xdd: {  	v8 =	vadd.f32 v12, v8;
	v13 =	vperm.xlane v10, v0;
	v34 =	vperm.xlane v9, v1  }
0xde: {  	v4 =	vadd.f32 v4, v5;
	v38 =	vperm.xlane v6, v0;
	v7 =	vadd.f32 v32, v7  }
0xdf: {  	v39 =	vperm.xlane v8, v0;
	v10 =	vadd.f32 v13, v10;
	v9 =	vadd.f32 v34, v9  }
0xe0: {  	v41 =	vperm.xlane v4, v0;
	v6 =	vadd.f32 v38, v6;
	v36 =	vperm.xlane v7, v1  }
0xe1: {  	v8 =	vadd.f32 v39, v8;
	v43 =	vperm.xlane v10, v1;
	v37 =	vperm.xlane v9, v2  }
0xe2: {  	v4 =	vadd.f32 v41, v4;
	v44 =	vperm.xlane v6, v1;
	v5 =	vadd.f32 v36, v7  }
0xe3: {  	v47 =	vperm.xlane v8, v1;
	v46 =	vadd.f32 v43, v10;
	v9 =	vadd.f32 v37, v9  }
0xe4: {  	v48 =	vperm.xlane v4, v1;
	v6 =	vadd.f32 v44, v6;
	v40 =	vperm.xlane v5, v2  }
0xe5: {  	v8 =	vadd.f32 v47, v8;
	v14 =	vperm.xlane v46, v2;
	v42 =	vperm.xlane v9, v3  }
0xe6: {  	v4 =	vadd.f32 v48, v4;
	v50 =	vperm.xlane v6, v2;
	v5 =	vadd.f32 v40, v5  }
0xe7: {  	v52 =	vperm.xlane v8, v2;
	v45 =	vadd.f32 v42, v9;
	v9 =	vadd.f32 v14, v46  }
0xe8: {  	s1 =	sadd.s32 $0x101, s30;
	v54 =	vperm.xlane v4, v2;
	v6 =	vadd.f32 v50, v6;
	v12 =	vperm.xlane v5, v3  }
0xe9: {  	v58 =	vmov s1;
	v8 =	vadd.f32 v52, v8;
	v55 =	vperm.xlane v9, v3  }
0xea: {  	s1 =	sadd.s32 $0x141, s30;
	v4 =	vadd.f32 v54, v4;
	v57 =	vperm.xlane v6, v3;
	v5 =	vadd.f32 v12, v5  }
0xeb: {  	p2 =	slt.u32 s30, $0x3E;
	v61 =	vmov s1;
	v60 =	vperm.xlane v8, v3;
	[tilespmem:v49+s22+$0x0] =	vst.idx.msk $0x1, v45;
	v59 =	vadd.f32 v55, v9  }
.Ltmp2:
0xec: {  	v62 =	vperm.xlane v4, v3;
	[tilespmem:v51+s22+$0x0] =	vst.idx.msk $0x1, v5;
	v5 =	vadd.f32 v57, v6;
	(pc) =	sbr.rel @p2 .LBB2_6-.Ltmp2, $4  }
0xed: {  	v63 =	vadd.f32 v60, v8;
	[tilespmem:v53+s22+$0x0] =	vst.idx.msk $0x1, v59  }
0xee: {  	v4 =	vadd.f32 v62, v4;
	[tilespmem:v56+s22+$0x0] =	vst.idx.msk $0x1, v5  }
0xef: {  	[tilespmem:v58+s22+$0x0] =	vst.idx.msk $0x1, v63  }
0xf0: {  	s31 =	sadd.s32 $0x100, s31;
	s30 =	sadd.s32 $0x2, s30;
	[tilespmem:v61+s22+$0x0] =	vst.idx.msk $0x1, v4  }
0xf1: {  	s1 =	smul.u32 $0x300, s6;
	_ =	sdelay $0x1  }
0xf2: {  	s1 =	sadd.s32 s7, s1  }
0xf3: {  	s1 =	sshrl.u32 s1, $0x3  }
0xf4: {  	s1 =	sadd.s32 s5, s1  }
0xf5: {  	[hbm4b:s1+s3] =	stream.linear.scatter [tilespmem:s22], [sflag:$0x5], $0x180, $0x38;
	[tilespmem:$0x1C700] =	vst v63  }
0xf6: {  	s18 =	sor.u32 $0x1, s18;
	_ =	swait.ge [sflag:s24], $0xE000  }
0xf7: {  	p2 =	sgt.u32 s18, $0xF4;
	[sflag:s24] =	ssyncset.done $0x0  }
0xf8: {  	s1 =	simm.s32 @!p2 $0x3;
	[sflag:s24] =	ssyncadd.s32 $0xFFFF2000  }
0xf9: {  	_ =	swait.ge @!p2 [sflag:s1], $0x1C0  }
0xfa: {  	s30 =	simm.s32 @!p2 $0x0;
	[sflag:s1] =	ssyncset.done @!p2 $0x0  }
0xfb: {  	s31 =	simm.s32 @!p2 $0x400;
	[sflag:s1] =	ssyncadd.s32 @!p2 $0xFFFFFE40;
	s1 =	simm.s32 @!p2 $0x40  }
0xfc: {  	[tilespmem:s31], [sflag:$0x1] =	stream.indirect.gather @!p2 [hbm4b:s2+s1], $0x80, s30, s1, $0xb8;
	[tilespmem:$0x1C700] =	vst v63  }
0xfd: {  	s30 =	simm.s32 @!p2 $0x2400  }
0xfe: {  	[tilespmem:s30], [sflag:$0x1] =	stream.indirect.gather @!p2 [hbm4b:s2+s1], $0x80, s1, s1, $0xb8;
	[tilespmem:$0x1C700] =	vst v63  }
0xff: {  	s31 =	simm.s32 @!p2 $0x4400;
	s30 =	simm.s32 @!p2 $0x80  }
0x100: {  	[tilespmem:s31], [sflag:$0x1] =	stream.indirect.gather @!p2 [hbm4b:s2+s1], $0x80, s30, s1, $0xb8;
	[tilespmem:$0x1C700] =	vst v63  }
0x101: {  	s30 =	simm.s32 @!p2 $0xC0;
	s31 =	simm.s32 @!p2 $0x6400  }
0x102: {  	[tilespmem:s31], [sflag:$0x1] =	stream.indirect.gather @!p2 [hbm4b:s2+s1], $0x80, s30, s1, $0xb8;
	[tilespmem:$0x1C700] =	vst v63  }
0x103: {  	s30 =	simm.s32 @!p2 $0x100;
	s31 =	simm.s32 @!p2 $0x8400  }
0x104: {  	[tilespmem:s31], [sflag:$0x1] =	stream.indirect.gather @!p2 [hbm4b:s2+s1], $0x80, s30, s1, $0xb8;
	[tilespmem:$0x1C700] =	vst v63  }
0x105: {  	s30 =	simm.s32 @!p2 $0x140;
	s31 =	simm.s32 @!p2 $0xA400  }
0x106: {  	[tilespmem:s31], [sflag:$0x1] =	stream.indirect.gather @!p2 [hbm4b:s2+s1], $0x80, s30, s1, $0xb8;
	[tilespmem:$0x1C700] =	vst v63  }
0x107: {  	s30 =	simm.s32 @!p2 $0x180;
	s31 =	simm.s32 @!p2 $0xC400  }
0x108: {  	[tilespmem:s31], [sflag:$0x1] =	stream.indirect.gather @!p2 [hbm4b:s2+s1], $0x80, s30, s1, $0xb8;
	[tilespmem:$0x1C700] =	vst v63  }
0x109: {  	s1 =	sadd.s32 @!p0 s19, s10  }
0x10a: {  	s1 =	sshrl.u32 @!p0 s1, $0x3  }
0x10b: {  	s19 =	simm.s32 @!p0 $0x0;
	s30 =	simm.s32 @!p0 $0x200;
	s1 =	sadd.s32 @!p0 s4, s1  }
0x10c: {  	[tilespmem:s30], [sflag:$0x4] =	stream.linear.gather @!p0 [hbm4b:s1+s19], $0x1C0, $0x38;
	[tilespmem:$0x1C700] =	vst v63  }
0x10d: {  	s1 =	simm.s32 @!p1 $0x5  }
0x10e: {  	_ =	swait.ge @!p1 [sflag:s1], $0x180  }
0x10f: {  	[sflag:s1] =	ssyncset.done @!p1 $0x0  }
0x110: {  	s19 =	simm.s32 $0x0;
	s30 =	simm.s32 $0x14480;
	[sflag:s1] =	ssyncadd.s32 @!p1 $0xFFFFFE80  }
.LBB2_8:
0x111: {  	v6 =	vld [tilespmem:s30+$0xFFFF9F80]  }
0x112: {  	v7 =	vld [tilespmem:s30+$0xFFFF9F90]  }
0x113: {  	v8 =	vld [tilespmem:s30+$0xFFFF9FA0]  }
0x114: {  	v9 =	vld [tilespmem:s30+$0xFFFF9FB0]  }
0x115: {  	v10 =	vld [tilespmem:s30+$0xFFFF9FC0]  }
0x116: {  	v11 =	vld [tilespmem:s30+$0xFFFF9FD0]  }
0x117: {  	v5 =	vld [tilespmem:s30+$0xFFFF9FE0]  }
0x118: {  	v4 =	vld [tilespmem:s30+$0xFFFF9FF0]  }
0x119: {  	v12 =	vld [tilespmem:s30+$0xFFFFBF80]  }
0x11a: {  	v13 =	vld [tilespmem:s30+$0xFFFFDF80]  }
0x11b: {  	v14 =	vld [tilespmem:s30+$0xFFFFFF80]  }
0x11c: {  	v15 =	vld [tilespmem:s30+$0x1F80]  }
0x11d: {  	v16 =	vld [tilespmem:s30+$0x3F80]  }
0x11e: {  	v17 =	vld [tilespmem:s30+$0x5F80]  }
0x11f: {  	v18 =	vld [tilespmem:s30+$0xFFFFBF90]  }
0x120: {  	v19 =	vld [tilespmem:s30+$0xFFFFDF90]  }
0x121: {  	v20 =	vld [tilespmem:s30+$0xFFFFFF90]  }
0x122: {  	v21 =	vld [tilespmem:s30+$0x1F90]  }
0x123: {  	v22 =	vld [tilespmem:s30+$0x3F90]  }
0x124: {  	v23 =	vld [tilespmem:s30+$0x5F90]  }
0x125: {  	v24 =	vld [tilespmem:s30+$0xFFFFBFA0]  }
0x126: {  	v25 =	vld [tilespmem:s30+$0xFFFFDFA0]  }
0x127: {  	v26 =	vld [tilespmem:s30+$0xFFFFFFA0]  }
0x128: {  	v27 =	vld [tilespmem:s30+$0x1FA0]  }
0x129: {  	v28 =	vld [tilespmem:s30+$0x3FA0]  }
0x12a: {  	v29 =	vld [tilespmem:s30+$0x5FA0]  }
0x12b: {  	v30 =	vld [tilespmem:s30+$0xFFFFBFB0]  }
0x12c: {  	v31 =	vld [tilespmem:s30+$0xFFFFDFB0]  }
0x12d: {  	v32 =	vld [tilespmem:s30+$0xFFFFFFB0]  }
0x12e: {  	v33 =	vld [tilespmem:s30+$0x1FB0];
	v12 =	vmul.f32 v12, v6;
	v13 =	vmul.f32 v13, v6  }
0x12f: {  	v34 =	vld [tilespmem:s30+$0x3FB0];
	v14 =	vmul.f32 v14, v6;
	v15 =	vmul.f32 v15, v6  }
0x130: {  	v48 =	vld [tilespmem:s30+$0x5FB0];
	v18 =	vmul.f32 v18, v7;
	v16 =	vmul.f32 v16, v6  }
0x131: {  	v51 =	vld [tilespmem:s30+$0xFFFFBFC0];
	v19 =	vmul.f32 v19, v7;
	v6 =	vmul.f32 v17, v6  }
0x132: {  	v53 =	vld [tilespmem:s30+$0xFFFFDFC0];
	v47 =	vmul.f32 v20, v7;
	v49 =	vmul.f32 v21, v7  }
0x133: {  	v55 =	vld [tilespmem:s30+$0xFFFFFFC0];
	v50 =	vmul.f32 v22, v7;
	v7 =	vmul.f32 v23, v7  }
0x134: {  	v58 =	vld [tilespmem:s30+$0x1FC0];
	v52 =	vmul.f32 v24, v8;
	v54 =	vmul.f32 v25, v8  }
0x135: {  	v61 =	vld [tilespmem:s30+$0x3FC0];
	v57 =	vmul.f32 v26, v8;
	v59 =	vmul.f32 v27, v8  }
0x136: {  	v63 =	vld [tilespmem:s30+$0x5FC0];
	v60 =	vmul.f32 v28, v8;
	v8 =	vmul.f32 v29, v8  }
0x137: {  	v36 =	vld [tilespmem:s30+$0xFFFFFFD0];
	v62 =	vmul.f32 v30, v9;
	v29 =	vmul.f32 v31, v9  }
0x138: {  	v38 =	vld [tilespmem:s30+$0xFFFFBFE0];
	v31 =	vmul.f32 v32, v9;
	v33 =	vmul.f32 v33, v9  }
0x139: {  	v44 =	vld [tilespmem:s30+$0xFFFFDFF0];
	v35 =	vmul.f32 v34, v9;
	v9 =	vmul.f32 v48, v9  }
0x13a: {  	v46 =	vld [tilespmem:s30+$0x1FD0];
	v37 =	vmul.f32 v51, v10;
	v39 =	vmul.f32 v53, v10  }
0x13b: {  	v40 =	vld [tilespmem:s30+$0xFFFFDFE0];
	v41 =	vmul.f32 v55, v10;
	v17 =	vmul.f32 v58, v10  }
0x13c: {  	v45 =	vmul.f32 v61, v10;
	v10 =	vmul.f32 v63, v10  }
0x13d: {  	v30 =	vld [tilespmem:s30+$0xFFFFBFD0];
	v51 =	vmul.f32 v36, v11;
	v12 =	vadd.f32 v18, v12;
	v13 =	vadd.f32 v19, v13  }
0x13e: {  	v32 =	vld [tilespmem:s30+$0xFFFFDFD0];
	v20 =	vmul.f32 v44, v4;
	v14 =	vadd.f32 v47, v14;
	v15 =	vadd.f32 v49, v15  }
0x13f: {  	v53 =	vmul.f32 v46, v11;
	v61 =	vld [tilespmem:s30+$0x3FF0];
	v16 =	vadd.f32 v50, v16;
	v6 =	vadd.f32 v7, v6  }
0x140: {  	s31 =	sadd.s32 $0x80, s19;
	v18 =	vmul.f32 v38, v5;
	v49 =	vmul.f32 v40, v5;
	v56 =	vadd.f32 v52, v12  }
0x141: {  	v42 =	vld [tilespmem:s30+$0xFFFFBFF0];
	v40 =	vmov s31;
	s31 =	sadd.s32 $0xC0, s19;
	v13 =	vadd.f32 v54, v13;
	v12 =	vadd.f32 v57, v14  }
0x142: {  	v55 =	vld [tilespmem:s30+$0x3FE0];
	v44 =	vmov s31;
	v15 =	vadd.f32 v59, v15;
	v16 =	vadd.f32 v60, v16  }
0x143: {  	v48 =	vld [tilespmem:s30+$0x5FD0];
	v6 =	vadd.f32 v8, v6;
	v43 =	vmul.f32 v30, v11;
	v14 =	vmul.f32 v32, v11  }
0x144: {  	v50 =	vld [tilespmem:s30+$0xFFFFFFE0];
	v25 =	vmul.f32 v61, v4;
	v7 =	vadd.f32 v62, v56;
	v13 =	vadd.f32 v29, v13  }
0x145: {  	v47 =	vld [tilespmem:s30+$0x3FD0];
	v30 =	vmov s19;
	v8 =	vadd.f32 v31, v12;
	v15 =	vadd.f32 v33, v15  }
0x146: {  	v52 =	vld [tilespmem:s30+$0x1FE0];
	v16 =	vadd.f32 v35, v16;
	v6 =	vadd.f32 v9, v6;
	v12 =	vmul.f32 v42, v4  }
0x147: {  	s1 =	sadd.s32 $0x40, s19;
	v59 =	vld [tilespmem:s30+$0x1FF0];
	v62 =	vmul.f32 v55, v5;
	v7 =	vadd.f32 v37, v7;
	v13 =	vadd.f32 v39, v13  }
0x148: {  	v35 =	vmov s1;
	v8 =	vadd.f32 v41, v8;
	v15 =	vadd.f32 v17, v15  }
0x149: {  	v58 =	vmul.f32 v50, v5;
	v9 =	vadd.f32 v45, v16;
	v6 =	vadd.f32 v10, v6  }
0x14a: {  	s31 =	sadd.s32 $0x100, s19;
	v56 =	vld [tilespmem:s30+$0x5FE0];
	v17 =	vmul.f32 v47, v11;
	v11 =	vmul.f32 v48, v11;
	v45 =	vand.u32 $0xFFFFFFFE, v44  }
0x14b: {  	v47 =	vmov s31;
	v60 =	vmul.f32 v52, v5;
	v7 =	vadd.f32 v43, v7  }
0x14c: {  	v63 =	vld [tilespmem:s30+$0x5FF0];
	v22 =	vmul.f32 v59, v4;
	v13 =	vadd.f32 v14, v13;
	v8 =	vadd.f32 v51, v8  }
0x14d: {  	v54 =	vld [tilespmem:s30+$0xFFFFFFF0];
	v16 =	vand.u32 $0xFFFFFFFE, v47;
	v10 =	vadd.f32 v53, v15;
	v9 =	vadd.f32 v17, v9  }
0x14e: {  	v6 =	vadd.f32 v11, v6;
	v50 =	vbroadcast v16, $0x0;
	v7 =	vadd.f32 v18, v7  }
0x14f: {  	s31 =	sadd.s32 $0x140, s19;
	v5 =	vmul.f32 v56, v5;
	v13 =	vadd.f32 v49, v13;
	v8 =	vadd.f32 v58, v8  }
0x150: {  	v10 =	vadd.f32 v60, v10;
	v9 =	vadd.f32 v62, v9;
	v49 =	vmov s31  }
0x151: {  	v5 =	vadd.f32 v5, v6;
	v51 =	vand.u32 $0xFFFFFFFE, v49;
	v7 =	vadd.f32 v12, v7  }
0x152: {  	v13 =	vadd.f32 v20, v13;
	v12 =	vmul.f32 v54, v4;
	v4 =	vmul.f32 v63, v4  }
0x153: {  	v10 =	vadd.f32 v22, v10;
	v9 =	vadd.f32 v25, v9;
	v57 =	vperm.xlane v7, v0  }
0x154: {  	v20 =	vperm.xlane v13, v0;
	v8 =	vadd.f32 v12, v8;
	v4 =	vadd.f32 v4, v5  }
0x155: {  	v31 =	vperm.xlane v10, v0;
	v12 =	vand.u32 $0xFFFFFFFE, v30;
	v34 =	vperm.xlane v9, v0  }
0x156: {  	v32 =	vbroadcast v12, $0x0;
	v7 =	vadd.f32 v57, v7;
	v13 =	vadd.f32 v20, v13  }
0x157: {  	v24 =	vperm.xlane v8, v0;
	v10 =	vadd.f32 v31, v10;
	v37 =	vperm.xlane v4, v0  }
0x158: {  	v9 =	vadd.f32 v34, v9;
	v20 =	vperm.xlane v7, v1;
	v21 =	vperm.xlane v13, v1  }
0x159: {  	v8 =	vadd.f32 v24, v8;
	v36 =	vperm.xlane v10, v1;
	v4 =	vadd.f32 v37, v4  }
0x15a: {  	v41 =	vperm.xlane v9, v1;
	v7 =	vadd.f32 v20, v7;
	v23 =	vadd.f32 v21, v13  }
0x15b: {  	v28 =	vperm.xlane v8, v1;
	v13 =	vand.u32 $0xFFFFFFFE, v35;
	v10 =	vadd.f32 v36, v10  }
0x15c: {  	v43 =	vperm.xlane v4, v1;
	v9 =	vadd.f32 v41, v9;
	v27 =	vperm.xlane v23, v2  }
0x15d: {  	v38 =	vbroadcast v13, $0x0;
	v26 =	vperm.xlane v7, v2;
	v6 =	vadd.f32 v28, v8  }
0x15e: {  	v13 =	vand.u32 $0xFFFFFFFE, v40;
	v42 =	vperm.xlane v10, v2;
	v5 =	vadd.f32 v27, v23  }
0x15f: {  	v13 =	vbroadcast v13, $0x0;
	v7 =	vadd.f32 v26, v7;
	v33 =	vperm.xlane v6, v2  }
0x160: {  	v4 =	vadd.f32 v43, v4;
	v46 =	vperm.xlane v9, v2;
	v14 =	vperm.xlane v5, v3  }
0x161: {  	v10 =	vadd.f32 v42, v10;
	v29 =	vperm.xlane v7, v3;
	v6 =	vadd.f32 v33, v6  }
0x162: {  	v48 =	vperm.xlane v4, v2;
	v5 =	vadd.f32 v14, v5;
	v14 =	vbroadcast v45, $0x0  }
0x163: {  	v9 =	vadd.f32 v46, v9;
	v7 =	vadd.f32 v29, v7;
	v39 =	vperm.xlane v6, v3  }
0x164: {  	v16 =	vbroadcast v51, $0x0;
	v52 =	vperm.xlane v10, v3;
	v4 =	vadd.f32 v48, v4  }
0x165: {  	v53 =	vperm.xlane v9, v3;
	[tilespmem:v32+s25+$0x0] =	vst.idx.msk $0x1, v7;
	v6 =	vadd.f32 v39, v6  }
0x166: {  	v54 =	vperm.xlane v4, v3;
	[tilespmem:v38+s25+$0x0] =	vst.idx.msk $0x1, v5;
	v5 =	vadd.f32 v52, v10  }
0x167: {  	v55 =	vadd.f32 v53, v9;
	[tilespmem:v13+s25+$0x0] =	vst.idx.msk $0x1, v6  }
0x168: {  	v4 =	vadd.f32 v54, v4;
	[tilespmem:v14+s25+$0x0] =	vst.idx.msk $0x1, v5  }
0x169: {  	[tilespmem:v50+s25+$0x0] =	vst.idx.msk $0x1, v55  }
0x16a: {  	[tilespmem:v16+s25+$0x0] =	vst.idx.msk $0x1, v4  }
0x16b: {  	v6 =	vld [tilespmem:s30+$0xFFFFA000]  }
0x16c: {  	v56 =	vld [tilespmem:s30+$0xFFFFA010]  }
0x16d: {  	v8 =	vld [tilespmem:s30+$0xFFFFA020]  }
0x16e: {  	v9 =	vld [tilespmem:s30+$0xFFFFA030]  }
0x16f: {  	v10 =	vld [tilespmem:s30+$0xFFFFA040]  }
0x170: {  	v11 =	vld [tilespmem:s30+$0xFFFFA050]  }
0x171: {  	v5 =	vld [tilespmem:s30+$0xFFFFA060]  }
0x172: {  	v4 =	vld [tilespmem:s30+$0xFFFFA070]  }
0x173: {  	v57 =	vld [tilespmem:s30+$0xFFFFC000]  }
0x174: {  	v13 =	vld [tilespmem:s30+$0xFFFFE000]  }
0x175: {  	v14 =	vld [tilespmem:s30+$0x0]  }
0x176: {  	v15 =	vld [tilespmem:s30+$0x2000]  }
0x177: {  	v16 =	vld [tilespmem:s30+$0x4000]  }
0x178: {  	v58 =	vld [tilespmem:s30+$0x6000]  }
0x179: {  	v59 =	vld [tilespmem:s30+$0xFFFFC010]  }
0x17a: {  	v60 =	vld [tilespmem:s30+$0xFFFFE010]  }
0x17b: {  	v61 =	vld [tilespmem:s30+$0x10]  }
0x17c: {  	v62 =	vld [tilespmem:s30+$0x2010]  }
0x17d: {  	v63 =	vld [tilespmem:s30+$0x4010]  }
0x17e: {  	v36 =	vld [tilespmem:s30+$0x6010]  }
0x17f: {  	v37 =	vld [tilespmem:s30+$0xFFFFC020]  }
0x180: {  	v38 =	vld [tilespmem:s30+$0xFFFFE020]  }
0x181: {  	v39 =	vld [tilespmem:s30+$0x20]  }
0x182: {  	v40 =	vld [tilespmem:s30+$0x2020]  }
0x183: {  	v41 =	vld [tilespmem:s30+$0x4020]  }
0x184: {  	v42 =	vld [tilespmem:s30+$0x6020]  }
0x185: {  	v43 =	vld [tilespmem:s30+$0xFFFFC030]  }
0x186: {  	v44 =	vld [tilespmem:s30+$0xFFFFE030]  }
0x187: {  	v45 =	vld [tilespmem:s30+$0x30]  }
0x188: {  	v46 =	vld [tilespmem:s30+$0x2030];
	v12 =	vmul.f32 v57, v6  }
0x189: {  	v47 =	vld [tilespmem:s30+$0x4030];
	v13 =	vmul.f32 v13, v6;
	v14 =	vmul.f32 v14, v6  }
0x18a: {  	v49 =	vld [tilespmem:s30+$0x6030];
	v15 =	vmul.f32 v15, v6;
	v16 =	vmul.f32 v16, v6  }
0x18b: {  	v52 =	vld [tilespmem:s30+$0xFFFFC040];
	v18 =	vmul.f32 v59, v56;
	v6 =	vmul.f32 v58, v6  }
0x18c: {  	v54 =	vld [tilespmem:s30+$0xFFFFE040];
	v48 =	vmul.f32 v60, v56;
	v50 =	vmul.f32 v61, v56  }
0x18d: {  	v35 =	vld [tilespmem:s30+$0xFFFFC050];
	v51 =	vmul.f32 v62, v56;
	v53 =	vmul.f32 v63, v56  }
0x18e: {  	v25 =	vld [tilespmem:s30+$0x70];
	v7 =	vmul.f32 v36, v56;
	v55 =	vmul.f32 v37, v8  }
0x18f: {  	v27 =	vld [tilespmem:s30+$0x2070];
	v57 =	vmul.f32 v38, v8;
	v59 =	vmul.f32 v39, v8  }
0x190: {  	v56 =	vld [tilespmem:s30+$0x40];
	v60 =	vmul.f32 v40, v8;
	v62 =	vmul.f32 v41, v8  }
0x191: {  	v58 =	vld [tilespmem:s30+$0x2040];
	v8 =	vmul.f32 v42, v8;
	v30 =	vmul.f32 v43, v9  }
0x192: {  	v61 =	vld [tilespmem:s30+$0x4040];
	v36 =	vmul.f32 v44, v9;
	v38 =	vmul.f32 v45, v9  }
0x193: {  	v63 =	vld [tilespmem:s30+$0x6040];
	v39 =	vmul.f32 v46, v9;
	v41 =	vmul.f32 v47, v9  }
0x194: {  	v37 =	vld [tilespmem:s30+$0xFFFFE050];
	v9 =	vmul.f32 v49, v9;
	v43 =	vmul.f32 v52, v10;
	v12 =	vadd.f32 v18, v12  }
0x195: {  	v40 =	vld [tilespmem:s30+$0x50];
	v45 =	vmul.f32 v54, v10;
	v13 =	vadd.f32 v48, v13;
	v14 =	vadd.f32 v50, v14  }
0x196: {  	v44 =	vld [tilespmem:s30+$0xFFFFC060];
	v33 =	vmul.f32 v25, v4;
	v15 =	vadd.f32 v51, v15;
	v16 =	vadd.f32 v53, v16  }
0x197: {  	v42 =	vld [tilespmem:s30+$0x2050];
	v6 =	vadd.f32 v7, v6;
	v50 =	vmul.f32 v35, v11;
	v12 =	vadd.f32 v55, v12  }
0x198: {  	v46 =	vld [tilespmem:s30+$0x4050];
	v35 =	vmul.f32 v27, v4;
	v7 =	vadd.f32 v57, v13;
	v14 =	vadd.f32 v59, v14  }
0x199: {  	v52 =	vld [tilespmem:s30+$0x6050];
	v15 =	vadd.f32 v60, v15;
	v47 =	vmul.f32 v56, v10;
	v17 =	vmul.f32 v58, v10  }
0x19a: {  	v48 =	vld [tilespmem:s30+$0xFFFFC070];
	v13 =	vadd.f32 v62, v16;
	v49 =	vmul.f32 v61, v10;
	v10 =	vmul.f32 v63, v10  }
0x19b: {  	v51 =	vld [tilespmem:s30+$0xFFFFE060];
	v6 =	vadd.f32 v8, v6;
	v54 =	vmul.f32 v44, v5;
	v56 =	vmul.f32 v37, v11  }
0x19c: {  	v55 =	vld [tilespmem:s30+$0xFFFFE070];
	v57 =	vmul.f32 v40, v11;
	v12 =	vadd.f32 v30, v12;
	v7 =	vadd.f32 v36, v7  }
0x19d: {  	v59 =	vld [tilespmem:s30+$0x2060];
	v19 =	vmul.f32 v42, v11;
	v14 =	vadd.f32 v38, v14;
	v15 =	vadd.f32 v39, v15  }
0x19e: {  	v62 =	vld [tilespmem:s30+$0x4060];
	v8 =	vadd.f32 v41, v13;
	v6 =	vadd.f32 v9, v6;
	v13 =	vmul.f32 v46, v11  }
0x19f: {  	v11 =	vmul.f32 v52, v11;
	v12 =	vadd.f32 v43, v12;
	v7 =	vadd.f32 v45, v7  }
0x1a0: {  	v58 =	vld [tilespmem:s30+$0x60];
	v20 =	vmul.f32 v48, v4;
	v14 =	vadd.f32 v47, v14;
	v15 =	vadd.f32 v17, v15  }
0x1a1: {  	s31 =	sadd.s32 $0x1, s19;
	v63 =	vld [tilespmem:s30+$0x6060];
	v61 =	vmul.f32 v51, v5;
	v8 =	vadd.f32 v49, v8;
	v6 =	vadd.f32 v10, v6  }
0x1a2: {  	v29 =	vld [tilespmem:s30+$0x4070];
	v49 =	vmov s31;
	v24 =	vmul.f32 v55, v4;
	v53 =	vadd.f32 v50, v12  }
0x1a3: {  	s31 =	sadd.s32 $0x41, s19;
	v28 =	vmul.f32 v59, v5;
	v30 =	vmul.f32 v62, v5;
	v7 =	vadd.f32 v56, v7  }
0x1a4: {  	v31 =	vld [tilespmem:s30+$0x6070];
	v51 =	vmov s31;
	v60 =	vadd.f32 v57, v14;
	v9 =	vadd.f32 v54, v53  }
0x1a5: {  	v15 =	vadd.f32 v19, v15;
	v8 =	vadd.f32 v13, v8;
	v26 =	vmul.f32 v58, v5  }
0x1a6: {  	v6 =	vadd.f32 v11, v6;
	v5 =	vmul.f32 v63, v5;
	v9 =	vadd.f32 v20, v9  }
0x1a7: {  	v12 =	vmul.f32 v29, v4;
	v7 =	vadd.f32 v61, v7;
	v10 =	vadd.f32 v26, v60  }
0x1a8: {  	v11 =	vadd.f32 v28, v15;
	v8 =	vadd.f32 v30, v8;
	v20 =	vperm.xlane v9, v0  }
0x1a9: {  	s31 =	sadd.s32 $0x81, s19;
	v4 =	vmul.f32 v31, v4;
	v5 =	vadd.f32 v5, v6;
	v7 =	vadd.f32 v24, v7  }
0x1aa: {  	v53 =	vmov s31;
	s31 =	sadd.s32 $0xC1, s19;
	v10 =	vadd.f32 v33, v10;
	v9 =	vadd.f32 v20, v9  }
0x1ab: {  	v56 =	vmov s31;
	v6 =	vadd.f32 v35, v11;
	v32 =	vperm.xlane v7, v0  }
0x1ac: {  	v8 =	vadd.f32 v12, v8;
	v13 =	vperm.xlane v10, v0;
	v34 =	vperm.xlane v9, v1  }
0x1ad: {  	v4 =	vadd.f32 v4, v5;
	v38 =	vperm.xlane v6, v0;
	v7 =	vadd.f32 v32, v7  }
0x1ae: {  	v39 =	vperm.xlane v8, v0;
	v10 =	vadd.f32 v13, v10;
	v9 =	vadd.f32 v34, v9  }
0x1af: {  	v41 =	vperm.xlane v4, v0;
	v6 =	vadd.f32 v38, v6;
	v36 =	vperm.xlane v7, v1  }
0x1b0: {  	v8 =	vadd.f32 v39, v8;
	v43 =	vperm.xlane v10, v1;
	v37 =	vperm.xlane v9, v2  }
0x1b1: {  	v4 =	vadd.f32 v41, v4;
	v44 =	vperm.xlane v6, v1;
	v5 =	vadd.f32 v36, v7  }
0x1b2: {  	v47 =	vperm.xlane v8, v1;
	v46 =	vadd.f32 v43, v10;
	v9 =	vadd.f32 v37, v9  }
0x1b3: {  	v48 =	vperm.xlane v4, v1;
	v6 =	vadd.f32 v44, v6;
	v40 =	vperm.xlane v5, v2  }
0x1b4: {  	v8 =	vadd.f32 v47, v8;
	v14 =	vperm.xlane v46, v2;
	v42 =	vperm.xlane v9, v3  }
0x1b5: {  	v4 =	vadd.f32 v48, v4;
	v50 =	vperm.xlane v6, v2;
	v5 =	vadd.f32 v40, v5  }
0x1b6: {  	v52 =	vperm.xlane v8, v2;
	v45 =	vadd.f32 v42, v9;
	v9 =	vadd.f32 v14, v46  }
0x1b7: {  	s31 =	sadd.s32 $0x101, s19;
	v54 =	vperm.xlane v4, v2;
	v6 =	vadd.f32 v50, v6;
	v12 =	vperm.xlane v5, v3  }
0x1b8: {  	v58 =	vmov s31;
	v8 =	vadd.f32 v52, v8;
	v55 =	vperm.xlane v9, v3  }
0x1b9: {  	s31 =	sadd.s32 $0x141, s19;
	v4 =	vadd.f32 v54, v4;
	v57 =	vperm.xlane v6, v3;
	v5 =	vadd.f32 v12, v5  }
0x1ba: {  	p0 =	slt.u32 s19, $0x3E;
	v61 =	vmov s31;
	v60 =	vperm.xlane v8, v3;
	[tilespmem:v49+s25+$0x0] =	vst.idx.msk $0x1, v45;
	v59 =	vadd.f32 v55, v9  }
.Ltmp3:
0x1bb: {  	v62 =	vperm.xlane v4, v3;
	[tilespmem:v51+s25+$0x0] =	vst.idx.msk $0x1, v5;
	v5 =	vadd.f32 v57, v6;
	(pc) =	sbr.rel @p0 .LBB2_8-.Ltmp3, $4  }
0x1bc: {  	v63 =	vadd.f32 v60, v8;
	[tilespmem:v53+s25+$0x0] =	vst.idx.msk $0x1, v59  }
0x1bd: {  	v4 =	vadd.f32 v62, v4;
	[tilespmem:v56+s25+$0x0] =	vst.idx.msk $0x1, v5  }
0x1be: {  	[tilespmem:v58+s25+$0x0] =	vst.idx.msk $0x1, v63  }
0x1bf: {  	s30 =	sadd.s32 $0x100, s30;
	s19 =	sadd.s32 $0x2, s19;
	[tilespmem:v61+s25+$0x0] =	vst.idx.msk $0x1, v4  }
0x1c0: {  	s6 =	sadd.s32 $0x1, s6  }
0x1c1: {  	s1 =	smul.u32 $0x180, s18;
	p0 =	sne.s32 s6, $0x7B  }
.Ltmp4:
0x1c2: {  	_ = 	snop;
	(pc) =	sbr.rel @p0 .LBB2_2-.Ltmp4, $4  }
0x1c3: {  	s1 =	sadd.s32 s7, s1  }
0x1c4: {  	s1 =	sshrl.u32 s1, $0x3  }
0x1c5: {  	s1 =	sadd.s32 s5, s1  }
0x1c6: {  	[hbm4b:s1+s3] =	stream.linear.scatter [tilespmem:s25], [sflag:$0x5], $0x180, $0x38;
	[tilespmem:$0x1C700] =	vst v63  }
0x1c7: {  	_ =	swait.ge [sflag:s8], $0x180  }
0x1c8: {  	[sflag:s8] =	ssyncset.done $0x0  }
0x1c9: {  	[sflag:s8] =	ssyncadd.s32 $0xFFFFFE80  }
0x1ca: {  	_ =	swait.ge [sflag:s8], $0x180  }
0x1cb: {  	s6 =	rddreg [dreg:$0x6]  }
0x1cc: {  	s1 =	rddreg [dreg:$0x5];
	s6 =	sadd.s32 $0x1, s6  }
0x1cd: {  	p0 =	sne.s32 s6, s1  }
.Ltmp5:
0x1ce: {  	_ = 	snop;
	(pc) =	sbr.rel @p0 .LBB2_1-.Ltmp5, $3  }
0x1cf: {  	_ =	sdelay $0x1  }
0x1d0: {  	[sflag:s8] =	ssyncset.done $0x0  }
0x1d1: {  	[sflag:s8] =	ssyncadd.s32 $0xFFFFFE80  }
0x1d2: {  	_ =	sfence.sel $0x180000  }
0x1d3: {  	[bflag:$0x0] =	sbarrier.arrive $0xFFFF  }
0x1d4: {  	_ =	strace $0x90000047  }
0x1d5: {  	s0 =	stileid.u32;
	[bflag:$0x2] =	sbarrier.arrive $0xFFFF  }
0x1d6: {  	p0 =	sne.s32 s0, $0x0;
	s0 =	rddreg [dreg:$0x2]  }
0x1d7: {  	s0 =	sadd.s32 @!p0 $0x100000, s0  }
0x1d8: {  	[sflag:s0] =	ssyncadd.tile.s32 @!p0 $0x1;
	_ =	shalt  }
.Lfunc_end2:
_tile_overlayer_lowered:
.L_overlay_start_2:
0x1d9: {  	(tag) =	ssettag $0x2  }
0x1da: {  	s0 =	rddreg [dreg:$0x0];
	s2 =	stileid.u32  }
0x1db: {  	s1 =	rddreg [dreg:$0x1];
	p0 =	sne.s32 s2, $0x0  }
0x1dc: {  	s3 =	rddreg [dreg:$0x2];
	[bflag:$0x3] =	sbarrier.arrive $0xFFFF;
	s2 =	simm.s32 @!p0 $0x1C06  }
0x1dd: {  	[timem:s3], [sflag:s2] =	dma.local @!p0 [hbm:s0], s1  }
0x1de: {  	s0 =	simm.s32 @!p0 $0x6  }
0x1df: {  	_ =	swait.ge @!p0 [sflag:s0], s1  }
0x1e0: {  	s1 =	ssub.s32 @!p0 $0x0, s1;
	[sflag:s0] =	ssyncset.done @!p0 $0x0  }
0x1e1: {  	[sflag:s0] =	ssyncadd.s32 @!p0 s1  }
0x1e2: {  	[bflag:$0x3] =	sbarrier.arrive $0xFFFF  }
0x1e3: {  	_ =	shalt  }

</sc_bundles>
